<compile_context>
chip_gen: v7x
topology: tpu7x:2x2x1
jax: 0.10.2.dev20260603
libtpu: 0.0.44.dev20260713+nightly
codegen_flags: <defaults>
</compile_context>

<pallas_src>
import functools

import jax
import jax.numpy as jnp
from jax import lax
from jax.experimental import pallas as pl
from jax.experimental.pallas import tpu as pltpu
from jax.experimental.pallas import tpu_sc as plsc

NC = 2
NS = 16
NW = NC * NS
F0 = 0.15
C = 64
ZC = 64


def _sc_degrees(np_, nch, nch0, nch1, idx4, zeros_np, ones16_arr):
    mesh = plsc.VectorSubcoreMesh(core_axis_name="c", subcore_axis_name="s")

    @functools.partial(
        pl.kernel,
        out_type=(
            jax.ShapeDtypeStruct((NW * np_,), jnp.float32),
            jax.ShapeDtypeStruct((NW * np_,), jnp.float32),
        ),
        mesh=mesh,
        scratch_types=[
            pltpu.VMEM((nch, 2, C), jnp.int32),
            pltpu.VMEM((np_,), jnp.float32),
            pltpu.VMEM((np_,), jnp.float32),
            pltpu.VMEM((16,), jnp.float32),
        ],
        compiler_params=pltpu.CompilerParams(needs_layout_passes=False),
    )
    def deg_kernel(idx_hbm, zeros_hbm, ones_hbm, dego_hbm, degi_hbm,
                   idxv, dego_loc, degi_loc, onesv):
        cid = lax.axis_index("c")
        sid = lax.axis_index("s")
        wid = cid * NS + sid
        pltpu.sync_copy(zeros_hbm, dego_loc)
        pltpu.sync_copy(zeros_hbm, degi_loc)
        pltpu.sync_copy(idx_hbm.at[wid], idxv)
        pltpu.sync_copy(ones_hbm, onesv)
        ones16 = onesv[...]
        ncw = jnp.where(cid == 0, nch0, nch1)

        def body(c, carry):
            src_row = idxv.at[c, 0]
            dst_row = idxv.at[c, 1]
            for k in range(C // 16):
                s16 = src_row[pl.ds(k * 16, 16)]
                d16 = dst_row[pl.ds(k * 16, 16)]
                plsc.addupdate_scatter(dego_loc, [s16], ones16)
                plsc.addupdate_scatter(degi_loc, [d16], ones16)
            return carry

        lax.fori_loop(0, ncw, body, 0)
        osl = pl.ds(wid * np_, np_)
        pltpu.sync_copy(dego_loc, dego_hbm.at[osl])
        pltpu.sync_copy(degi_loc, degi_hbm.at[osl])

    dego, degi = deg_kernel(idx4, zeros_np, ones16_arr)
    return dego.reshape(NW, np_), degi.reshape(NW, np_)


def _sc_spmm(np_, nch, nch0, nch1, xs, norm_in, idx4, zeros_np, zeros2):
    d = xs.shape[1]
    rpt = np_ // NS
    nzc = rpt // ZC

    mesh = plsc.VectorSubcoreMesh(core_axis_name="c", subcore_axis_name="s")

    @functools.partial(
        pl.kernel,
        out_type=(
            jax.ShapeDtypeStruct((NC, np_, d), jnp.float32),
            jax.ShapeDtypeStruct((NW * np_,), jnp.float32),
        ),
        mesh=mesh,
        scratch_types=[
            pltpu.VMEM((2, C), jnp.int32),
            pltpu.VMEM((2, C), jnp.int32),
            pltpu.VMEM((2, C), jnp.int32),
            pltpu.VMEM((2, C), jnp.int32),
            pltpu.VMEM((C, d), jnp.float32),
            pltpu.VMEM((C, d), jnp.float32),
            pltpu.VMEM((np_,), jnp.float32),
            pltpu.VMEM((np_,), jnp.float32),
            pltpu.VMEM_SHARED((np_, d), jnp.float32),
            pltpu.SemaphoreType.DMA,
            pltpu.SemaphoreType.DMA,
            pltpu.SemaphoreType.DMA,
            pltpu.SemaphoreType.DMA,
            pltpu.SemaphoreType.DMA,
            pltpu.SemaphoreType.DMA,
            pltpu.SemaphoreType.DMA,
            pltpu.SemaphoreType.DMA,
        ],
        compiler_params=pltpu.CompilerParams(needs_layout_passes=False),
    )
    def spmm_kernel(xs_hbm, nin_hbm, idx_hbm, zeros_np_hbm, zeros2_hbm,
                    agg_hbm, w_hbm, idx0, idx1, idx2, idx3,
                    rows_a, rows_b, nin_loc, w_loc, agg_sh,
                    sga, sgb, ssa, ssb, si0, si1, si2, si3):
        cid = lax.axis_index("c")
        sid = lax.axis_index("s")
        wid = cid * NS + sid
        ncw = jnp.where(cid == 0, nch0, nch1)
        pltpu.sync_copy(zeros2_hbm, rows_a.at[pl.ds(0, ZC)])
        for k in range(nzc):
            pltpu.sync_copy(rows_a.at[pl.ds(0, ZC)],
                            agg_sh.at[pl.ds(sid * rpt + k * ZC, ZC)])
        pltpu.sync_copy(nin_hbm, nin_loc)
        pltpu.sync_copy(zeros_np_hbm, w_loc)
        plsc.subcore_barrier()

        pltpu.async_copy(idx_hbm.at[wid, 0], idx0, si0)
        pltpu.async_copy(idx_hbm.at[wid, 1], idx1, si1)

        def scalar_w(idx):
            for k in range(C // 16):
                s16 = idx[0, pl.ds(k * 16, 16)]
                d16 = idx[1, pl.ds(k * 16, 16)]
                vals = plsc.load_gather(nin_loc, [d16])
                plsc.addupdate_scatter(w_loc, [s16], vals)

        def body(g, carry):
            c0 = 4 * g
            @pl.when(g > 0)
            def _():
                pltpu.make_async_copy(rows_a, agg_sh.at[idx2.at[1]], ssa).wait()
                pltpu.make_async_copy(rows_b, agg_sh.at[idx3.at[1]], ssb).wait()

            pltpu.async_copy(idx_hbm.at[wid, c0 + 2], idx2, si2)
            pltpu.async_copy(idx_hbm.at[wid, c0 + 3], idx3, si3)

            pltpu.make_async_copy(idx_hbm.at[wid, c0], idx0, si0).wait()
            g0 = pltpu.async_copy(xs_hbm.at[idx0.at[0]], rows_a, sga)
            pltpu.make_async_copy(idx_hbm.at[wid, c0 + 1], idx1, si1).wait()
            g1 = pltpu.async_copy(xs_hbm.at[idx1.at[0]], rows_b, sgb)

            g0.wait()
            s0 = pltpu.async_copy(rows_a, agg_sh.at[idx0.at[1]], ssa, add=True)
            scalar_w(idx0)
            g1.wait()
            s1 = pltpu.async_copy(rows_b, agg_sh.at[idx1.at[1]], ssb, add=True)
            scalar_w(idx1)

            nx0 = jnp.minimum(c0 + 4, ncw - 2)
            nx1 = jnp.minimum(c0 + 5, ncw - 1)
            s0.wait()
            pltpu.async_copy(idx_hbm.at[wid, nx0], idx0, si0)
            pltpu.make_async_copy(idx_hbm.at[wid, c0 + 2], idx2, si2).wait()
            g2 = pltpu.async_copy(xs_hbm.at[idx2.at[0]], rows_a, sga)
            s1.wait()
            pltpu.async_copy(idx_hbm.at[wid, nx1], idx1, si1)
            pltpu.make_async_copy(idx_hbm.at[wid, c0 + 3], idx3, si3).wait()
            g3 = pltpu.async_copy(xs_hbm.at[idx3.at[0]], rows_b, sgb)

            g2.wait()
            pltpu.async_copy(rows_a, agg_sh.at[idx2.at[1]], ssa, add=True)
            scalar_w(idx2)
            g3.wait()
            pltpu.async_copy(rows_b, agg_sh.at[idx3.at[1]], ssb, add=True)
            scalar_w(idx3)
            return carry

        lax.fori_loop(0, ncw // 4, body, 0)
        pltpu.make_async_copy(rows_a, agg_sh.at[idx2.at[1]], ssa).wait()
        pltpu.make_async_copy(rows_b, agg_sh.at[idx3.at[1]], ssb).wait()
        pltpu.make_async_copy(idx_hbm.at[wid, ncw - 2], idx0, si0).wait()
        pltpu.make_async_copy(idx_hbm.at[wid, ncw - 1], idx1, si1).wait()
        plsc.subcore_barrier()
        for k in range(nzc):
            csl = pl.ds(sid * rpt + k * ZC, ZC)
            pltpu.sync_copy(agg_sh.at[csl], rows_a.at[pl.ds(0, ZC)])
            pltpu.sync_copy(rows_a.at[pl.ds(0, ZC)], agg_hbm.at[cid, csl])
        pltpu.sync_copy(w_loc, w_hbm.at[pl.ds(wid * np_, np_)])

    agg_p, w_p = spmm_kernel(xs, norm_in, idx4, zeros_np, zeros2)
    return agg_p, w_p.reshape(NW, np_)


def _tc_norms(dop_t, dip_t, x_pad):
    np_, d = x_pad.shape

    def body(dop_ref, dip_ref, x_ref, xs_ref, no_ref, ni_ref):
        dego = jnp.sum(dop_ref[...], axis=1, keepdims=True)
        degi = jnp.sum(dip_ref[...], axis=1, keepdims=True)
        no = lax.rsqrt(jnp.maximum(dego, 1.0))
        ni = lax.rsqrt(jnp.maximum(degi, 1.0))
        no_ref[...] = no
        ni_ref[...] = ni
        xs_ref[...] = x_ref[...] * no

    return pl.pallas_call(
        body,
        out_shape=(
            jax.ShapeDtypeStruct((np_, d), jnp.float32),
            jax.ShapeDtypeStruct((np_, 1), jnp.float32),
            jax.ShapeDtypeStruct((np_, 1), jnp.float32),
        ),
    )(dop_t, dip_t, x_pad)


def _tc_final(n_real, agg0, agg1, w_p, ni, no, W1, b1, W2, b2, Wl, bl):
    np_, d = agg0.shape

    def body(agg0_ref, agg1_ref, wp_ref, ni_ref, no_ref,
             W1_ref, b1_ref, W2_ref, b2_ref, Wl_ref, bl_ref, out_ref):
        t = (agg0_ref[...] + agg1_ref[...]) * ni_ref[...]
        h1 = jnp.dot(t, W1_ref[...], preferred_element_type=jnp.float32)
        h1 = jnp.maximum(h1 + b1_ref[...], 0.0)
        w = jnp.sum(wp_ref[...], axis=1, keepdims=True) * no_ref[...]
        mask = lax.broadcasted_iota(jnp.int32, (np_, 1), 0) < n_real
        w = jnp.where(mask, w, 0.0)
        v = jnp.sum(h1 * w, axis=0, keepdims=True)
        readout = jnp.dot(v, W2_ref[...], preferred_element_type=jnp.float32)
        readout = readout * (1.0 / n_real) + b2_ref[...]
        out = jnp.dot(readout, Wl_ref[...], preferred_element_type=jnp.float32)
        out_ref[...] = out + bl_ref[...]

    return pl.pallas_call(
        body,
        out_shape=jax.ShapeDtypeStruct((1, bl.shape[-1]), jnp.float32),
    )(agg0, agg1, w_p, ni, no, W1, b1, W2, b2, Wl, bl)


def kernel(x, edge_index, W1, b1, W2, b2, Wl, bl):
    n, d = x.shape
    e = edge_index.shape[1]

    np_ = ((n + NS * 128 - 1) // (NS * 128)) * (NS * 128)
    pad_node = np_ - 1

    def _rup4(ne):
        return max(4, 4 * ((ne + 4 * NS * C - 1) // (4 * NS * C)))

    e0 = int(e * F0)
    nch0 = _rup4(e0)
    e0 = min(e, nch0 * C * NS)
    nch1 = _rup4(e - e0)
    nch = max(nch0, nch1)

    src = edge_index[0].astype(jnp.int32)
    dst = edge_index[1].astype(jnp.int32)

    def _layout(v):
        fill = jnp.full(((nch0 + nch1) * C * NS - e,), pad_node, jnp.int32)
        vp = jnp.concatenate([v, fill])
        v0 = vp[:nch0 * C * NS].reshape(NS, nch0, C)
        v1 = vp[nch0 * C * NS:].reshape(NS, nch1, C)
        if nch0 < nch:
            v0 = jnp.concatenate(
                [v0, jnp.full((NS, nch - nch0, C), pad_node, jnp.int32)], 1)
        if nch1 < nch:
            v1 = jnp.concatenate(
                [v1, jnp.full((NS, nch - nch1, C), pad_node, jnp.int32)], 1)
        return jnp.concatenate([v0, v1], 0)

    src3 = _layout(src)
    dst3 = _layout(dst)
    idx4 = jnp.stack([src3, dst3], axis=2)

    x_pad = jnp.zeros((np_, d), jnp.float32).at[:n].set(x)

    zeros_np = jnp.zeros((np_,), jnp.float32)
    zeros2 = jnp.zeros((ZC, d), jnp.float32)

    deg_out_p, deg_in_p = _sc_degrees(np_, nch, nch0, nch1, idx4, zeros_np,
                                      jnp.ones((16,), jnp.float32))

    xs, norm_out, norm_in = _tc_norms(deg_out_p.T, deg_in_p.T, x_pad)

    agg_p, w_p = _sc_spmm(np_, nch, nch0, nch1, xs, norm_in.reshape(np_),
                          idx4, zeros_np, zeros2)

    out = _tc_final(n, agg_p[0], agg_p[1], w_p.T,
                    norm_in, norm_out, W1, b1[None, :], W2, b2[None, :],
                    Wl, bl[None, :])
    return out

# --- scband reference (transcript-rebuilt; emitter-appended) ---
"""Pipeline reference for scband-gnn-72928544686321 (READ-ONLY COPY).

The authoritative reference and input builder live on the scoring server;
editing this copy changes nothing except your own understanding.
"""

import jax, jax.numpy as jnp
import numpy as np

N = 10000
E = 320000
D_IN = 128
D_HID = 128
D_OUT = 64


def setup_inputs(seed: int = 0) -> dict:
    key = jax.random.key(seed)
    ks = jax.random.split(key, 8)
    x = jax.random.normal(ks[0], (N, D_IN), dtype=jnp.float32)
    edge_index = jax.random.randint(ks[1], (2, E), 0, N)
    W1 = jax.random.normal(ks[2], (D_IN, D_HID), dtype=jnp.float32) * (1.0 / np.sqrt(D_IN))
    b1 = jnp.zeros((D_HID,), dtype=jnp.float32)
    W2 = jax.random.normal(ks[3], (D_HID, D_HID), dtype=jnp.float32) * (1.0 / np.sqrt(D_HID))
    b2 = jnp.zeros((D_HID,), dtype=jnp.float32)
    Wl = jax.random.normal(ks[4], (D_HID, D_OUT), dtype=jnp.float32) * (1.0 / np.sqrt(D_HID))
    bl = jnp.zeros((D_OUT,), dtype=jnp.float32)
    return {"x": x, "edge_index": edge_index, "W1": W1, "b1": b1, "W2": W2, "b2": b2, "Wl": Wl, "bl": bl}


def _graph_conv(h, src, dst, norm_out, norm_in, W, b):
    # DGL GraphConv with norm='both': D^{-1/2} A D^{-1/2} H W + b
    h = h * norm_out[:, None]
    h = h @ W
    m = jnp.take(h, src, axis=0)
    agg = jax.ops.segment_sum(m, dst, num_segments=N)
    agg = agg * norm_in[:, None]
    return agg + b


def reference(x, edge_index, W1, b1, W2, b2, Wl, bl):
    src = edge_index[0]
    dst = edge_index[1]
    ones = jnp.ones((E,), dtype=jnp.float32)
    deg_out = jax.ops.segment_sum(ones, src, num_segments=N)
    deg_in = jax.ops.segment_sum(ones, dst, num_segments=N)
    norm_out = 1.0 / jnp.sqrt(jnp.clip(deg_out, 1.0))
    norm_in = 1.0 / jnp.sqrt(jnp.clip(deg_in, 1.0))
    h = _graph_conv(x, src, dst, norm_out, norm_in, W1, b1)
    h = jax.nn.relu(h)
    h = _graph_conv(h, src, dst, norm_out, norm_in, W2, b2)
    # patterns is None path: mean_nodes over the single (batch_size=1) graph
    readout = jnp.mean(h, axis=0, keepdims=True)
    out = readout @ Wl + bl
    return out

if __name__ == "__main__":
    import jax
    _d = setup_inputs()
    print(jax.jit(kernel)(*tuple(_d.values())))

</pallas_src>

<mosaic_0001>
#map = affine_map<(d0, d1) -> (0, 0)>
#map1 = affine_map<(d0, d1) -> (0)>
#map2 = affine_map<(d0, d1) -> (0, 0, 0, 0)>
#map3 = affine_map<(d0, d1) -> (0, 0, 0)>
module attributes {stable_mosaic.version = 14 : i64} {
  func.func @spmm_kernel(%arg0: i32, %arg1: i32, %arg2: memref<10240x128xf32, #tpu.memory_space<hbm>>, %arg3: memref<10240xf32, #tpu.memory_space<hbm>>, %arg4: memref<32x268x2x64xi32, #tpu.memory_space<hbm>>, %arg5: memref<10240xf32, #tpu.memory_space<hbm>>, %arg6: memref<64x128xf32, #tpu.memory_space<hbm>>, %arg7: memref<2x10240x128xf32, #tpu.memory_space<hbm>>, %arg8: memref<327680xf32, #tpu.memory_space<hbm>>, %arg9: memref<2x64xi32, #tpu.memory_space<vmem>>, %arg10: memref<2x64xi32, #tpu.memory_space<vmem>>, %arg11: memref<2x64xi32, #tpu.memory_space<vmem>>, %arg12: memref<2x64xi32, #tpu.memory_space<vmem>>, %arg13: memref<64x128xf32, #tpu.memory_space<vmem>>, %arg14: memref<64x128xf32, #tpu.memory_space<vmem>>, %arg15: memref<10240xf32, #tpu.memory_space<vmem>>, %arg16: memref<10240xf32, #tpu.memory_space<vmem>>, %arg17: memref<10240x128xf32, #tpu.memory_space<vmem_shared>>, %arg18: memref<!tpu.dma_semaphore, #tpu.memory_space<semaphore_mem>>, %arg19: memref<!tpu.dma_semaphore, #tpu.memory_space<semaphore_mem>>, %arg20: memref<!tpu.dma_semaphore, #tpu.memory_space<semaphore_mem>>, %arg21: memref<!tpu.dma_semaphore, #tpu.memory_space<semaphore_mem>>, %arg22: memref<!tpu.dma_semaphore, #tpu.memory_space<semaphore_mem>>, %arg23: memref<!tpu.dma_semaphore, #tpu.memory_space<semaphore_mem>>, %arg24: memref<!tpu.dma_semaphore, #tpu.memory_space<semaphore_mem>>, %arg25: memref<!tpu.dma_semaphore, #tpu.memory_space<semaphore_mem>>) attributes {dimension_semantics = [#tpu.dimension_semantics<core_parallel>, #tpu.dimension_semantics<subcore_parallel>], iteration_bounds = array<i64: 2, 16>, scalar_prefetch = 0 : i64, scratch_operands = 17 : i64, tpu.core_type = #tpu.core_type<sc_vector_subcore>, window_params = [{transform_indices = #map}, {transform_indices = #map1}, {transform_indices = #map2}, {transform_indices = #map1}, {transform_indices = #map}, {transform_indices = #map3}, {transform_indices = #map1}]} {
    %mul3A = arith.constant 16 : i32
    %mul3A_0 = arith.muli %arg0, %mul3A : i32
    %add3A = arith.addi %mul3A_0, %arg1 : i32
    %eq3A = arith.constant 0 : i32
    %eq3A_1 = arith.cmpi eq, %arg0, %eq3A : i32
    %jit3A = arith.constant 48 : i32
    %jit3A_2 = arith.constant 268 : i32
    %select_n3A = arith.select %eq3A_1, %jit3A, %jit3A_2 : i32
    "tpu.region"() ({
      %run_scoped3A = tpu.sem_alloc : memref<!tpu.dma_semaphore, #tpu.memory_space<semaphore_mem>>
      %dma_start3A_163 = arith.constant 0 : i32
      %dma_start3A_164 = arith.constant 0 : i32
      %dma_start3A_165 = tpu.memref_slice %arg13[%dma_start3A_163, %dma_start3A_164] : memref<64x128xf32, #tpu.memory_space<vmem>> -> memref<64x128xf32, #tpu.memory_space<vmem>>
      %dma_start3A_166 = arith.constant 0 : i32
      %dma_start3A_167 = arith.constant 0 : i32
      %dma_start3A_168 = tpu.memref_slice %arg13[%dma_start3A_166, %dma_start3A_167] : memref<64x128xf32, #tpu.memory_space<vmem>> -> memref<64x128xf32, #tpu.memory_space<vmem>>
      tpu.enqueue_dma source(%arg6 : memref<64x128xf32, #tpu.memory_space<hbm>>) target(%dma_start3A_168 : memref<64x128xf32, #tpu.memory_space<vmem>>) target_semaphore(%run_scoped3A : memref<!tpu.dma_semaphore, #tpu.memory_space<semaphore_mem>>)
      %dma_wait3A_169 = arith.constant 0 : i32
      %dma_wait3A_170 = arith.constant 0 : i32
      %dma_wait3A_171 = tpu.memref_slice %arg13[%dma_wait3A_169, %dma_wait3A_170] : memref<64x128xf32, #tpu.memory_space<vmem>> -> memref<64x128xf32, #tpu.memory_space<vmem>>
      %dma_wait3A_172 = arith.constant 0 : i32
      %dma_wait3A_173 = arith.constant 0 : i32
      %dma_wait3A_174 = tpu.memref_slice %arg13[%dma_wait3A_172, %dma_wait3A_173] : memref<64x128xf32, #tpu.memory_space<vmem>> -> memref<64x128xf32, #tpu.memory_space<vmem>>
      tpu.wait_dma2 semaphore(%run_scoped3A : memref<!tpu.dma_semaphore, #tpu.memory_space<semaphore_mem>>) src(%arg6 : memref<64x128xf32, #tpu.memory_space<hbm>>) dst(%dma_wait3A_174 : memref<64x128xf32, #tpu.memory_space<vmem>>)
      tpu.yield
    }) : () -> ()
    %mul3A_3 = arith.constant 640 : i32
    %mul3A_4 = arith.muli %arg1, %mul3A_3 : i32
    %add3A_5 = arith.constant 0 : i32
    %add3A_6 = arith.addi %mul3A_4, %add3A_5 : i32
    "tpu.region"() ({
      %run_scoped3A = tpu.sem_alloc : memref<!tpu.dma_semaphore, #tpu.memory_space<semaphore_mem>>
      %dma_start3A_163 = arith.constant 0 : i32
      %dma_start3A_164 = arith.constant 0 : i32
      %dma_start3A_165 = tpu.memref_slice %arg13[%dma_start3A_163, %dma_start3A_164] : memref<64x128xf32, #tpu.memory_space<vmem>> -> memref<64x128xf32, #tpu.memory_space<vmem>>
      %dma_start3A_166 = arith.constant 0 : i32
      %dma_start3A_167 = tpu.memref_slice %arg17[%add3A_6, %dma_start3A_166] : memref<10240x128xf32, #tpu.memory_space<vmem_shared>> -> memref<64x128xf32, #tpu.memory_space<vmem_shared>>
      %dma_start3A_168 = arith.constant 0 : i32
      %dma_start3A_169 = tpu.memref_slice %arg17[%add3A_6, %dma_start3A_168] : memref<10240x128xf32, #tpu.memory_space<vmem_shared>> -> memref<64x128xf32, #tpu.memory_space<vmem_shared>>
      %dma_start3A_170 = arith.constant 0 : i32
      %dma_start3A_171 = arith.constant 0 : i32
      %dma_start3A_172 = tpu.memref_slice %arg13[%dma_start3A_170, %dma_start3A_171] : memref<64x128xf32, #tpu.memory_space<vmem>> -> memref<64x128xf32, #tpu.memory_space<vmem>>
      tpu.enqueue_dma source(%dma_start3A_172 : memref<64x128xf32, #tpu.memory_space<vmem>>) target(%dma_start3A_169 : memref<64x128xf32, #tpu.memory_space<vmem_shared>>) target_semaphore(%run_scoped3A : memref<!tpu.dma_semaphore, #tpu.memory_space<semaphore_mem>>)
      %dma_wait3A_173 = arith.constant 0 : i32
      %dma_wait3A_174 = arith.constant 0 : i32
      %dma_wait3A_175 = tpu.memref_slice %arg13[%dma_wait3A_173, %dma_wait3A_174] : memref<64x128xf32, #tpu.memory_space<vmem>> -> memref<64x128xf32, #tpu.memory_space<vmem>>
      %dma_wait3A_176 = arith.constant 0 : i32
      %dma_wait3A_177 = tpu.memref_slice %arg17[%add3A_6, %dma_wait3A_176] : memref<10240x128xf32, #tpu.memory_space<vmem_shared>> -> memref<64x128xf32, #tpu.memory_space<vmem_shared>>
      %dma_wait3A_178 = arith.constant 0 : i32
      %dma_wait3A_179 = tpu.memref_slice %arg17[%add3A_6, %dma_wait3A_178] : memref<10240x128xf32, #tpu.memory_space<vmem_shared>> -> memref<64x128xf32, #tpu.memory_space<vmem_shared>>
      %dma_wait3A_180 = arith.constant 0 : i32
      %dma_wait3A_181 = arith.constant 0 : i32
      %dma_wait3A_182 = tpu.memref_slice %arg13[%dma_wait3A_180, %dma_wait3A_181] : memref<64x128xf32, #tpu.memory_space<vmem>> -> memref<64x128xf32, #tpu.memory_space<vmem>>
      tpu.wait_dma2 semaphore(%run_scoped3A : memref<!tpu.dma_semaphore, #tpu.memory_space<semaphore_mem>>) src(%dma_wait3A_182 : memref<64x128xf32, #tpu.memory_space<vmem>>) dst(%dma_wait3A_179 : memref<64x128xf32, #tpu.memory_space<vmem_shared>>)
      tpu.yield
    }) : () -> ()
    %mul3A_7 = arith.constant 640 : i32
    %mul3A_8 = arith.muli %arg1, %mul3A_7 : i32
    %add3A_9 = arith.constant 64 : i32
    %add3A_10 = arith.addi %mul3A_8, %add3A_9 : i32
    "tpu.region"() ({
      %run_scoped3A = tpu.sem_alloc : memref<!tpu.dma_semaphore, #tpu.memory_space<semaphore_mem>>
      %dma_start3A_163 = arith.constant 0 : i32
      %dma_start3A_164 = arith.constant 0 : i32
      %dma_start3A_165 = tpu.memref_slice %arg13[%dma_start3A_163, %dma_start3A_164] : memref<64x128xf32, #tpu.memory_space<vmem>> -> memref<64x128xf32, #tpu.memory_space<vmem>>
      %dma_start3A_166 = arith.constant 0 : i32
      %dma_start3A_167 = tpu.memref_slice %arg17[%add3A_10, %dma_start3A_166] : memref<10240x128xf32, #tpu.memory_space<vmem_shared>> -> memref<64x128xf32, #tpu.memory_space<vmem_shared>>
      %dma_start3A_168 = arith.constant 0 : i32
      %dma_start3A_169 = tpu.memref_slice %arg17[%add3A_10, %dma_start3A_168] : memref<10240x128xf32, #tpu.memory_space<vmem_shared>> -> memref<64x128xf32, #tpu.memory_space<vmem_shared>>
      %dma_start3A_170 = arith.constant 0 : i32
      %dma_start3A_171 = arith.constant 0 : i32
      %dma_start3A_172 = tpu.memref_slice %arg13[%dma_start3A_170, %dma_start3A_171] : memref<64x128xf32, #tpu.memory_space<vmem>> -> memref<64x128xf32, #tpu.memory_space<vmem>>
      tpu.enqueue_dma source(%dma_start3A_172 : memref<64x128xf32, #tpu.memory_space<vmem>>) target(%dma_start3A_169 : memref<64x128xf32, #tpu.memory_space<vmem_shared>>) target_semaphore(%run_scoped3A : memref<!tpu.dma_semaphore, #tpu.memory_space<semaphore_mem>>)
      %dma_wait3A_173 = arith.constant 0 : i32
      %dma_wait3A_174 = arith.constant 0 : i32
      %dma_wait3A_175 = tpu.memref_slice %arg13[%dma_wait3A_173, %dma_wait3A_174] : memref<64x128xf32, #tpu.memory_space<vmem>> -> memref<64x128xf32, #tpu.memory_space<vmem>>
      %dma_wait3A_176 = arith.constant 0 : i32
      %dma_wait3A_177 = tpu.memref_slice %arg17[%add3A_10, %dma_wait3A_176] : memref<10240x128xf32, #tpu.memory_space<vmem_shared>> -> memref<64x128xf32, #tpu.memory_space<vmem_shared>>
      %dma_wait3A_178 = arith.constant 0 : i32
      %dma_wait3A_179 = tpu.memref_slice %arg17[%add3A_10, %dma_wait3A_178] : memref<10240x128xf32, #tpu.memory_space<vmem_shared>> -> memref<64x128xf32, #tpu.memory_space<vmem_shared>>
      %dma_wait3A_180 = arith.constant 0 : i32
      %dma_wait3A_181 = arith.constant 0 : i32
      %dma_wait3A_182 = tpu.memref_slice %arg13[%dma_wait3A_180, %dma_wait3A_181] : memref<64x128xf32, #tpu.memory_space<vmem>> -> memref<64x128xf32, #tpu.memory_space<vmem>>
      tpu.wait_dma2 semaphore(%run_scoped3A : memref<!tpu.dma_semaphore, #tpu.memory_space<semaphore_mem>>) src(%dma_wait3A_182 : memref<64x128xf32, #tpu.memory_space<vmem>>) dst(%dma_wait3A_179 : memref<64x128xf32, #tpu.memory_space<vmem_shared>>)
      tpu.yield
    }) : () -> ()
    %mul3A_11 = arith.constant 640 : i32
    %mul3A_12 = arith.muli %arg1, %mul3A_11 : i32
    %add3A_13 = arith.constant 128 : i32
    %add3A_14 = arith.addi %mul3A_12, %add3A_13 : i32
    "tpu.region"() ({
      %run_scoped3A = tpu.sem_alloc : memref<!tpu.dma_semaphore, #tpu.memory_space<semaphore_mem>>
      %dma_start3A_163 = arith.constant 0 : i32
      %dma_start3A_164 = arith.constant 0 : i32
      %dma_start3A_165 = tpu.memref_slice %arg13[%dma_start3A_163, %dma_start3A_164] : memref<64x128xf32, #tpu.memory_space<vmem>> -> memref<64x128xf32, #tpu.memory_space<vmem>>
      %dma_start3A_166 = arith.constant 0 : i32
      %dma_start3A_167 = tpu.memref_slice %arg17[%add3A_14, %dma_start3A_166] : memref<10240x128xf32, #tpu.memory_space<vmem_shared>> -> memref<64x128xf32, #tpu.memory_space<vmem_shared>>
      %dma_start3A_168 = arith.constant 0 : i32
      %dma_start3A_169 = tpu.memref_slice %arg17[%add3A_14, %dma_start3A_168] : memref<10240x128xf32, #tpu.memory_space<vmem_shared>> -> memref<64x128xf32, #tpu.memory_space<vmem_shared>>
      %dma_start3A_170 = arith.constant 0 : i32
      %dma_start3A_171 = arith.constant 0 : i32
      %dma_start3A_172 = tpu.memref_slice %arg13[%dma_start3A_170, %dma_start3A_171] : memref<64x128xf32, #tpu.memory_space<vmem>> -> memref<64x128xf32, #tpu.memory_space<vmem>>
      tpu.enqueue_dma source(%dma_start3A_172 : memref<64x128xf32, #tpu.memory_space<vmem>>) target(%dma_start3A_169 : memref<64x128xf32, #tpu.memory_space<vmem_shared>>) target_semaphore(%run_scoped3A : memref<!tpu.dma_semaphore, #tpu.memory_space<semaphore_mem>>)
      %dma_wait3A_173 = arith.constant 0 : i32
      %dma_wait3A_174 = arith.constant 0 : i32
      %dma_wait3A_175 = tpu.memref_slice %arg13[%dma_wait3A_173, %dma_wait3A_174] : memref<64x128xf32, #tpu.memory_space<vmem>> -> memref<64x128xf32, #tpu.memory_space<vmem>>
      %dma_wait3A_176 = arith.constant 0 : i32
      %dma_wait3A_177 = tpu.memref_slice %arg17[%add3A_14, %dma_wait3A_176] : memref<10240x128xf32, #tpu.memory_space<vmem_shared>> -> memref<64x128xf32, #tpu.memory_space<vmem_shared>>
      %dma_wait3A_178 = arith.constant 0 : i32
      %dma_wait3A_179 = tpu.memref_slice %arg17[%add3A_14, %dma_wait3A_178] : memref<10240x128xf32, #tpu.memory_space<vmem_shared>> -> memref<64x128xf32, #tpu.memory_space<vmem_shared>>
      %dma_wait3A_180 = arith.constant 0 : i32
      %dma_wait3A_181 = arith.constant 0 : i32
      %dma_wait3A_182 = tpu.memref_slice %arg13[%dma_wait3A_180, %dma_wait3A_181] : memref<64x128xf32, #tpu.memory_space<vmem>> -> memref<64x128xf32, #tpu.memory_space<vmem>>
      tpu.wait_dma2 semaphore(%run_scoped3A : memref<!tpu.dma_semaphore, #tpu.memory_space<semaphore_mem>>) src(%dma_wait3A_182 : memref<64x128xf32, #tpu.memory_space<vmem>>) dst(%dma_wait3A_179 : memref<64x128xf32, #tpu.memory_space<vmem_shared>>)
      tpu.yield
    }) : () -> ()
    %mul3A_15 = arith.constant 640 : i32
    %mul3A_16 = arith.muli %arg1, %mul3A_15 : i32
    %add3A_17 = arith.constant 192 : i32
    %add3A_18 = arith.addi %mul3A_16, %add3A_17 : i32
    "tpu.region"() ({
      %run_scoped3A = tpu.sem_alloc : memref<!tpu.dma_semaphore, #tpu.memory_space<semaphore_mem>>
      %dma_start3A_163 = arith.constant 0 : i32
      %dma_start3A_164 = arith.constant 0 : i32
      %dma_start3A_165 = tpu.memref_slice %arg13[%dma_start3A_163, %dma_start3A_164] : memref<64x128xf32, #tpu.memory_space<vmem>> -> memref<64x128xf32, #tpu.memory_space<vmem>>
      %dma_start3A_166 = arith.constant 0 : i32
      %dma_start3A_167 = tpu.memref_slice %arg17[%add3A_18, %dma_start3A_166] : memref<10240x128xf32, #tpu.memory_space<vmem_shared>> -> memref<64x128xf32, #tpu.memory_space<vmem_shared>>
      %dma_start3A_168 = arith.constant 0 : i32
      %dma_start3A_169 = tpu.memref_slice %arg17[%add3A_18, %dma_start3A_168] : memref<10240x128xf32, #tpu.memory_space<vmem_shared>> -> memref<64x128xf32, #tpu.memory_space<vmem_shared>>
      %dma_start3A_170 = arith.constant 0 : i32
      %dma_start3A_171 = arith.constant 0 : i32
      %dma_start3A_172 = tpu.memref_slice %arg13[%dma_start3A_170, %dma_start3A_171] : memref<64x128xf32, #tpu.memory_space<vmem>> -> memref<64x128xf32, #tpu.memory_space<vmem>>
      tpu.enqueue_dma source(%dma_start3A_172 : memref<64x128xf32, #tpu.memory_space<vmem>>) target(%dma_start3A_169 : memref<64x128xf32, #tpu.memory_space<vmem_shared>>) target_semaphore(%run_scoped3A : memref<!tpu.dma_semaphore, #tpu.memory_space<semaphore_mem>>)
      %dma_wait3A_173 = arith.constant 0 : i32
      %dma_wait3A_174 = arith.constant 0 : i32
      %dma_wait3A_175 = tpu.memref_slice %arg13[%dma_wait3A_173, %dma_wait3A_174] : memref<64x128xf32, #tpu.memory_space<vmem>> -> memref<64x128xf32, #tpu.memory_space<vmem>>
      %dma_wait3A_176 = arith.constant 0 : i32
      %dma_wait3A_177 = tpu.memref_slice %arg17[%add3A_18, %dma_wait3A_176] : memref<10240x128xf32, #tpu.memory_space<vmem_shared>> -> memref<64x128xf32, #tpu.memory_space<vmem_shared>>
      %dma_wait3A_178 = arith.constant 0 : i32
      %dma_wait3A_179 = tpu.memref_slice %arg17[%add3A_18, %dma_wait3A_178] : memref<10240x128xf32, #tpu.memory_space<vmem_shared>> -> memref<64x128xf32, #tpu.memory_space<vmem_shared>>
      %dma_wait3A_180 = arith.constant 0 : i32
      %dma_wait3A_181 = arith.constant 0 : i32
      %dma_wait3A_182 = tpu.memref_slice %arg13[%dma_wait3A_180, %dma_wait3A_181] : memref<64x128xf32, #tpu.memory_space<vmem>> -> memref<64x128xf32, #tpu.memory_space<vmem>>
      tpu.wait_dma2 semaphore(%run_scoped3A : memref<!tpu.dma_semaphore, #tpu.memory_space<semaphore_mem>>) src(%dma_wait3A_182 : memref<64x128xf32, #tpu.memory_space<vmem>>) dst(%dma_wait3A_179 : memref<64x128xf32, #tpu.memory_space<vmem_shared>>)
      tpu.yield
    }) : () -> ()
    %mul3A_19 = arith.constant 640 : i32
    %mul3A_20 = arith.muli %arg1, %mul3A_19 : i32
    %add3A_21 = arith.constant 256 : i32
    %add3A_22 = arith.addi %mul3A_20, %add3A_21 : i32
    "tpu.region"() ({
      %run_scoped3A = tpu.sem_alloc : memref<!tpu.dma_semaphore, #tpu.memory_space<semaphore_mem>>
      %dma_start3A_163 = arith.constant 0 : i32
      %dma_start3A_164 = arith.constant 0 : i32
      %dma_start3A_165 = tpu.memref_slice %arg13[%dma_start3A_163, %dma_start3A_164] : memref<64x128xf32, #tpu.memory_space<vmem>> -> memref<64x128xf32, #tpu.memory_space<vmem>>
      %dma_start3A_166 = arith.constant 0 : i32
      %dma_start3A_167 = tpu.memref_slice %arg17[%add3A_22, %dma_start3A_166] : memref<10240x128xf32, #tpu.memory_space<vmem_shared>> -> memref<64x128xf32, #tpu.memory_space<vmem_shared>>
      %dma_start3A_168 = arith.constant 0 : i32
      %dma_start3A_169 = tpu.memref_slice %arg17[%add3A_22, %dma_start3A_168] : memref<10240x128xf32, #tpu.memory_space<vmem_shared>> -> memref<64x128xf32, #tpu.memory_space<vmem_shared>>
      %dma_start3A_170 = arith.constant 0 : i32
      %dma_start3A_171 = arith.constant 0 : i32
      %dma_start3A_172 = tpu.memref_slice %arg13[%dma_start3A_170, %dma_start3A_171] : memref<64x128xf32, #tpu.memory_space<vmem>> -> memref<64x128xf32, #tpu.memory_space<vmem>>
      tpu.enqueue_dma source(%dma_start3A_172 : memref<64x128xf32, #tpu.memory_space<vmem>>) target(%dma_start3A_169 : memref<64x128xf32, #tpu.memory_space<vmem_shared>>) target_semaphore(%run_scoped3A : memref<!tpu.dma_semaphore, #tpu.memory_space<semaphore_mem>>)
      %dma_wait3A_173 = arith.constant 0 : i32
      %dma_wait3A_174 = arith.constant 0 : i32
      %dma_wait3A_175 = tpu.memref_slice %arg13[%dma_wait3A_173, %dma_wait3A_174] : memref<64x128xf32, #tpu.memory_space<vmem>> -> memref<64x128xf32, #tpu.memory_space<vmem>>
      %dma_wait3A_176 = arith.constant 0 : i32
      %dma_wait3A_177 = tpu.memref_slice %arg17[%add3A_22, %dma_wait3A_176] : memref<10240x128xf32, #tpu.memory_space<vmem_shared>> -> memref<64x128xf32, #tpu.memory_space<vmem_shared>>
      %dma_wait3A_178 = arith.constant 0 : i32
      %dma_wait3A_179 = tpu.memref_slice %arg17[%add3A_22, %dma_wait3A_178] : memref<10240x128xf32, #tpu.memory_space<vmem_shared>> -> memref<64x128xf32, #tpu.memory_space<vmem_shared>>
      %dma_wait3A_180 = arith.constant 0 : i32
      %dma_wait3A_181 = arith.constant 0 : i32
      %dma_wait3A_182 = tpu.memref_slice %arg13[%dma_wait3A_180, %dma_wait3A_181] : memref<64x128xf32, #tpu.memory_space<vmem>> -> memref<64x128xf32, #tpu.memory_space<vmem>>
      tpu.wait_dma2 semaphore(%run_scoped3A : memref<!tpu.dma_semaphore, #tpu.memory_space<semaphore_mem>>) src(%dma_wait3A_182 : memref<64x128xf32, #tpu.memory_space<vmem>>) dst(%dma_wait3A_179 : memref<64x128xf32, #tpu.memory_space<vmem_shared>>)
      tpu.yield
    }) : () -> ()
    %mul3A_23 = arith.constant 640 : i32
    %mul3A_24 = arith.muli %arg1, %mul3A_23 : i32
    %add3A_25 = arith.constant 320 : i32
    %add3A_26 = arith.addi %mul3A_24, %add3A_25 : i32
    "tpu.region"() ({
      %run_scoped3A = tpu.sem_alloc : memref<!tpu.dma_semaphore, #tpu.memory_space<semaphore_mem>>
      %dma_start3A_163 = arith.constant 0 : i32
      %dma_start3A_164 = arith.constant 0 : i32
      %dma_start3A_165 = tpu.memref_slice %arg13[%dma_start3A_163, %dma_start3A_164] : memref<64x128xf32, #tpu.memory_space<vmem>> -> memref<64x128xf32, #tpu.memory_space<vmem>>
      %dma_start3A_166 = arith.constant 0 : i32
      %dma_start3A_167 = tpu.memref_slice %arg17[%add3A_26, %dma_start3A_166] : memref<10240x128xf32, #tpu.memory_space<vmem_shared>> -> memref<64x128xf32, #tpu.memory_space<vmem_shared>>
      %dma_start3A_168 = arith.constant 0 : i32
      %dma_start3A_169 = tpu.memref_slice %arg17[%add3A_26, %dma_start3A_168] : memref<10240x128xf32, #tpu.memory_space<vmem_shared>> -> memref<64x128xf32, #tpu.memory_space<vmem_shared>>
      %dma_start3A_170 = arith.constant 0 : i32
      %dma_start3A_171 = arith.constant 0 : i32
      %dma_start3A_172 = tpu.memref_slice %arg13[%dma_start3A_170, %dma_start3A_171] : memref<64x128xf32, #tpu.memory_space<vmem>> -> memref<64x128xf32, #tpu.memory_space<vmem>>
      tpu.enqueue_dma source(%dma_start3A_172 : memref<64x128xf32, #tpu.memory_space<vmem>>) target(%dma_start3A_169 : memref<64x128xf32, #tpu.memory_space<vmem_shared>>) target_semaphore(%run_scoped3A : memref<!tpu.dma_semaphore, #tpu.memory_space<semaphore_mem>>)
      %dma_wait3A_173 = arith.constant 0 : i32
      %dma_wait3A_174 = arith.constant 0 : i32
      %dma_wait3A_175 = tpu.memref_slice %arg13[%dma_wait3A_173, %dma_wait3A_174] : memref<64x128xf32, #tpu.memory_space<vmem>> -> memref<64x128xf32, #tpu.memory_space<vmem>>
      %dma_wait3A_176 = arith.constant 0 : i32
      %dma_wait3A_177 = tpu.memref_slice %arg17[%add3A_26, %dma_wait3A_176] : memref<10240x128xf32, #tpu.memory_space<vmem_shared>> -> memref<64x128xf32, #tpu.memory_space<vmem_shared>>
      %dma_wait3A_178 = arith.constant 0 : i32
      %dma_wait3A_179 = tpu.memref_slice %arg17[%add3A_26, %dma_wait3A_178] : memref<10240x128xf32, #tpu.memory_space<vmem_shared>> -> memref<64x128xf32, #tpu.memory_space<vmem_shared>>
      %dma_wait3A_180 = arith.constant 0 : i32
      %dma_wait3A_181 = arith.constant 0 : i32
      %dma_wait3A_182 = tpu.memref_slice %arg13[%dma_wait3A_180, %dma_wait3A_181] : memref<64x128xf32, #tpu.memory_space<vmem>> -> memref<64x128xf32, #tpu.memory_space<vmem>>
      tpu.wait_dma2 semaphore(%run_scoped3A : memref<!tpu.dma_semaphore, #tpu.memory_space<semaphore_mem>>) src(%dma_wait3A_182 : memref<64x128xf32, #tpu.memory_space<vmem>>) dst(%dma_wait3A_179 : memref<64x128xf32, #tpu.memory_space<vmem_shared>>)
      tpu.yield
    }) : () -> ()
    %mul3A_27 = arith.constant 640 : i32
    %mul3A_28 = arith.muli %arg1, %mul3A_27 : i32
    %add3A_29 = arith.constant 384 : i32
    %add3A_30 = arith.addi %mul3A_28, %add3A_29 : i32
    "tpu.region"() ({
      %run_scoped3A = tpu.sem_alloc : memref<!tpu.dma_semaphore, #tpu.memory_space<semaphore_mem>>
      %dma_start3A_163 = arith.constant 0 : i32
      %dma_start3A_164 = arith.constant 0 : i32
      %dma_start3A_165 = tpu.memref_slice %arg13[%dma_start3A_163, %dma_start3A_164] : memref<64x128xf32, #tpu.memory_space<vmem>> -> memref<64x128xf32, #tpu.memory_space<vmem>>
      %dma_start3A_166 = arith.constant 0 : i32
      %dma_start3A_167 = tpu.memref_slice %arg17[%add3A_30, %dma_start3A_166] : memref<10240x128xf32, #tpu.memory_space<vmem_shared>> -> memref<64x128xf32, #tpu.memory_space<vmem_shared>>
      %dma_start3A_168 = arith.constant 0 : i32
      %dma_start3A_169 = tpu.memref_slice %arg17[%add3A_30, %dma_start3A_168] : memref<10240x128xf32, #tpu.memory_space<vmem_shared>> -> memref<64x128xf32, #tpu.memory_space<vmem_shared>>
      %dma_start3A_170 = arith.constant 0 : i32
      %dma_start3A_171 = arith.constant 0 : i32
      %dma_start3A_172 = tpu.memref_slice %arg13[%dma_start3A_170, %dma_start3A_171] : memref<64x128xf32, #tpu.memory_space<vmem>> -> memref<64x128xf32, #tpu.memory_space<vmem>>
      tpu.enqueue_dma source(%dma_start3A_172 : memref<64x128xf32, #tpu.memory_space<vmem>>) target(%dma_start3A_169 : memref<64x128xf32, #tpu.memory_space<vmem_shared>>) target_semaphore(%run_scoped3A : memref<!tpu.dma_semaphore, #tpu.memory_space<semaphore_mem>>)
      %dma_wait3A_173 = arith.constant 0 : i32
      %dma_wait3A_174 = arith.constant 0 : i32
      %dma_wait3A_175 = tpu.memref_slice %arg13[%dma_wait3A_173, %dma_wait3A_174] : memref<64x128xf32, #tpu.memory_space<vmem>> -> memref<64x128xf32, #tpu.memory_space<vmem>>
      %dma_wait3A_176 = arith.constant 0 : i32
      %dma_wait3A_177 = tpu.memref_slice %arg17[%add3A_30, %dma_wait3A_176] : memref<10240x128xf32, #tpu.memory_space<vmem_shared>> -> memref<64x128xf32, #tpu.memory_space<vmem_shared>>
      %dma_wait3A_178 = arith.constant 0 : i32
      %dma_wait3A_179 = tpu.memref_slice %arg17[%add3A_30, %dma_wait3A_178] : memref<10240x128xf32, #tpu.memory_space<vmem_shared>> -> memref<64x128xf32, #tpu.memory_space<vmem_shared>>
      %dma_wait3A_180 = arith.constant 0 : i32
      %dma_wait3A_181 = arith.constant 0 : i32
      %dma_wait3A_182 = tpu.memref_slice %arg13[%dma_wait3A_180, %dma_wait3A_181] : memref<64x128xf32, #tpu.memory_space<vmem>> -> memref<64x128xf32, #tpu.memory_space<vmem>>
      tpu.wait_dma2 semaphore(%run_scoped3A : memref<!tpu.dma_semaphore, #tpu.memory_space<semaphore_mem>>) src(%dma_wait3A_182 : memref<64x128xf32, #tpu.memory_space<vmem>>) dst(%dma_wait3A_179 : memref<64x128xf32, #tpu.memory_space<vmem_shared>>)
      tpu.yield
    }) : () -> ()
    %mul3A_31 = arith.constant 640 : i32
    %mul3A_32 = arith.muli %arg1, %mul3A_31 : i32
    %add3A_33 = arith.constant 448 : i32
    %add3A_34 = arith.addi %mul3A_32, %add3A_33 : i32
    "tpu.region"() ({
      %run_scoped3A = tpu.sem_alloc : memref<!tpu.dma_semaphore, #tpu.memory_space<semaphore_mem>>
      %dma_start3A_163 = arith.constant 0 : i32
      %dma_start3A_164 = arith.constant 0 : i32
      %dma_start3A_165 = tpu.memref_slice %arg13[%dma_start3A_163, %dma_start3A_164] : memref<64x128xf32, #tpu.memory_space<vmem>> -> memref<64x128xf32, #tpu.memory_space<vmem>>
      %dma_start3A_166 = arith.constant 0 : i32
      %dma_start3A_167 = tpu.memref_slice %arg17[%add3A_34, %dma_start3A_166] : memref<10240x128xf32, #tpu.memory_space<vmem_shared>> -> memref<64x128xf32, #tpu.memory_space<vmem_shared>>
      %dma_start3A_168 = arith.constant 0 : i32
      %dma_start3A_169 = tpu.memref_slice %arg17[%add3A_34, %dma_start3A_168] : memref<10240x128xf32, #tpu.memory_space<vmem_shared>> -> memref<64x128xf32, #tpu.memory_space<vmem_shared>>
      %dma_start3A_170 = arith.constant 0 : i32
      %dma_start3A_171 = arith.constant 0 : i32
      %dma_start3A_172 = tpu.memref_slice %arg13[%dma_start3A_170, %dma_start3A_171] : memref<64x128xf32, #tpu.memory_space<vmem>> -> memref<64x128xf32, #tpu.memory_space<vmem>>
      tpu.enqueue_dma source(%dma_start3A_172 : memref<64x128xf32, #tpu.memory_space<vmem>>) target(%dma_start3A_169 : memref<64x128xf32, #tpu.memory_space<vmem_shared>>) target_semaphore(%run_scoped3A : memref<!tpu.dma_semaphore, #tpu.memory_space<semaphore_mem>>)
      %dma_wait3A_173 = arith.constant 0 : i32
      %dma_wait3A_174 = arith.constant 0 : i32
      %dma_wait3A_175 = tpu.memref_slice %arg13[%dma_wait3A_173, %dma_wait3A_174] : memref<64x128xf32, #tpu.memory_space<vmem>> -> memref<64x128xf32, #tpu.memory_space<vmem>>
      %dma_wait3A_176 = arith.constant 0 : i32
      %dma_wait3A_177 = tpu.memref_slice %arg17[%add3A_34, %dma_wait3A_176] : memref<10240x128xf32, #tpu.memory_space<vmem_shared>> -> memref<64x128xf32, #tpu.memory_space<vmem_shared>>
      %dma_wait3A_178 = arith.constant 0 : i32
      %dma_wait3A_179 = tpu.memref_slice %arg17[%add3A_34, %dma_wait3A_178] : memref<10240x128xf32, #tpu.memory_space<vmem_shared>> -> memref<64x128xf32, #tpu.memory_space<vmem_shared>>
      %dma_wait3A_180 = arith.constant 0 : i32
      %dma_wait3A_181 = arith.constant 0 : i32
      %dma_wait3A_182 = tpu.memref_slice %arg13[%dma_wait3A_180, %dma_wait3A_181] : memref<64x128xf32, #tpu.memory_space<vmem>> -> memref<64x128xf32, #tpu.memory_space<vmem>>
      tpu.wait_dma2 semaphore(%run_scoped3A : memref<!tpu.dma_semaphore, #tpu.memory_space<semaphore_mem>>) src(%dma_wait3A_182 : memref<64x128xf32, #tpu.memory_space<vmem>>) dst(%dma_wait3A_179 : memref<64x128xf32, #tpu.memory_space<vmem_shared>>)
      tpu.yield
    }) : () -> ()
    %mul3A_35 = arith.constant 640 : i32
    %mul3A_36 = arith.muli %arg1, %mul3A_35 : i32
    %add3A_37 = arith.constant 512 : i32
    %add3A_38 = arith.addi %mul3A_36, %add3A_37 : i32
    "tpu.region"() ({
      %run_scoped3A = tpu.sem_alloc : memref<!tpu.dma_semaphore, #tpu.memory_space<semaphore_mem>>
      %dma_start3A_163 = arith.constant 0 : i32
      %dma_start3A_164 = arith.constant 0 : i32
      %dma_start3A_165 = tpu.memref_slice %arg13[%dma_start3A_163, %dma_start3A_164] : memref<64x128xf32, #tpu.memory_space<vmem>> -> memref<64x128xf32, #tpu.memory_space<vmem>>
      %dma_start3A_166 = arith.constant 0 : i32
      %dma_start3A_167 = tpu.memref_slice %arg17[%add3A_38, %dma_start3A_166] : memref<10240x128xf32, #tpu.memory_space<vmem_shared>> -> memref<64x128xf32, #tpu.memory_space<vmem_shared>>
      %dma_start3A_168 = arith.constant 0 : i32
      %dma_start3A_169 = tpu.memref_slice %arg17[%add3A_38, %dma_start3A_168] : memref<10240x128xf32, #tpu.memory_space<vmem_shared>> -> memref<64x128xf32, #tpu.memory_space<vmem_shared>>
      %dma_start3A_170 = arith.constant 0 : i32
      %dma_start3A_171 = arith.constant 0 : i32
      %dma_start3A_172 = tpu.memref_slice %arg13[%dma_start3A_170, %dma_start3A_171] : memref<64x128xf32, #tpu.memory_space<vmem>> -> memref<64x128xf32, #tpu.memory_space<vmem>>
      tpu.enqueue_dma source(%dma_start3A_172 : memref<64x128xf32, #tpu.memory_space<vmem>>) target(%dma_start3A_169 : memref<64x128xf32, #tpu.memory_space<vmem_shared>>) target_semaphore(%run_scoped3A : memref<!tpu.dma_semaphore, #tpu.memory_space<semaphore_mem>>)
      %dma_wait3A_173 = arith.constant 0 : i32
      %dma_wait3A_174 = arith.constant 0 : i32
      %dma_wait3A_175 = tpu.memref_slice %arg13[%dma_wait3A_173, %dma_wait3A_174] : memref<64x128xf32, #tpu.memory_space<vmem>> -> memref<64x128xf32, #tpu.memory_space<vmem>>
      %dma_wait3A_176 = arith.constant 0 : i32
      %dma_wait3A_177 = tpu.memref_slice %arg17[%add3A_38, %dma_wait3A_176] : memref<10240x128xf32, #tpu.memory_space<vmem_shared>> -> memref<64x128xf32, #tpu.memory_space<vmem_shared>>
      %dma_wait3A_178 = arith.constant 0 : i32
      %dma_wait3A_179 = tpu.memref_slice %arg17[%add3A_38, %dma_wait3A_178] : memref<10240x128xf32, #tpu.memory_space<vmem_shared>> -> memref<64x128xf32, #tpu.memory_space<vmem_shared>>
      %dma_wait3A_180 = arith.constant 0 : i32
      %dma_wait3A_181 = arith.constant 0 : i32
      %dma_wait3A_182 = tpu.memref_slice %arg13[%dma_wait3A_180, %dma_wait3A_181] : memref<64x128xf32, #tpu.memory_space<vmem>> -> memref<64x128xf32, #tpu.memory_space<vmem>>
      tpu.wait_dma2 semaphore(%run_scoped3A : memref<!tpu.dma_semaphore, #tpu.memory_space<semaphore_mem>>) src(%dma_wait3A_182 : memref<64x128xf32, #tpu.memory_space<vmem>>) dst(%dma_wait3A_179 : memref<64x128xf32, #tpu.memory_space<vmem_shared>>)
      tpu.yield
    }) : () -> ()
    %mul3A_39 = arith.constant 640 : i32
    %mul3A_40 = arith.muli %arg1, %mul3A_39 : i32
    %add3A_41 = arith.constant 576 : i32
    %add3A_42 = arith.addi %mul3A_40, %add3A_41 : i32
    "tpu.region"() ({
      %run_scoped3A = tpu.sem_alloc : memref<!tpu.dma_semaphore, #tpu.memory_space<semaphore_mem>>
      %dma_start3A_163 = arith.constant 0 : i32
      %dma_start3A_164 = arith.constant 0 : i32
      %dma_start3A_165 = tpu.memref_slice %arg13[%dma_start3A_163, %dma_start3A_164] : memref<64x128xf32, #tpu.memory_space<vmem>> -> memref<64x128xf32, #tpu.memory_space<vmem>>
      %dma_start3A_166 = arith.constant 0 : i32
      %dma_start3A_167 = tpu.memref_slice %arg17[%add3A_42, %dma_start3A_166] : memref<10240x128xf32, #tpu.memory_space<vmem_shared>> -> memref<64x128xf32, #tpu.memory_space<vmem_shared>>
      %dma_start3A_168 = arith.constant 0 : i32
      %dma_start3A_169 = tpu.memref_slice %arg17[%add3A_42, %dma_start3A_168] : memref<10240x128xf32, #tpu.memory_space<vmem_shared>> -> memref<64x128xf32, #tpu.memory_space<vmem_shared>>
      %dma_start3A_170 = arith.constant 0 : i32
      %dma_start3A_171 = arith.constant 0 : i32
      %dma_start3A_172 = tpu.memref_slice %arg13[%dma_start3A_170, %dma_start3A_171] : memref<64x128xf32, #tpu.memory_space<vmem>> -> memref<64x128xf32, #tpu.memory_space<vmem>>
      tpu.enqueue_dma source(%dma_start3A_172 : memref<64x128xf32, #tpu.memory_space<vmem>>) target(%dma_start3A_169 : memref<64x128xf32, #tpu.memory_space<vmem_shared>>) target_semaphore(%run_scoped3A : memref<!tpu.dma_semaphore, #tpu.memory_space<semaphore_mem>>)
      %dma_wait3A_173 = arith.constant 0 : i32
      %dma_wait3A_174 = arith.constant 0 : i32
      %dma_wait3A_175 = tpu.memref_slice %arg13[%dma_wait3A_173, %dma_wait3A_174] : memref<64x128xf32, #tpu.memory_space<vmem>> -> memref<64x128xf32, #tpu.memory_space<vmem>>
      %dma_wait3A_176 = arith.constant 0 : i32
      %dma_wait3A_177 = tpu.memref_slice %arg17[%add3A_42, %dma_wait3A_176] : memref<10240x128xf32, #tpu.memory_space<vmem_shared>> -> memref<64x128xf32, #tpu.memory_space<vmem_shared>>
      %dma_wait3A_178 = arith.constant 0 : i32
      %dma_wait3A_179 = tpu.memref_slice %arg17[%add3A_42, %dma_wait3A_178] : memref<10240x128xf32, #tpu.memory_space<vmem_shared>> -> memref<64x128xf32, #tpu.memory_space<vmem_shared>>
      %dma_wait3A_180 = arith.constant 0 : i32
      %dma_wait3A_181 = arith.constant 0 : i32
      %dma_wait3A_182 = tpu.memref_slice %arg13[%dma_wait3A_180, %dma_wait3A_181] : memref<64x128xf32, #tpu.memory_space<vmem>> -> memref<64x128xf32, #tpu.memory_space<vmem>>
      tpu.wait_dma2 semaphore(%run_scoped3A : memref<!tpu.dma_semaphore, #tpu.memory_space<semaphore_mem>>) src(%dma_wait3A_182 : memref<64x128xf32, #tpu.memory_space<vmem>>) dst(%dma_wait3A_179 : memref<64x128xf32, #tpu.memory_space<vmem_shared>>)
      tpu.yield
    }) : () -> ()
    "tpu.region"() ({
      %run_scoped3A = tpu.sem_alloc : memref<!tpu.dma_semaphore, #tpu.memory_space<semaphore_mem>>
      tpu.enqueue_dma source(%arg3 : memref<10240xf32, #tpu.memory_space<hbm>>) target(%arg15 : memref<10240xf32, #tpu.memory_space<vmem>>) target_semaphore(%run_scoped3A : memref<!tpu.dma_semaphore, #tpu.memory_space<semaphore_mem>>)
      tpu.wait_dma2 semaphore(%run_scoped3A : memref<!tpu.dma_semaphore, #tpu.memory_space<semaphore_mem>>) src(%arg3 : memref<10240xf32, #tpu.memory_space<hbm>>) dst(%arg15 : memref<10240xf32, #tpu.memory_space<vmem>>)
      tpu.yield
    }) : () -> ()
    "tpu.region"() ({
      %run_scoped3A = tpu.sem_alloc : memref<!tpu.dma_semaphore, #tpu.memory_space<semaphore_mem>>
      tpu.enqueue_dma source(%arg5 : memref<10240xf32, #tpu.memory_space<hbm>>) target(%arg16 : memref<10240xf32, #tpu.memory_space<vmem>>) target_semaphore(%run_scoped3A : memref<!tpu.dma_semaphore, #tpu.memory_space<semaphore_mem>>)
      tpu.wait_dma2 semaphore(%run_scoped3A : memref<!tpu.dma_semaphore, #tpu.memory_space<semaphore_mem>>) src(%arg5 : memref<10240xf32, #tpu.memory_space<hbm>>) dst(%arg16 : memref<10240xf32, #tpu.memory_space<vmem>>)
      tpu.yield
    }) : () -> ()
    %barrier3A = arith.constant 0 : index
    tpu.barrier barrier_id(%barrier3A)
    %dma_start3A = arith.constant 0 : i32
    %dma_start3A_43 = arith.constant 0 : i32
    %dma_start3A_44 = arith.constant 0 : i32
    %dma_start3A_45 = tpu.memref_slice %arg4[%add3A, %dma_start3A, %dma_start3A_43, %dma_start3A_44] : memref<32x268x2x64xi32, #tpu.memory_space<hbm>> -> memref<1x1x2x64xi32, #tpu.memory_space<hbm>>
    %dma_start3A_46 = tpu.memref_squeeze %dma_start3A_45 : memref<1x1x2x64xi32, #tpu.memory_space<hbm>> -> memref<2x64xi32, #tpu.memory_space<hbm>>
    %dma_start3A_47 = arith.constant 0 : i32
    %dma_start3A_48 = arith.constant 0 : i32
    %dma_start3A_49 = tpu.memref_slice %arg4[%add3A, %dma_start3A, %dma_start3A_47, %dma_start3A_48] : memref<32x268x2x64xi32, #tpu.memory_space<hbm>> -> memref<1x1x2x64xi32, #tpu.memory_space<hbm>>
    %dma_start3A_50 = tpu.memref_squeeze %dma_start3A_49 : memref<1x1x2x64xi32, #tpu.memory_space<hbm>> -> memref<2x64xi32, #tpu.memory_space<hbm>>
    tpu.enqueue_dma source(%dma_start3A_50 : memref<2x64xi32, #tpu.memory_space<hbm>>) target(%arg9 : memref<2x64xi32, #tpu.memory_space<vmem>>) target_semaphore(%arg22 : memref<!tpu.dma_semaphore, #tpu.memory_space<semaphore_mem>>)
    %dma_start3A_51 = arith.constant 1 : i32
    %dma_start3A_52 = arith.constant 0 : i32
    %dma_start3A_53 = arith.constant 0 : i32
    %dma_start3A_54 = tpu.memref_slice %arg4[%add3A, %dma_start3A_51, %dma_start3A_52, %dma_start3A_53] : memref<32x268x2x64xi32, #tpu.memory_space<hbm>> -> memref<1x1x2x64xi32, #tpu.memory_space<hbm>>
    %dma_start3A_55 = tpu.memref_squeeze %dma_start3A_54 : memref<1x1x2x64xi32, #tpu.memory_space<hbm>> -> memref<2x64xi32, #tpu.memory_space<hbm>>
    %dma_start3A_56 = arith.constant 0 : i32
    %dma_start3A_57 = arith.constant 0 : i32
    %dma_start3A_58 = tpu.memref_slice %arg4[%add3A, %dma_start3A_51, %dma_start3A_56, %dma_start3A_57] : memref<32x268x2x64xi32, #tpu.memory_space<hbm>> -> memref<1x1x2x64xi32, #tpu.memory_space<hbm>>
    %dma_start3A_59 = tpu.memref_squeeze %dma_start3A_58 : memref<1x1x2x64xi32, #tpu.memory_space<hbm>> -> memref<2x64xi32, #tpu.memory_space<hbm>>
    tpu.enqueue_dma source(%dma_start3A_59 : memref<2x64xi32, #tpu.memory_space<hbm>>) target(%arg10 : memref<2x64xi32, #tpu.memory_space<vmem>>) target_semaphore(%arg23 : memref<!tpu.dma_semaphore, #tpu.memory_space<semaphore_mem>>)
    %jit3A_60 = arith.constant 4 : i32
    %div3A = arith.divsi %select_n3A, %jit3A_60 : i32
    %sign3A = arith.constant 0 : i32
    %sign3A_61 = arith.cmpi sgt, %select_n3A, %sign3A : i32
    %sign3A_62 = arith.extui %sign3A_61 : i1 to i32
    %sign3A_63 = arith.constant 0 : i32
    %sign3A_64 = arith.cmpi slt, %select_n3A, %sign3A_63 : i32
    %sign3A_65 = arith.extui %sign3A_64 : i1 to i32
    %sign3A_66 = arith.subi %sign3A_62, %sign3A_65 : i32
    %sign3A_67 = arith.constant 0 : i32
    %sign3A_68 = arith.cmpi sgt, %jit3A_60, %sign3A_67 : i32
    %sign3A_69 = arith.extui %sign3A_68 : i1 to i32
    %sign3A_70 = arith.constant 0 : i32
    %sign3A_71 = arith.cmpi slt, %jit3A_60, %sign3A_70 : i32
    %sign3A_72 = arith.extui %sign3A_71 : i1 to i32
    %sign3A_73 = arith.subi %sign3A_69, %sign3A_72 : i32
    %ne3A = arith.cmpi ne, %sign3A_66, %sign3A_73 : i32
    %rem3A = arith.remsi %select_n3A, %jit3A_60 : i32
    %ne3A_74 = arith.constant 0 : i32
    %ne3A_75 = arith.cmpi ne, %rem3A, %ne3A_74 : i32
    %and3A = arith.andi %ne3A, %ne3A_75 : i1
    %sub3A = arith.constant 1 : i32
    %sub3A_76 = arith.subi %div3A, %sub3A : i32
    %select_n3A_77 = arith.select %and3A, %sub3A_76, %div3A : i32
    %while3A = arith.constant 0 : i32
    %while3A_78 = arith.constant 0 : i32
    %while3A_79 = arith.subi %select_n3A_77, %while3A_78 : i32
    %while3A_80 = arith.addi %while3A_78, %while3A_79 : i32
    %while3A_81 = arith.constant 1 : i32
    %while3A_82 = arith.divsi %while3A_79, %while3A_81 : i32
    %while3A_83 = arith.muli %while3A_82, %while3A_81 : i32
    %while3A_84 = arith.addi %while3A_78, %while3A_83 : i32
    %while3A_85 = arith.constant 1 : i32
    scf.for %while3A_163 = %while3A_78 to %while3A_84 step %while3A_85  : i32 {
      %mul3A_164 = arith.constant 4 : i32
      %mul3A_165 = arith.muli %mul3A_164, %while3A_163 : i32
      %gt3A = arith.constant 0 : i32
      %gt3A_166 = arith.cmpi sgt, %while3A_163, %gt3A : i32
      %convert_element_type3A = arith.extui %gt3A_166 : i1 to i32
      %cond3A = arith.constant 0 : i32
      %cond3A_167 = arith.cmpi ne, %convert_element_type3A, %cond3A : i32
      scf.if %cond3A_167 {
        %dma_wait3A_491 = arith.constant 1 : i32
        %dma_wait3A_492 = arith.constant 0 : i32
        %dma_wait3A_493 = tpu.memref_slice %arg11[%dma_wait3A_491, %dma_wait3A_492] : memref<2x64xi32, #tpu.memory_space<vmem>> -> memref<1x64xi32, #tpu.memory_space<vmem>>
        %dma_wait3A_494 = tpu.memref_squeeze %dma_wait3A_493 : memref<1x64xi32, #tpu.memory_space<vmem>> -> memref<64xi32, #tpu.memory_space<vmem>>
        %dma_wait3A_495 = arith.constant 0 : i32
        %dma_wait3A_496 = arith.constant 0 : i32
        %dma_wait3A_497 = tpu.memref_slice %arg17[%dma_wait3A_495, %dma_wait3A_496] : memref<10240x128xf32, #tpu.memory_space<vmem_shared>> -> memref<10240x128xf32, #tpu.memory_space<vmem_shared>>
        tpu.wait_indirect_dma semaphore(%arg20 : memref<!tpu.dma_semaphore, #tpu.memory_space<semaphore_mem>>) src(%arg13 : memref<64x128xf32, #tpu.memory_space<vmem>>) dst(%dma_wait3A_497 : memref<10240x128xf32, #tpu.memory_space<vmem_shared>>)
        %dma_wait3A_498 = arith.constant 1 : i32
        %dma_wait3A_499 = arith.constant 0 : i32
        %dma_wait3A_500 = tpu.memref_slice %arg12[%dma_wait3A_498, %dma_wait3A_499] : memref<2x64xi32, #tpu.memory_space<vmem>> -> memref<1x64xi32, #tpu.memory_space<vmem>>
        %dma_wait3A_501 = tpu.memref_squeeze %dma_wait3A_500 : memref<1x64xi32, #tpu.memory_space<vmem>> -> memref<64xi32, #tpu.memory_space<vmem>>
        %dma_wait3A_502 = arith.constant 0 : i32
        %dma_wait3A_503 = arith.constant 0 : i32
        %dma_wait3A_504 = tpu.memref_slice %arg17[%dma_wait3A_502, %dma_wait3A_503] : memref<10240x128xf32, #tpu.memory_space<vmem_shared>> -> memref<10240x128xf32, #tpu.memory_space<vmem_shared>>
        tpu.wait_indirect_dma semaphore(%arg21 : memref<!tpu.dma_semaphore, #tpu.memory_space<semaphore_mem>>) src(%arg14 : memref<64x128xf32, #tpu.memory_space<vmem>>) dst(%dma_wait3A_504 : memref<10240x128xf32, #tpu.memory_space<vmem_shared>>)
      } else {
      }
      %add3A_168 = arith.constant 2 : i32
      %add3A_169 = arith.addi %mul3A_165, %add3A_168 : i32
      %dma_start3A_170 = arith.constant 0 : i32
      %dma_start3A_171 = arith.constant 0 : i32
      %dma_start3A_172 = tpu.memref_slice %arg4[%add3A, %add3A_169, %dma_start3A_170, %dma_start3A_171] : memref<32x268x2x64xi32, #tpu.memory_space<hbm>> -> memref<1x1x2x64xi32, #tpu.memory_space<hbm>>
      %dma_start3A_173 = tpu.memref_squeeze %dma_start3A_172 : memref<1x1x2x64xi32, #tpu.memory_space<hbm>> -> memref<2x64xi32, #tpu.memory_space<hbm>>
      %dma_start3A_174 = arith.constant 0 : i32
      %dma_start3A_175 = arith.constant 0 : i32
      %dma_start3A_176 = tpu.memref_slice %arg4[%add3A, %add3A_169, %dma_start3A_174, %dma_start3A_175] : memref<32x268x2x64xi32, #tpu.memory_space<hbm>> -> memref<1x1x2x64xi32, #tpu.memory_space<hbm>>
      %dma_start3A_177 = tpu.memref_squeeze %dma_start3A_176 : memref<1x1x2x64xi32, #tpu.memory_space<hbm>> -> memref<2x64xi32, #tpu.memory_space<hbm>>
      tpu.enqueue_dma source(%dma_start3A_177 : memref<2x64xi32, #tpu.memory_space<hbm>>) target(%arg11 : memref<2x64xi32, #tpu.memory_space<vmem>>) target_semaphore(%arg24 : memref<!tpu.dma_semaphore, #tpu.memory_space<semaphore_mem>>)
      %add3A_178 = arith.constant 3 : i32
      %add3A_179 = arith.addi %mul3A_165, %add3A_178 : i32
      %dma_start3A_180 = arith.constant 0 : i32
      %dma_start3A_181 = arith.constant 0 : i32
      %dma_start3A_182 = tpu.memref_slice %arg4[%add3A, %add3A_179, %dma_start3A_180, %dma_start3A_181] : memref<32x268x2x64xi32, #tpu.memory_space<hbm>> -> memref<1x1x2x64xi32, #tpu.memory_space<hbm>>
      %dma_start3A_183 = tpu.memref_squeeze %dma_start3A_182 : memref<1x1x2x64xi32, #tpu.memory_space<hbm>> -> memref<2x64xi32, #tpu.memory_space<hbm>>
      %dma_start3A_184 = arith.constant 0 : i32
      %dma_start3A_185 = arith.constant 0 : i32
      %dma_start3A_186 = tpu.memref_slice %arg4[%add3A, %add3A_179, %dma_start3A_184, %dma_start3A_185] : memref<32x268x2x64xi32, #tpu.memory_space<hbm>> -> memref<1x1x2x64xi32, #tpu.memory_space<hbm>>
      %dma_start3A_187 = tpu.memref_squeeze %dma_start3A_186 : memref<1x1x2x64xi32, #tpu.memory_space<hbm>> -> memref<2x64xi32, #tpu.memory_space<hbm>>
      tpu.enqueue_dma source(%dma_start3A_187 : memref<2x64xi32, #tpu.memory_space<hbm>>) target(%arg12 : memref<2x64xi32, #tpu.memory_space<vmem>>) target_semaphore(%arg25 : memref<!tpu.dma_semaphore, #tpu.memory_space<semaphore_mem>>)
      %dma_wait3A_188 = arith.constant 0 : i32
      %dma_wait3A_189 = arith.constant 0 : i32
      %dma_wait3A_190 = tpu.memref_slice %arg4[%add3A, %mul3A_165, %dma_wait3A_188, %dma_wait3A_189] : memref<32x268x2x64xi32, #tpu.memory_space<hbm>> -> memref<1x1x2x64xi32, #tpu.memory_space<hbm>>
      %dma_wait3A_191 = tpu.memref_squeeze %dma_wait3A_190 : memref<1x1x2x64xi32, #tpu.memory_space<hbm>> -> memref<2x64xi32, #tpu.memory_space<hbm>>
      %dma_wait3A_192 = arith.constant 0 : i32
      %dma_wait3A_193 = arith.constant 0 : i32
      %dma_wait3A_194 = tpu.memref_slice %arg4[%add3A, %mul3A_165, %dma_wait3A_192, %dma_wait3A_193] : memref<32x268x2x64xi32, #tpu.memory_space<hbm>> -> memref<1x1x2x64xi32, #tpu.memory_space<hbm>>
      %dma_wait3A_195 = tpu.memref_squeeze %dma_wait3A_194 : memref<1x1x2x64xi32, #tpu.memory_space<hbm>> -> memref<2x64xi32, #tpu.memory_space<hbm>>
      tpu.wait_dma2 semaphore(%arg22 : memref<!tpu.dma_semaphore, #tpu.memory_space<semaphore_mem>>) src(%dma_wait3A_195 : memref<2x64xi32, #tpu.memory_space<hbm>>) dst(%arg9 : memref<2x64xi32, #tpu.memory_space<vmem>>)
      %dma_start3A_196 = arith.constant 0 : i32
      %dma_start3A_197 = arith.constant 0 : i32
      %dma_start3A_198 = tpu.memref_slice %arg9[%dma_start3A_196, %dma_start3A_197] : memref<2x64xi32, #tpu.memory_space<vmem>> -> memref<1x64xi32, #tpu.memory_space<vmem>>
      %dma_start3A_199 = tpu.memref_squeeze %dma_start3A_198 : memref<1x64xi32, #tpu.memory_space<vmem>> -> memref<64xi32, #tpu.memory_space<vmem>>
      %dma_start3A_200 = arith.constant 0 : i32
      %dma_start3A_201 = arith.constant 0 : i32
      %dma_start3A_202 = tpu.memref_slice %arg2[%dma_start3A_200, %dma_start3A_201] : memref<10240x128xf32, #tpu.memory_space<hbm>> -> memref<10240x128xf32, #tpu.memory_space<hbm>>
      tpu.enqueue_indirect_dma source(%dma_start3A_202 : memref<10240x128xf32, #tpu.memory_space<hbm>>) target(%arg13 : memref<64x128xf32, #tpu.memory_space<vmem>>) offsets(%dma_start3A_199 : memref<64xi32, #tpu.memory_space<vmem>>) semaphore(%arg18 : memref<!tpu.dma_semaphore, #tpu.memory_space<semaphore_mem>>)
      %add3A_203 = arith.constant 1 : i32
      %add3A_204 = arith.addi %mul3A_165, %add3A_203 : i32
      %dma_wait3A_205 = arith.constant 0 : i32
      %dma_wait3A_206 = arith.constant 0 : i32
      %dma_wait3A_207 = tpu.memref_slice %arg4[%add3A, %add3A_204, %dma_wait3A_205, %dma_wait3A_206] : memref<32x268x2x64xi32, #tpu.memory_space<hbm>> -> memref<1x1x2x64xi32, #tpu.memory_space<hbm>>
      %dma_wait3A_208 = tpu.memref_squeeze %dma_wait3A_207 : memref<1x1x2x64xi32, #tpu.memory_space<hbm>> -> memref<2x64xi32, #tpu.memory_space<hbm>>
      %dma_wait3A_209 = arith.constant 0 : i32
      %dma_wait3A_210 = arith.constant 0 : i32
      %dma_wait3A_211 = tpu.memref_slice %arg4[%add3A, %add3A_204, %dma_wait3A_209, %dma_wait3A_210] : memref<32x268x2x64xi32, #tpu.memory_space<hbm>> -> memref<1x1x2x64xi32, #tpu.memory_space<hbm>>
      %dma_wait3A_212 = tpu.memref_squeeze %dma_wait3A_211 : memref<1x1x2x64xi32, #tpu.memory_space<hbm>> -> memref<2x64xi32, #tpu.memory_space<hbm>>
      tpu.wait_dma2 semaphore(%arg23 : memref<!tpu.dma_semaphore, #tpu.memory_space<semaphore_mem>>) src(%dma_wait3A_212 : memref<2x64xi32, #tpu.memory_space<hbm>>) dst(%arg10 : memref<2x64xi32, #tpu.memory_space<vmem>>)
      %dma_start3A_213 = arith.constant 0 : i32
      %dma_start3A_214 = arith.constant 0 : i32
      %dma_start3A_215 = tpu.memref_slice %arg10[%dma_start3A_213, %dma_start3A_214] : memref<2x64xi32, #tpu.memory_space<vmem>> -> memref<1x64xi32, #tpu.memory_space<vmem>>
      %dma_start3A_216 = tpu.memref_squeeze %dma_start3A_215 : memref<1x64xi32, #tpu.memory_space<vmem>> -> memref<64xi32, #tpu.memory_space<vmem>>
      %dma_start3A_217 = arith.constant 0 : i32
      %dma_start3A_218 = arith.constant 0 : i32
      %dma_start3A_219 = tpu.memref_slice %arg2[%dma_start3A_217, %dma_start3A_218] : memref<10240x128xf32, #tpu.memory_space<hbm>> -> memref<10240x128xf32, #tpu.memory_space<hbm>>
      tpu.enqueue_indirect_dma source(%dma_start3A_219 : memref<10240x128xf32, #tpu.memory_space<hbm>>) target(%arg14 : memref<64x128xf32, #tpu.memory_space<vmem>>) offsets(%dma_start3A_216 : memref<64xi32, #tpu.memory_space<vmem>>) semaphore(%arg19 : memref<!tpu.dma_semaphore, #tpu.memory_space<semaphore_mem>>)
      %dma_wait3A_220 = arith.constant 0 : i32
      %dma_wait3A_221 = arith.constant 0 : i32
      %dma_wait3A_222 = tpu.memref_slice %arg9[%dma_wait3A_220, %dma_wait3A_221] : memref<2x64xi32, #tpu.memory_space<vmem>> -> memref<1x64xi32, #tpu.memory_space<vmem>>
      %dma_wait3A_223 = tpu.memref_squeeze %dma_wait3A_222 : memref<1x64xi32, #tpu.memory_space<vmem>> -> memref<64xi32, #tpu.memory_space<vmem>>
      %dma_wait3A_224 = arith.constant 0 : i32
      %dma_wait3A_225 = arith.constant 0 : i32
      %dma_wait3A_226 = tpu.memref_slice %arg2[%dma_wait3A_224, %dma_wait3A_225] : memref<10240x128xf32, #tpu.memory_space<hbm>> -> memref<10240x128xf32, #tpu.memory_space<hbm>>
      tpu.wait_indirect_dma semaphore(%arg18 : memref<!tpu.dma_semaphore, #tpu.memory_space<semaphore_mem>>) src(%dma_wait3A_226 : memref<10240x128xf32, #tpu.memory_space<hbm>>) dst(%arg13 : memref<64x128xf32, #tpu.memory_space<vmem>>)
      %dma_start3A_227 = arith.constant 1 : i32
      %dma_start3A_228 = arith.constant 0 : i32
      %dma_start3A_229 = tpu.memref_slice %arg9[%dma_start3A_227, %dma_start3A_228] : memref<2x64xi32, #tpu.memory_space<vmem>> -> memref<1x64xi32, #tpu.memory_space<vmem>>
      %dma_start3A_230 = tpu.memref_squeeze %dma_start3A_229 : memref<1x64xi32, #tpu.memory_space<vmem>> -> memref<64xi32, #tpu.memory_space<vmem>>
      %dma_start3A_231 = arith.constant 0 : i32
      %dma_start3A_232 = arith.constant 0 : i32
      %dma_start3A_233 = tpu.memref_slice %arg17[%dma_start3A_231, %dma_start3A_232] : memref<10240x128xf32, #tpu.memory_space<vmem_shared>> -> memref<10240x128xf32, #tpu.memory_space<vmem_shared>>
      tpu.enqueue_indirect_dma source(%arg13 : memref<64x128xf32, #tpu.memory_space<vmem>>) target(%dma_start3A_233 : memref<10240x128xf32, #tpu.memory_space<vmem_shared>>) offsets(%dma_start3A_230 : memref<64xi32, #tpu.memory_space<vmem>>) semaphore(%arg20 : memref<!tpu.dma_semaphore, #tpu.memory_space<semaphore_mem>>) {add = true}
      %get3A = arith.constant 0 : i32
      %get3A_234 = arith.index_cast %get3A : i32 to index
      %get3A_235 = arith.constant 0 : index
      %get3A_236 = tpu.vector_load %arg9[%get3A_234, %get3A_235] {strides = array<i32>} : memref<2x64xi32, #tpu.memory_space<vmem>>, vector<16xi32>,
      %get3A_237 = arith.constant 1 : i32
      %get3A_238 = arith.index_cast %get3A_237 : i32 to index
      %get3A_239 = arith.constant 0 : index
      %get3A_240 = tpu.vector_load %arg9[%get3A_238, %get3A_239] {strides = array<i32>} : memref<2x64xi32, #tpu.memory_space<vmem>>, vector<16xi32>,
      %gather3A = tpu.vector_load_idx %arg15[%get3A_240] : memref<10240xf32, #tpu.memory_space<vmem>>[vector<16xi32>], vector<16xf32>,
      tpu.vector_store_idx %arg16[%get3A_236], %gather3A {add = true} : memref<10240xf32, #tpu.memory_space<vmem>>[vector<16xi32>], vector<16xf32>,
      %get3A_241 = arith.constant 0 : i32
      %get3A_242 = arith.index_cast %get3A_241 : i32 to index
      %get3A_243 = arith.constant 16 : index
      %get3A_244 = tpu.vector_load %arg9[%get3A_242, %get3A_243] {strides = array<i32>} : memref<2x64xi32, #tpu.memory_space<vmem>>, vector<16xi32>,
      %get3A_245 = arith.constant 1 : i32
      %get3A_246 = arith.index_cast %get3A_245 : i32 to index
      %get3A_247 = arith.constant 16 : index
      %get3A_248 = tpu.vector_load %arg9[%get3A_246, %get3A_247] {strides = array<i32>} : memref<2x64xi32, #tpu.memory_space<vmem>>, vector<16xi32>,
      %gather3A_249 = tpu.vector_load_idx %arg15[%get3A_248] : memref<10240xf32, #tpu.memory_space<vmem>>[vector<16xi32>], vector<16xf32>,
      tpu.vector_store_idx %arg16[%get3A_244], %gather3A_249 {add = true} : memref<10240xf32, #tpu.memory_space<vmem>>[vector<16xi32>], vector<16xf32>,
      %get3A_250 = arith.constant 0 : i32
      %get3A_251 = arith.index_cast %get3A_250 : i32 to index
      %get3A_252 = arith.constant 32 : index
      %get3A_253 = tpu.vector_load %arg9[%get3A_251, %get3A_252] {strides = array<i32>} : memref<2x64xi32, #tpu.memory_space<vmem>>, vector<16xi32>,
      %get3A_254 = arith.constant 1 : i32
      %get3A_255 = arith.index_cast %get3A_254 : i32 to index
      %get3A_256 = arith.constant 32 : index
      %get3A_257 = tpu.vector_load %arg9[%get3A_255, %get3A_256] {strides = array<i32>} : memref<2x64xi32, #tpu.memory_space<vmem>>, vector<16xi32>,
      %gather3A_258 = tpu.vector_load_idx %arg15[%get3A_257] : memref<10240xf32, #tpu.memory_space<vmem>>[vector<16xi32>], vector<16xf32>,
      tpu.vector_store_idx %arg16[%get3A_253], %gather3A_258 {add = true} : memref<10240xf32, #tpu.memory_space<vmem>>[vector<16xi32>], vector<16xf32>,
      %get3A_259 = arith.constant 0 : i32
      %get3A_260 = arith.index_cast %get3A_259 : i32 to index
      %get3A_261 = arith.constant 48 : index
      %get3A_262 = tpu.vector_load %arg9[%get3A_260, %get3A_261] {strides = array<i32>} : memref<2x64xi32, #tpu.memory_space<vmem>>, vector<16xi32>,
      %get3A_263 = arith.constant 1 : i32
      %get3A_264 = arith.index_cast %get3A_263 : i32 to index
      %get3A_265 = arith.constant 48 : index
      %get3A_266 = tpu.vector_load %arg9[%get3A_264, %get3A_265] {strides = array<i32>} : memref<2x64xi32, #tpu.memory_space<vmem>>, vector<16xi32>,
      %gather3A_267 = tpu.vector_load_idx %arg15[%get3A_266] : memref<10240xf32, #tpu.memory_space<vmem>>[vector<16xi32>], vector<16xf32>,
      tpu.vector_store_idx %arg16[%get3A_262], %gather3A_267 {add = true} : memref<10240xf32, #tpu.memory_space<vmem>>[vector<16xi32>], vector<16xf32>,
      %dma_wait3A_268 = arith.constant 0 : i32
      %dma_wait3A_269 = arith.constant 0 : i32
      %dma_wait3A_270 = tpu.memref_slice %arg10[%dma_wait3A_268, %dma_wait3A_269] : memref<2x64xi32, #tpu.memory_space<vmem>> -> memref<1x64xi32, #tpu.memory_space<vmem>>
      %dma_wait3A_271 = tpu.memref_squeeze %dma_wait3A_270 : memref<1x64xi32, #tpu.memory_space<vmem>> -> memref<64xi32, #tpu.memory_space<vmem>>
      %dma_wait3A_272 = arith.constant 0 : i32
      %dma_wait3A_273 = arith.constant 0 : i32
      %dma_wait3A_274 = tpu.memref_slice %arg2[%dma_wait3A_272, %dma_wait3A_273] : memref<10240x128xf32, #tpu.memory_space<hbm>> -> memref<10240x128xf32, #tpu.memory_space<hbm>>
      tpu.wait_indirect_dma semaphore(%arg19 : memref<!tpu.dma_semaphore, #tpu.memory_space<semaphore_mem>>) src(%dma_wait3A_274 : memref<10240x128xf32, #tpu.memory_space<hbm>>) dst(%arg14 : memref<64x128xf32, #tpu.memory_space<vmem>>)
      %dma_start3A_275 = arith.constant 1 : i32
      %dma_start3A_276 = arith.constant 0 : i32
      %dma_start3A_277 = tpu.memref_slice %arg10[%dma_start3A_275, %dma_start3A_276] : memref<2x64xi32, #tpu.memory_space<vmem>> -> memref<1x64xi32, #tpu.memory_space<vmem>>
      %dma_start3A_278 = tpu.memref_squeeze %dma_start3A_277 : memref<1x64xi32, #tpu.memory_space<vmem>> -> memref<64xi32, #tpu.memory_space<vmem>>
      %dma_start3A_279 = arith.constant 0 : i32
      %dma_start3A_280 = arith.constant 0 : i32
      %dma_start3A_281 = tpu.memref_slice %arg17[%dma_start3A_279, %dma_start3A_280] : memref<10240x128xf32, #tpu.memory_space<vmem_shared>> -> memref<10240x128xf32, #tpu.memory_space<vmem_shared>>
      tpu.enqueue_indirect_dma source(%arg14 : memref<64x128xf32, #tpu.memory_space<vmem>>) target(%dma_start3A_281 : memref<10240x128xf32, #tpu.memory_space<vmem_shared>>) offsets(%dma_start3A_278 : memref<64xi32, #tpu.memory_space<vmem>>) semaphore(%arg21 : memref<!tpu.dma_semaphore, #tpu.memory_space<semaphore_mem>>) {add = true}
      %get3A_282 = arith.constant 0 : i32
      %get3A_283 = arith.index_cast %get3A_282 : i32 to index
      %get3A_284 = arith.constant 0 : index
      %get3A_285 = tpu.vector_load %arg10[%get3A_283, %get3A_284] {strides = array<i32>} : memref<2x64xi32, #tpu.memory_space<vmem>>, vector<16xi32>,
      %get3A_286 = arith.constant 1 : i32
      %get3A_287 = arith.index_cast %get3A_286 : i32 to index
      %get3A_288 = arith.constant 0 : index
      %get3A_289 = tpu.vector_load %arg10[%get3A_287, %get3A_288] {strides = array<i32>} : memref<2x64xi32, #tpu.memory_space<vmem>>, vector<16xi32>,
      %gather3A_290 = tpu.vector_load_idx %arg15[%get3A_289] : memref<10240xf32, #tpu.memory_space<vmem>>[vector<16xi32>], vector<16xf32>,
      tpu.vector_store_idx %arg16[%get3A_285], %gather3A_290 {add = true} : memref<10240xf32, #tpu.memory_space<vmem>>[vector<16xi32>], vector<16xf32>,
      %get3A_291 = arith.constant 0 : i32
      %get3A_292 = arith.index_cast %get3A_291 : i32 to index
      %get3A_293 = arith.constant 16 : index
      %get3A_294 = tpu.vector_load %arg10[%get3A_292, %get3A_293] {strides = array<i32>} : memref<2x64xi32, #tpu.memory_space<vmem>>, vector<16xi32>,
      %get3A_295 = arith.constant 1 : i32
      %get3A_296 = arith.index_cast %get3A_295 : i32 to index
      %get3A_297 = arith.constant 16 : index
      %get3A_298 = tpu.vector_load %arg10[%get3A_296, %get3A_297] {strides = array<i32>} : memref<2x64xi32, #tpu.memory_space<vmem>>, vector<16xi32>,
      %gather3A_299 = tpu.vector_load_idx %arg15[%get3A_298] : memref<10240xf32, #tpu.memory_space<vmem>>[vector<16xi32>], vector<16xf32>,
      tpu.vector_store_idx %arg16[%get3A_294], %gather3A_299 {add = true} : memref<10240xf32, #tpu.memory_space<vmem>>[vector<16xi32>], vector<16xf32>,
      %get3A_300 = arith.constant 0 : i32
      %get3A_301 = arith.index_cast %get3A_300 : i32 to index
      %get3A_302 = arith.constant 32 : index
      %get3A_303 = tpu.vector_load %arg10[%get3A_301, %get3A_302] {strides = array<i32>} : memref<2x64xi32, #tpu.memory_space<vmem>>, vector<16xi32>,
      %get3A_304 = arith.constant 1 : i32
      %get3A_305 = arith.index_cast %get3A_304 : i32 to index
      %get3A_306 = arith.constant 32 : index
      %get3A_307 = tpu.vector_load %arg10[%get3A_305, %get3A_306] {strides = array<i32>} : memref<2x64xi32, #tpu.memory_space<vmem>>, vector<16xi32>,
      %gather3A_308 = tpu.vector_load_idx %arg15[%get3A_307] : memref<10240xf32, #tpu.memory_space<vmem>>[vector<16xi32>], vector<16xf32>,
      tpu.vector_store_idx %arg16[%get3A_303], %gather3A_308 {add = true} : memref<10240xf32, #tpu.memory_space<vmem>>[vector<16xi32>], vector<16xf32>,
      %get3A_309 = arith.constant 0 : i32
      %get3A_310 = arith.index_cast %get3A_309 : i32 to index
      %get3A_311 = arith.constant 48 : index
      %get3A_312 = tpu.vector_load %arg10[%get3A_310, %get3A_311] {strides = array<i32>} : memref<2x64xi32, #tpu.memory_space<vmem>>, vector<16xi32>,
      %get3A_313 = arith.constant 1 : i32
      %get3A_314 = arith.index_cast %get3A_313 : i32 to index
      %get3A_315 = arith.constant 48 : index
      %get3A_316 = tpu.vector_load %arg10[%get3A_314, %get3A_315] {strides = array<i32>} : memref<2x64xi32, #tpu.memory_space<vmem>>, vector<16xi32>,
      %gather3A_317 = tpu.vector_load_idx %arg15[%get3A_316] : memref<10240xf32, #tpu.memory_space<vmem>>[vector<16xi32>], vector<16xf32>,
      tpu.vector_store_idx %arg16[%get3A_312], %gather3A_317 {add = true} : memref<10240xf32, #tpu.memory_space<vmem>>[vector<16xi32>], vector<16xf32>,
      %add3A_318 = arith.constant 4 : i32
      %add3A_319 = arith.addi %mul3A_165, %add3A_318 : i32
      %sub3A_320 = arith.constant 2 : i32
      %sub3A_321 = arith.subi %select_n3A, %sub3A_320 : i32
      %min3A = arith.minsi %add3A_319, %sub3A_321 : i32
      %add3A_322 = arith.constant 5 : i32
      %add3A_323 = arith.addi %mul3A_165, %add3A_322 : i32
      %sub3A_324 = arith.constant 1 : i32
      %sub3A_325 = arith.subi %select_n3A, %sub3A_324 : i32
      %min3A_326 = arith.minsi %add3A_323, %sub3A_325 : i32
      %dma_wait3A_327 = arith.constant 1 : i32
      %dma_wait3A_328 = arith.constant 0 : i32
      %dma_wait3A_329 = tpu.memref_slice %arg9[%dma_wait3A_327, %dma_wait3A_328] : memref<2x64xi32, #tpu.memory_space<vmem>> -> memref<1x64xi32, #tpu.memory_space<vmem>>
      %dma_wait3A_330 = tpu.memref_squeeze %dma_wait3A_329 : memref<1x64xi32, #tpu.memory_space<vmem>> -> memref<64xi32, #tpu.memory_space<vmem>>
      %dma_wait3A_331 = arith.constant 0 : i32
      %dma_wait3A_332 = arith.constant 0 : i32
      %dma_wait3A_333 = tpu.memref_slice %arg17[%dma_wait3A_331, %dma_wait3A_332] : memref<10240x128xf32, #tpu.memory_space<vmem_shared>> -> memref<10240x128xf32, #tpu.memory_space<vmem_shared>>
      tpu.wait_indirect_dma semaphore(%arg20 : memref<!tpu.dma_semaphore, #tpu.memory_space<semaphore_mem>>) src(%arg13 : memref<64x128xf32, #tpu.memory_space<vmem>>) dst(%dma_wait3A_333 : memref<10240x128xf32, #tpu.memory_space<vmem_shared>>)
      %dma_start3A_334 = arith.constant 0 : i32
      %dma_start3A_335 = arith.constant 0 : i32
      %dma_start3A_336 = tpu.memref_slice %arg4[%add3A, %min3A, %dma_start3A_334, %dma_start3A_335] : memref<32x268x2x64xi32, #tpu.memory_space<hbm>> -> memref<1x1x2x64xi32, #tpu.memory_space<hbm>>
      %dma_start3A_337 = tpu.memref_squeeze %dma_start3A_336 : memref<1x1x2x64xi32, #tpu.memory_space<hbm>> -> memref<2x64xi32, #tpu.memory_space<hbm>>
      %dma_start3A_338 = arith.constant 0 : i32
      %dma_start3A_339 = arith.constant 0 : i32
      %dma_start3A_340 = tpu.memref_slice %arg4[%add3A, %min3A, %dma_start3A_338, %dma_start3A_339] : memref<32x268x2x64xi32, #tpu.memory_space<hbm>> -> memref<1x1x2x64xi32, #tpu.memory_space<hbm>>
      %dma_start3A_341 = tpu.memref_squeeze %dma_start3A_340 : memref<1x1x2x64xi32, #tpu.memory_space<hbm>> -> memref<2x64xi32, #tpu.memory_space<hbm>>
      tpu.enqueue_dma source(%dma_start3A_341 : memref<2x64xi32, #tpu.memory_space<hbm>>) target(%arg9 : memref<2x64xi32, #tpu.memory_space<vmem>>) target_semaphore(%arg22 : memref<!tpu.dma_semaphore, #tpu.memory_space<semaphore_mem>>)
      %add3A_342 = arith.constant 2 : i32
      %add3A_343 = arith.addi %mul3A_165, %add3A_342 : i32
      %dma_wait3A_344 = arith.constant 0 : i32
      %dma_wait3A_345 = arith.constant 0 : i32
      %dma_wait3A_346 = tpu.memref_slice %arg4[%add3A, %add3A_343, %dma_wait3A_344, %dma_wait3A_345] : memref<32x268x2x64xi32, #tpu.memory_space<hbm>> -> memref<1x1x2x64xi32, #tpu.memory_space<hbm>>
      %dma_wait3A_347 = tpu.memref_squeeze %dma_wait3A_346 : memref<1x1x2x64xi32, #tpu.memory_space<hbm>> -> memref<2x64xi32, #tpu.memory_space<hbm>>
      %dma_wait3A_348 = arith.constant 0 : i32
      %dma_wait3A_349 = arith.constant 0 : i32
      %dma_wait3A_350 = tpu.memref_slice %arg4[%add3A, %add3A_343, %dma_wait3A_348, %dma_wait3A_349] : memref<32x268x2x64xi32, #tpu.memory_space<hbm>> -> memref<1x1x2x64xi32, #tpu.memory_space<hbm>>
      %dma_wait3A_351 = tpu.memref_squeeze %dma_wait3A_350 : memref<1x1x2x64xi32, #tpu.memory_space<hbm>> -> memref<2x64xi32, #tpu.memory_space<hbm>>
      tpu.wait_dma2 semaphore(%arg24 : memref<!tpu.dma_semaphore, #tpu.memory_space<semaphore_mem>>) src(%dma_wait3A_351 : memref<2x64xi32, #tpu.memory_space<hbm>>) dst(%arg11 : memref<2x64xi32, #tpu.memory_space<vmem>>)
      %dma_start3A_352 = arith.constant 0 : i32
      %dma_start3A_353 = arith.constant 0 : i32
      %dma_start3A_354 = tpu.memref_slice %arg11[%dma_start3A_352, %dma_start3A_353] : memref<2x64xi32, #tpu.memory_space<vmem>> -> memref<1x64xi32, #tpu.memory_space<vmem>>
      %dma_start3A_355 = tpu.memref_squeeze %dma_start3A_354 : memref<1x64xi32, #tpu.memory_space<vmem>> -> memref<64xi32, #tpu.memory_space<vmem>>
      %dma_start3A_356 = arith.constant 0 : i32
      %dma_start3A_357 = arith.constant 0 : i32
      %dma_start3A_358 = tpu.memref_slice %arg2[%dma_start3A_356, %dma_start3A_357] : memref<10240x128xf32, #tpu.memory_space<hbm>> -> memref<10240x128xf32, #tpu.memory_space<hbm>>
      tpu.enqueue_indirect_dma source(%dma_start3A_358 : memref<10240x128xf32, #tpu.memory_space<hbm>>) target(%arg13 : memref<64x128xf32, #tpu.memory_space<vmem>>) offsets(%dma_start3A_355 : memref<64xi32, #tpu.memory_space<vmem>>) semaphore(%arg18 : memref<!tpu.dma_semaphore, #tpu.memory_space<semaphore_mem>>)
      %dma_wait3A_359 = arith.constant 1 : i32
      %dma_wait3A_360 = arith.constant 0 : i32
      %dma_wait3A_361 = tpu.memref_slice %arg10[%dma_wait3A_359, %dma_wait3A_360] : memref<2x64xi32, #tpu.memory_space<vmem>> -> memref<1x64xi32, #tpu.memory_space<vmem>>
      %dma_wait3A_362 = tpu.memref_squeeze %dma_wait3A_361 : memref<1x64xi32, #tpu.memory_space<vmem>> -> memref<64xi32, #tpu.memory_space<vmem>>
      %dma_wait3A_363 = arith.constant 0 : i32
      %dma_wait3A_364 = arith.constant 0 : i32
      %dma_wait3A_365 = tpu.memref_slice %arg17[%dma_wait3A_363, %dma_wait3A_364] : memref<10240x128xf32, #tpu.memory_space<vmem_shared>> -> memref<10240x128xf32, #tpu.memory_space<vmem_shared>>
      tpu.wait_indirect_dma semaphore(%arg21 : memref<!tpu.dma_semaphore, #tpu.memory_space<semaphore_mem>>) src(%arg14 : memref<64x128xf32, #tpu.memory_space<vmem>>) dst(%dma_wait3A_365 : memref<10240x128xf32, #tpu.memory_space<vmem_shared>>)
      %dma_start3A_366 = arith.constant 0 : i32
      %dma_start3A_367 = arith.constant 0 : i32
      %dma_start3A_368 = tpu.memref_slice %arg4[%add3A, %min3A_326, %dma_start3A_366, %dma_start3A_367] : memref<32x268x2x64xi32, #tpu.memory_space<hbm>> -> memref<1x1x2x64xi32, #tpu.memory_space<hbm>>
      %dma_start3A_369 = tpu.memref_squeeze %dma_start3A_368 : memref<1x1x2x64xi32, #tpu.memory_space<hbm>> -> memref<2x64xi32, #tpu.memory_space<hbm>>
      %dma_start3A_370 = arith.constant 0 : i32
      %dma_start3A_371 = arith.constant 0 : i32
      %dma_start3A_372 = tpu.memref_slice %arg4[%add3A, %min3A_326, %dma_start3A_370, %dma_start3A_371] : memref<32x268x2x64xi32, #tpu.memory_space<hbm>> -> memref<1x1x2x64xi32, #tpu.memory_space<hbm>>
      %dma_start3A_373 = tpu.memref_squeeze %dma_start3A_372 : memref<1x1x2x64xi32, #tpu.memory_space<hbm>> -> memref<2x64xi32, #tpu.memory_space<hbm>>
      tpu.enqueue_dma source(%dma_start3A_373 : memref<2x64xi32, #tpu.memory_space<hbm>>) target(%arg10 : memref<2x64xi32, #tpu.memory_space<vmem>>) target_semaphore(%arg23 : memref<!tpu.dma_semaphore, #tpu.memory_space<semaphore_mem>>)
      %add3A_374 = arith.constant 3 : i32
      %add3A_375 = arith.addi %mul3A_165, %add3A_374 : i32
      %dma_wait3A_376 = arith.constant 0 : i32
      %dma_wait3A_377 = arith.constant 0 : i32
      %dma_wait3A_378 = tpu.memref_slice %arg4[%add3A, %add3A_375, %dma_wait3A_376, %dma_wait3A_377] : memref<32x268x2x64xi32, #tpu.memory_space<hbm>> -> memref<1x1x2x64xi32, #tpu.memory_space<hbm>>
      %dma_wait3A_379 = tpu.memref_squeeze %dma_wait3A_378 : memref<1x1x2x64xi32, #tpu.memory_space<hbm>> -> memref<2x64xi32, #tpu.memory_space<hbm>>
      %dma_wait3A_380 = arith.constant 0 : i32
      %dma_wait3A_381 = arith.constant 0 : i32
      %dma_wait3A_382 = tpu.memref_slice %arg4[%add3A, %add3A_375, %dma_wait3A_380, %dma_wait3A_381] : memref<32x268x2x64xi32, #tpu.memory_space<hbm>> -> memref<1x1x2x64xi32, #tpu.memory_space<hbm>>
      %dma_wait3A_383 = tpu.memref_squeeze %dma_wait3A_382 : memref<1x1x2x64xi32, #tpu.memory_space<hbm>> -> memref<2x64xi32, #tpu.memory_space<hbm>>
      tpu.wait_dma2 semaphore(%arg25 : memref<!tpu.dma_semaphore, #tpu.memory_space<semaphore_mem>>) src(%dma_wait3A_383 : memref<2x64xi32, #tpu.memory_space<hbm>>) dst(%arg12 : memref<2x64xi32, #tpu.memory_space<vmem>>)
      %dma_start3A_384 = arith.constant 0 : i32
      %dma_start3A_385 = arith.constant 0 : i32
      %dma_start3A_386 = tpu.memref_slice %arg12[%dma_start3A_384, %dma_start3A_385] : memref<2x64xi32, #tpu.memory_space<vmem>> -> memref<1x64xi32, #tpu.memory_space<vmem>>
      %dma_start3A_387 = tpu.memref_squeeze %dma_start3A_386 : memref<1x64xi32, #tpu.memory_space<vmem>> -> memref<64xi32, #tpu.memory_space<vmem>>
      %dma_start3A_388 = arith.constant 0 : i32
      %dma_start3A_389 = arith.constant 0 : i32
      %dma_start3A_390 = tpu.memref_slice %arg2[%dma_start3A_388, %dma_start3A_389] : memref<10240x128xf32, #tpu.memory_space<hbm>> -> memref<10240x128xf32, #tpu.memory_space<hbm>>
      tpu.enqueue_indirect_dma source(%dma_start3A_390 : memref<10240x128xf32, #tpu.memory_space<hbm>>) target(%arg14 : memref<64x128xf32, #tpu.memory_space<vmem>>) offsets(%dma_start3A_387 : memref<64xi32, #tpu.memory_space<vmem>>) semaphore(%arg19 : memref<!tpu.dma_semaphore, #tpu.memory_space<semaphore_mem>>)
      %dma_wait3A_391 = arith.constant 0 : i32
      %dma_wait3A_392 = arith.constant 0 : i32
      %dma_wait3A_393 = tpu.memref_slice %arg11[%dma_wait3A_391, %dma_wait3A_392] : memref<2x64xi32, #tpu.memory_space<vmem>> -> memref<1x64xi32, #tpu.memory_space<vmem>>
      %dma_wait3A_394 = tpu.memref_squeeze %dma_wait3A_393 : memref<1x64xi32, #tpu.memory_space<vmem>> -> memref<64xi32, #tpu.memory_space<vmem>>
      %dma_wait3A_395 = arith.constant 0 : i32
      %dma_wait3A_396 = arith.constant 0 : i32
      %dma_wait3A_397 = tpu.memref_slice %arg2[%dma_wait3A_395, %dma_wait3A_396] : memref<10240x128xf32, #tpu.memory_space<hbm>> -> memref<10240x128xf32, #tpu.memory_space<hbm>>
      tpu.wait_indirect_dma semaphore(%arg18 : memref<!tpu.dma_semaphore, #tpu.memory_space<semaphore_mem>>) src(%dma_wait3A_397 : memref<10240x128xf32, #tpu.memory_space<hbm>>) dst(%arg13 : memref<64x128xf32, #tpu.memory_space<vmem>>)
      %dma_start3A_398 = arith.constant 1 : i32
      %dma_start3A_399 = arith.constant 0 : i32
      %dma_start3A_400 = tpu.memref_slice %arg11[%dma_start3A_398, %dma_start3A_399] : memref<2x64xi32, #tpu.memory_space<vmem>> -> memref<1x64xi32, #tpu.memory_space<vmem>>
      %dma_start3A_401 = tpu.memref_squeeze %dma_start3A_400 : memref<1x64xi32, #tpu.memory_space<vmem>> -> memref<64xi32, #tpu.memory_space<vmem>>
      %dma_start3A_402 = arith.constant 0 : i32
      %dma_start3A_403 = arith.constant 0 : i32
      %dma_start3A_404 = tpu.memref_slice %arg17[%dma_start3A_402, %dma_start3A_403] : memref<10240x128xf32, #tpu.memory_space<vmem_shared>> -> memref<10240x128xf32, #tpu.memory_space<vmem_shared>>
      tpu.enqueue_indirect_dma source(%arg13 : memref<64x128xf32, #tpu.memory_space<vmem>>) target(%dma_start3A_404 : memref<10240x128xf32, #tpu.memory_space<vmem_shared>>) offsets(%dma_start3A_401 : memref<64xi32, #tpu.memory_space<vmem>>) semaphore(%arg20 : memref<!tpu.dma_semaphore, #tpu.memory_space<semaphore_mem>>) {add = true}
      %get3A_405 = arith.constant 0 : i32
      %get3A_406 = arith.index_cast %get3A_405 : i32 to index
      %get3A_407 = arith.constant 0 : index
      %get3A_408 = tpu.vector_load %arg11[%get3A_406, %get3A_407] {strides = array<i32>} : memref<2x64xi32, #tpu.memory_space<vmem>>, vector<16xi32>,
      %get3A_409 = arith.constant 1 : i32
      %get3A_410 = arith.index_cast %get3A_409 : i32 to index
      %get3A_411 = arith.constant 0 : index
      %get3A_412 = tpu.vector_load %arg11[%get3A_410, %get3A_411] {strides = array<i32>} : memref<2x64xi32, #tpu.memory_space<vmem>>, vector<16xi32>,
      %gather3A_413 = tpu.vector_load_idx %arg15[%get3A_412] : memref<10240xf32, #tpu.memory_space<vmem>>[vector<16xi32>], vector<16xf32>,
      tpu.vector_store_idx %arg16[%get3A_408], %gather3A_413 {add = true} : memref<10240xf32, #tpu.memory_space<vmem>>[vector<16xi32>], vector<16xf32>,
      %get3A_414 = arith.constant 0 : i32
      %get3A_415 = arith.index_cast %get3A_414 : i32 to index
      %get3A_416 = arith.constant 16 : index
      %get3A_417 = tpu.vector_load %arg11[%get3A_415, %get3A_416] {strides = array<i32>} : memref<2x64xi32, #tpu.memory_space<vmem>>, vector<16xi32>,
      %get3A_418 = arith.constant 1 : i32
      %get3A_419 = arith.index_cast %get3A_418 : i32 to index
      %get3A_420 = arith.constant 16 : index
      %get3A_421 = tpu.vector_load %arg11[%get3A_419, %get3A_420] {strides = array<i32>} : memref<2x64xi32, #tpu.memory_space<vmem>>, vector<16xi32>,
      %gather3A_422 = tpu.vector_load_idx %arg15[%get3A_421] : memref<10240xf32, #tpu.memory_space<vmem>>[vector<16xi32>], vector<16xf32>,
      tpu.vector_store_idx %arg16[%get3A_417], %gather3A_422 {add = true} : memref<10240xf32, #tpu.memory_space<vmem>>[vector<16xi32>], vector<16xf32>,
      %get3A_423 = arith.constant 0 : i32
      %get3A_424 = arith.index_cast %get3A_423 : i32 to index
      %get3A_425 = arith.constant 32 : index
      %get3A_426 = tpu.vector_load %arg11[%get3A_424, %get3A_425] {strides = array<i32>} : memref<2x64xi32, #tpu.memory_space<vmem>>, vector<16xi32>,
      %get3A_427 = arith.constant 1 : i32
      %get3A_428 = arith.index_cast %get3A_427 : i32 to index
      %get3A_429 = arith.constant 32 : index
      %get3A_430 = tpu.vector_load %arg11[%get3A_428, %get3A_429] {strides = array<i32>} : memref<2x64xi32, #tpu.memory_space<vmem>>, vector<16xi32>,
      %gather3A_431 = tpu.vector_load_idx %arg15[%get3A_430] : memref<10240xf32, #tpu.memory_space<vmem>>[vector<16xi32>], vector<16xf32>,
      tpu.vector_store_idx %arg16[%get3A_426], %gather3A_431 {add = true} : memref<10240xf32, #tpu.memory_space<vmem>>[vector<16xi32>], vector<16xf32>,
      %get3A_432 = arith.constant 0 : i32
      %get3A_433 = arith.index_cast %get3A_432 : i32 to index
      %get3A_434 = arith.constant 48 : index
      %get3A_435 = tpu.vector_load %arg11[%get3A_433, %get3A_434] {strides = array<i32>} : memref<2x64xi32, #tpu.memory_space<vmem>>, vector<16xi32>,
      %get3A_436 = arith.constant 1 : i32
      %get3A_437 = arith.index_cast %get3A_436 : i32 to index
      %get3A_438 = arith.constant 48 : index
      %get3A_439 = tpu.vector_load %arg11[%get3A_437, %get3A_438] {strides = array<i32>} : memref<2x64xi32, #tpu.memory_space<vmem>>, vector<16xi32>,
      %gather3A_440 = tpu.vector_load_idx %arg15[%get3A_439] : memref<10240xf32, #tpu.memory_space<vmem>>[vector<16xi32>], vector<16xf32>,
      tpu.vector_store_idx %arg16[%get3A_435], %gather3A_440 {add = true} : memref<10240xf32, #tpu.memory_space<vmem>>[vector<16xi32>], vector<16xf32>,
      %dma_wait3A_441 = arith.constant 0 : i32
      %dma_wait3A_442 = arith.constant 0 : i32
      %dma_wait3A_443 = tpu.memref_slice %arg12[%dma_wait3A_441, %dma_wait3A_442] : memref<2x64xi32, #tpu.memory_space<vmem>> -> memref<1x64xi32, #tpu.memory_space<vmem>>
      %dma_wait3A_444 = tpu.memref_squeeze %dma_wait3A_443 : memref<1x64xi32, #tpu.memory_space<vmem>> -> memref<64xi32, #tpu.memory_space<vmem>>
      %dma_wait3A_445 = arith.constant 0 : i32
      %dma_wait3A_446 = arith.constant 0 : i32
      %dma_wait3A_447 = tpu.memref_slice %arg2[%dma_wait3A_445, %dma_wait3A_446] : memref<10240x128xf32, #tpu.memory_space<hbm>> -> memref<10240x128xf32, #tpu.memory_space<hbm>>
      tpu.wait_indirect_dma semaphore(%arg19 : memref<!tpu.dma_semaphore, #tpu.memory_space<semaphore_mem>>) src(%dma_wait3A_447 : memref<10240x128xf32, #tpu.memory_space<hbm>>) dst(%arg14 : memref<64x128xf32, #tpu.memory_space<vmem>>)
      %dma_start3A_448 = arith.constant 1 : i32
      %dma_start3A_449 = arith.constant 0 : i32
      %dma_start3A_450 = tpu.memref_slice %arg12[%dma_start3A_448, %dma_start3A_449] : memref<2x64xi32, #tpu.memory_space<vmem>> -> memref<1x64xi32, #tpu.memory_space<vmem>>
      %dma_start3A_451 = tpu.memref_squeeze %dma_start3A_450 : memref<1x64xi32, #tpu.memory_space<vmem>> -> memref<64xi32, #tpu.memory_space<vmem>>
      %dma_start3A_452 = arith.constant 0 : i32
      %dma_start3A_453 = arith.constant 0 : i32
      %dma_start3A_454 = tpu.memref_slice %arg17[%dma_start3A_452, %dma_start3A_453] : memref<10240x128xf32, #tpu.memory_space<vmem_shared>> -> memref<10240x128xf32, #tpu.memory_space<vmem_shared>>
      tpu.enqueue_indirect_dma source(%arg14 : memref<64x128xf32, #tpu.memory_space<vmem>>) target(%dma_start3A_454 : memref<10240x128xf32, #tpu.memory_space<vmem_shared>>) offsets(%dma_start3A_451 : memref<64xi32, #tpu.memory_space<vmem>>) semaphore(%arg21 : memref<!tpu.dma_semaphore, #tpu.memory_space<semaphore_mem>>) {add = true}
      %get3A_455 = arith.constant 0 : i32
      %get3A_456 = arith.index_cast %get3A_455 : i32 to index
      %get3A_457 = arith.constant 0 : index
      %get3A_458 = tpu.vector_load %arg12[%get3A_456, %get3A_457] {strides = array<i32>} : memref<2x64xi32, #tpu.memory_space<vmem>>, vector<16xi32>,
      %get3A_459 = arith.constant 1 : i32
      %get3A_460 = arith.index_cast %get3A_459 : i32 to index
      %get3A_461 = arith.constant 0 : index
      %get3A_462 = tpu.vector_load %arg12[%get3A_460, %get3A_461] {strides = array<i32>} : memref<2x64xi32, #tpu.memory_space<vmem>>, vector<16xi32>,
      %gather3A_463 = tpu.vector_load_idx %arg15[%get3A_462] : memref<10240xf32, #tpu.memory_space<vmem>>[vector<16xi32>], vector<16xf32>,
      tpu.vector_store_idx %arg16[%get3A_458], %gather3A_463 {add = true} : memref<10240xf32, #tpu.memory_space<vmem>>[vector<16xi32>], vector<16xf32>,
      %get3A_464 = arith.constant 0 : i32
      %get3A_465 = arith.index_cast %get3A_464 : i32 to index
      %get3A_466 = arith.constant 16 : index
      %get3A_467 = tpu.vector_load %arg12[%get3A_465, %get3A_466] {strides = array<i32>} : memref<2x64xi32, #tpu.memory_space<vmem>>, vector<16xi32>,
      %get3A_468 = arith.constant 1 : i32
      %get3A_469 = arith.index_cast %get3A_468 : i32 to index
      %get3A_470 = arith.constant 16 : index
      %get3A_471 = tpu.vector_load %arg12[%get3A_469, %get3A_470] {strides = array<i32>} : memref<2x64xi32, #tpu.memory_space<vmem>>, vector<16xi32>,
      %gather3A_472 = tpu.vector_load_idx %arg15[%get3A_471] : memref<10240xf32, #tpu.memory_space<vmem>>[vector<16xi32>], vector<16xf32>,
      tpu.vector_store_idx %arg16[%get3A_467], %gather3A_472 {add = true} : memref<10240xf32, #tpu.memory_space<vmem>>[vector<16xi32>], vector<16xf32>,
      %get3A_473 = arith.constant 0 : i32
      %get3A_474 = arith.index_cast %get3A_473 : i32 to index
      %get3A_475 = arith.constant 32 : index
      %get3A_476 = tpu.vector_load %arg12[%get3A_474, %get3A_475] {strides = array<i32>} : memref<2x64xi32, #tpu.memory_space<vmem>>, vector<16xi32>,
      %get3A_477 = arith.constant 1 : i32
      %get3A_478 = arith.index_cast %get3A_477 : i32 to index
      %get3A_479 = arith.constant 32 : index
      %get3A_480 = tpu.vector_load %arg12[%get3A_478, %get3A_479] {strides = array<i32>} : memref<2x64xi32, #tpu.memory_space<vmem>>, vector<16xi32>,
      %gather3A_481 = tpu.vector_load_idx %arg15[%get3A_480] : memref<10240xf32, #tpu.memory_space<vmem>>[vector<16xi32>], vector<16xf32>,
      tpu.vector_store_idx %arg16[%get3A_476], %gather3A_481 {add = true} : memref<10240xf32, #tpu.memory_space<vmem>>[vector<16xi32>], vector<16xf32>,
      %get3A_482 = arith.constant 0 : i32
      %get3A_483 = arith.index_cast %get3A_482 : i32 to index
      %get3A_484 = arith.constant 48 : index
      %get3A_485 = tpu.vector_load %arg12[%get3A_483, %get3A_484] {strides = array<i32>} : memref<2x64xi32, #tpu.memory_space<vmem>>, vector<16xi32>,
      %get3A_486 = arith.constant 1 : i32
      %get3A_487 = arith.index_cast %get3A_486 : i32 to index
      %get3A_488 = arith.constant 48 : index
      %get3A_489 = tpu.vector_load %arg12[%get3A_487, %get3A_488] {strides = array<i32>} : memref<2x64xi32, #tpu.memory_space<vmem>>, vector<16xi32>,
      %gather3A_490 = tpu.vector_load_idx %arg15[%get3A_489] : memref<10240xf32, #tpu.memory_space<vmem>>[vector<16xi32>], vector<16xf32>,
      tpu.vector_store_idx %arg16[%get3A_485], %gather3A_490 {add = true} : memref<10240xf32, #tpu.memory_space<vmem>>[vector<16xi32>], vector<16xf32>,
    }
    %while3A_86 = arith.constant 1 : i32
    scf.for %while3A_163 = %while3A_84 to %while3A_80 step %while3A_86  : i32 {
      %mul3A_164 = arith.constant 4 : i32
      %mul3A_165 = arith.muli %mul3A_164, %while3A_163 : i32
      %gt3A = arith.constant 0 : i32
      %gt3A_166 = arith.cmpi sgt, %while3A_163, %gt3A : i32
      %convert_element_type3A = arith.extui %gt3A_166 : i1 to i32
      %cond3A = arith.constant 0 : i32
      %cond3A_167 = arith.cmpi ne, %convert_element_type3A, %cond3A : i32
      scf.if %cond3A_167 {
        %dma_wait3A_491 = arith.constant 1 : i32
        %dma_wait3A_492 = arith.constant 0 : i32
        %dma_wait3A_493 = tpu.memref_slice %arg11[%dma_wait3A_491, %dma_wait3A_492] : memref<2x64xi32, #tpu.memory_space<vmem>> -> memref<1x64xi32, #tpu.memory_space<vmem>>
        %dma_wait3A_494 = tpu.memref_squeeze %dma_wait3A_493 : memref<1x64xi32, #tpu.memory_space<vmem>> -> memref<64xi32, #tpu.memory_space<vmem>>
        %dma_wait3A_495 = arith.constant 0 : i32
        %dma_wait3A_496 = arith.constant 0 : i32
        %dma_wait3A_497 = tpu.memref_slice %arg17[%dma_wait3A_495, %dma_wait3A_496] : memref<10240x128xf32, #tpu.memory_space<vmem_shared>> -> memref<10240x128xf32, #tpu.memory_space<vmem_shared>>
        tpu.wait_indirect_dma semaphore(%arg20 : memref<!tpu.dma_semaphore, #tpu.memory_space<semaphore_mem>>) src(%arg13 : memref<64x128xf32, #tpu.memory_space<vmem>>) dst(%dma_wait3A_497 : memref<10240x128xf32, #tpu.memory_space<vmem_shared>>)
        %dma_wait3A_498 = arith.constant 1 : i32
        %dma_wait3A_499 = arith.constant 0 : i32
        %dma_wait3A_500 = tpu.memref_slice %arg12[%dma_wait3A_498, %dma_wait3A_499] : memref<2x64xi32, #tpu.memory_space<vmem>> -> memref<1x64xi32, #tpu.memory_space<vmem>>
        %dma_wait3A_501 = tpu.memref_squeeze %dma_wait3A_500 : memref<1x64xi32, #tpu.memory_space<vmem>> -> memref<64xi32, #tpu.memory_space<vmem>>
        %dma_wait3A_502 = arith.constant 0 : i32
        %dma_wait3A_503 = arith.constant 0 : i32
        %dma_wait3A_504 = tpu.memref_slice %arg17[%dma_wait3A_502, %dma_wait3A_503] : memref<10240x128xf32, #tpu.memory_space<vmem_shared>> -> memref<10240x128xf32, #tpu.memory_space<vmem_shared>>
        tpu.wait_indirect_dma semaphore(%arg21 : memref<!tpu.dma_semaphore, #tpu.memory_space<semaphore_mem>>) src(%arg14 : memref<64x128xf32, #tpu.memory_space<vmem>>) dst(%dma_wait3A_504 : memref<10240x128xf32, #tpu.memory_space<vmem_shared>>)
      } else {
      }
      %add3A_168 = arith.constant 2 : i32
      %add3A_169 = arith.addi %mul3A_165, %add3A_168 : i32
      %dma_start3A_170 = arith.constant 0 : i32
      %dma_start3A_171 = arith.constant 0 : i32
      %dma_start3A_172 = tpu.memref_slice %arg4[%add3A, %add3A_169, %dma_start3A_170, %dma_start3A_171] : memref<32x268x2x64xi32, #tpu.memory_space<hbm>> -> memref<1x1x2x64xi32, #tpu.memory_space<hbm>>
      %dma_start3A_173 = tpu.memref_squeeze %dma_start3A_172 : memref<1x1x2x64xi32, #tpu.memory_space<hbm>> -> memref<2x64xi32, #tpu.memory_space<hbm>>
      %dma_start3A_174 = arith.constant 0 : i32
      %dma_start3A_175 = arith.constant 0 : i32
      %dma_start3A_176 = tpu.memref_slice %arg4[%add3A, %add3A_169, %dma_start3A_174, %dma_start3A_175] : memref<32x268x2x64xi32, #tpu.memory_space<hbm>> -> memref<1x1x2x64xi32, #tpu.memory_space<hbm>>
      %dma_start3A_177 = tpu.memref_squeeze %dma_start3A_176 : memref<1x1x2x64xi32, #tpu.memory_space<hbm>> -> memref<2x64xi32, #tpu.memory_space<hbm>>
      tpu.enqueue_dma source(%dma_start3A_177 : memref<2x64xi32, #tpu.memory_space<hbm>>) target(%arg11 : memref<2x64xi32, #tpu.memory_space<vmem>>) target_semaphore(%arg24 : memref<!tpu.dma_semaphore, #tpu.memory_space<semaphore_mem>>)
      %add3A_178 = arith.constant 3 : i32
      %add3A_179 = arith.addi %mul3A_165, %add3A_178 : i32
      %dma_start3A_180 = arith.constant 0 : i32
      %dma_start3A_181 = arith.constant 0 : i32
      %dma_start3A_182 = tpu.memref_slice %arg4[%add3A, %add3A_179, %dma_start3A_180, %dma_start3A_181] : memref<32x268x2x64xi32, #tpu.memory_space<hbm>> -> memref<1x1x2x64xi32, #tpu.memory_space<hbm>>
      %dma_start3A_183 = tpu.memref_squeeze %dma_start3A_182 : memref<1x1x2x64xi32, #tpu.memory_space<hbm>> -> memref<2x64xi32, #tpu.memory_space<hbm>>
      %dma_start3A_184 = arith.constant 0 : i32
      %dma_start3A_185 = arith.constant 0 : i32
      %dma_start3A_186 = tpu.memref_slice %arg4[%add3A, %add3A_179, %dma_start3A_184, %dma_start3A_185] : memref<32x268x2x64xi32, #tpu.memory_space<hbm>> -> memref<1x1x2x64xi32, #tpu.memory_space<hbm>>
      %dma_start3A_187 = tpu.memref_squeeze %dma_start3A_186 : memref<1x1x2x64xi32, #tpu.memory_space<hbm>> -> memref<2x64xi32, #tpu.memory_space<hbm>>
      tpu.enqueue_dma source(%dma_start3A_187 : memref<2x64xi32, #tpu.memory_space<hbm>>) target(%arg12 : memref<2x64xi32, #tpu.memory_space<vmem>>) target_semaphore(%arg25 : memref<!tpu.dma_semaphore, #tpu.memory_space<semaphore_mem>>)
      %dma_wait3A_188 = arith.constant 0 : i32
      %dma_wait3A_189 = arith.constant 0 : i32
      %dma_wait3A_190 = tpu.memref_slice %arg4[%add3A, %mul3A_165, %dma_wait3A_188, %dma_wait3A_189] : memref<32x268x2x64xi32, #tpu.memory_space<hbm>> -> memref<1x1x2x64xi32, #tpu.memory_space<hbm>>
      %dma_wait3A_191 = tpu.memref_squeeze %dma_wait3A_190 : memref<1x1x2x64xi32, #tpu.memory_space<hbm>> -> memref<2x64xi32, #tpu.memory_space<hbm>>
      %dma_wait3A_192 = arith.constant 0 : i32
      %dma_wait3A_193 = arith.constant 0 : i32
      %dma_wait3A_194 = tpu.memref_slice %arg4[%add3A, %mul3A_165, %dma_wait3A_192, %dma_wait3A_193] : memref<32x268x2x64xi32, #tpu.memory_space<hbm>> -> memref<1x1x2x64xi32, #tpu.memory_space<hbm>>
      %dma_wait3A_195 = tpu.memref_squeeze %dma_wait3A_194 : memref<1x1x2x64xi32, #tpu.memory_space<hbm>> -> memref<2x64xi32, #tpu.memory_space<hbm>>
      tpu.wait_dma2 semaphore(%arg22 : memref<!tpu.dma_semaphore, #tpu.memory_space<semaphore_mem>>) src(%dma_wait3A_195 : memref<2x64xi32, #tpu.memory_space<hbm>>) dst(%arg9 : memref<2x64xi32, #tpu.memory_space<vmem>>)
      %dma_start3A_196 = arith.constant 0 : i32
      %dma_start3A_197 = arith.constant 0 : i32
      %dma_start3A_198 = tpu.memref_slice %arg9[%dma_start3A_196, %dma_start3A_197] : memref<2x64xi32, #tpu.memory_space<vmem>> -> memref<1x64xi32, #tpu.memory_space<vmem>>
      %dma_start3A_199 = tpu.memref_squeeze %dma_start3A_198 : memref<1x64xi32, #tpu.memory_space<vmem>> -> memref<64xi32, #tpu.memory_space<vmem>>
      %dma_start3A_200 = arith.constant 0 : i32
      %dma_start3A_201 = arith.constant 0 : i32
      %dma_start3A_202 = tpu.memref_slice %arg2[%dma_start3A_200, %dma_start3A_201] : memref<10240x128xf32, #tpu.memory_space<hbm>> -> memref<10240x128xf32, #tpu.memory_space<hbm>>
      tpu.enqueue_indirect_dma source(%dma_start3A_202 : memref<10240x128xf32, #tpu.memory_space<hbm>>) target(%arg13 : memref<64x128xf32, #tpu.memory_space<vmem>>) offsets(%dma_start3A_199 : memref<64xi32, #tpu.memory_space<vmem>>) semaphore(%arg18 : memref<!tpu.dma_semaphore, #tpu.memory_space<semaphore_mem>>)
      %add3A_203 = arith.constant 1 : i32
      %add3A_204 = arith.addi %mul3A_165, %add3A_203 : i32
      %dma_wait3A_205 = arith.constant 0 : i32
      %dma_wait3A_206 = arith.constant 0 : i32
      %dma_wait3A_207 = tpu.memref_slice %arg4[%add3A, %add3A_204, %dma_wait3A_205, %dma_wait3A_206] : memref<32x268x2x64xi32, #tpu.memory_space<hbm>> -> memref<1x1x2x64xi32, #tpu.memory_space<hbm>>
      %dma_wait3A_208 = tpu.memref_squeeze %dma_wait3A_207 : memref<1x1x2x64xi32, #tpu.memory_space<hbm>> -> memref<2x64xi32, #tpu.memory_space<hbm>>
      %dma_wait3A_209 = arith.constant 0 : i32
      %dma_wait3A_210 = arith.constant 0 : i32
      %dma_wait3A_211 = tpu.memref_slice %arg4[%add3A, %add3A_204, %dma_wait3A_209, %dma_wait3A_210] : memref<32x268x2x64xi32, #tpu.memory_space<hbm>> -> memref<1x1x2x64xi32, #tpu.memory_space<hbm>>
      %dma_wait3A_212 = tpu.memref_squeeze %dma_wait3A_211 : memref<1x1x2x64xi32, #tpu.memory_space<hbm>> -> memref<2x64xi32, #tpu.memory_space<hbm>>
      tpu.wait_dma2 semaphore(%arg23 : memref<!tpu.dma_semaphore, #tpu.memory_space<semaphore_mem>>) src(%dma_wait3A_212 : memref<2x64xi32, #tpu.memory_space<hbm>>) dst(%arg10 : memref<2x64xi32, #tpu.memory_space<vmem>>)
      %dma_start3A_213 = arith.constant 0 : i32
      %dma_start3A_214 = arith.constant 0 : i32
      %dma_start3A_215 = tpu.memref_slice %arg10[%dma_start3A_213, %dma_start3A_214] : memref<2x64xi32, #tpu.memory_space<vmem>> -> memref<1x64xi32, #tpu.memory_space<vmem>>
      %dma_start3A_216 = tpu.memref_squeeze %dma_start3A_215 : memref<1x64xi32, #tpu.memory_space<vmem>> -> memref<64xi32, #tpu.memory_space<vmem>>
      %dma_start3A_217 = arith.constant 0 : i32
      %dma_start3A_218 = arith.constant 0 : i32
      %dma_start3A_219 = tpu.memref_slice %arg2[%dma_start3A_217, %dma_start3A_218] : memref<10240x128xf32, #tpu.memory_space<hbm>> -> memref<10240x128xf32, #tpu.memory_space<hbm>>
      tpu.enqueue_indirect_dma source(%dma_start3A_219 : memref<10240x128xf32, #tpu.memory_space<hbm>>) target(%arg14 : memref<64x128xf32, #tpu.memory_space<vmem>>) offsets(%dma_start3A_216 : memref<64xi32, #tpu.memory_space<vmem>>) semaphore(%arg19 : memref<!tpu.dma_semaphore, #tpu.memory_space<semaphore_mem>>)
      %dma_wait3A_220 = arith.constant 0 : i32
      %dma_wait3A_221 = arith.constant 0 : i32
      %dma_wait3A_222 = tpu.memref_slice %arg9[%dma_wait3A_220, %dma_wait3A_221] : memref<2x64xi32, #tpu.memory_space<vmem>> -> memref<1x64xi32, #tpu.memory_space<vmem>>
      %dma_wait3A_223 = tpu.memref_squeeze %dma_wait3A_222 : memref<1x64xi32, #tpu.memory_space<vmem>> -> memref<64xi32, #tpu.memory_space<vmem>>
      %dma_wait3A_224 = arith.constant 0 : i32
      %dma_wait3A_225 = arith.constant 0 : i32
      %dma_wait3A_226 = tpu.memref_slice %arg2[%dma_wait3A_224, %dma_wait3A_225] : memref<10240x128xf32, #tpu.memory_space<hbm>> -> memref<10240x128xf32, #tpu.memory_space<hbm>>
      tpu.wait_indirect_dma semaphore(%arg18 : memref<!tpu.dma_semaphore, #tpu.memory_space<semaphore_mem>>) src(%dma_wait3A_226 : memref<10240x128xf32, #tpu.memory_space<hbm>>) dst(%arg13 : memref<64x128xf32, #tpu.memory_space<vmem>>)
      %dma_start3A_227 = arith.constant 1 : i32
      %dma_start3A_228 = arith.constant 0 : i32
      %dma_start3A_229 = tpu.memref_slice %arg9[%dma_start3A_227, %dma_start3A_228] : memref<2x64xi32, #tpu.memory_space<vmem>> -> memref<1x64xi32, #tpu.memory_space<vmem>>
      %dma_start3A_230 = tpu.memref_squeeze %dma_start3A_229 : memref<1x64xi32, #tpu.memory_space<vmem>> -> memref<64xi32, #tpu.memory_space<vmem>>
      %dma_start3A_231 = arith.constant 0 : i32
      %dma_start3A_232 = arith.constant 0 : i32
      %dma_start3A_233 = tpu.memref_slice %arg17[%dma_start3A_231, %dma_start3A_232] : memref<10240x128xf32, #tpu.memory_space<vmem_shared>> -> memref<10240x128xf32, #tpu.memory_space<vmem_shared>>
      tpu.enqueue_indirect_dma source(%arg13 : memref<64x128xf32, #tpu.memory_space<vmem>>) target(%dma_start3A_233 : memref<10240x128xf32, #tpu.memory_space<vmem_shared>>) offsets(%dma_start3A_230 : memref<64xi32, #tpu.memory_space<vmem>>) semaphore(%arg20 : memref<!tpu.dma_semaphore, #tpu.memory_space<semaphore_mem>>) {add = true}
      %get3A = arith.constant 0 : i32
      %get3A_234 = arith.index_cast %get3A : i32 to index
      %get3A_235 = arith.constant 0 : index
      %get3A_236 = tpu.vector_load %arg9[%get3A_234, %get3A_235] {strides = array<i32>} : memref<2x64xi32, #tpu.memory_space<vmem>>, vector<16xi32>,
      %get3A_237 = arith.constant 1 : i32
      %get3A_238 = arith.index_cast %get3A_237 : i32 to index
      %get3A_239 = arith.constant 0 : index
      %get3A_240 = tpu.vector_load %arg9[%get3A_238, %get3A_239] {strides = array<i32>} : memref<2x64xi32, #tpu.memory_space<vmem>>, vector<16xi32>,
      %gather3A = tpu.vector_load_idx %arg15[%get3A_240] : memref<10240xf32, #tpu.memory_space<vmem>>[vector<16xi32>], vector<16xf32>,
      tpu.vector_store_idx %arg16[%get3A_236], %gather3A {add = true} : memref<10240xf32, #tpu.memory_space<vmem>>[vector<16xi32>], vector<16xf32>,
      %get3A_241 = arith.constant 0 : i32
      %get3A_242 = arith.index_cast %get3A_241 : i32 to index
      %get3A_243 = arith.constant 16 : index
      %get3A_244 = tpu.vector_load %arg9[%get3A_242, %get3A_243] {strides = array<i32>} : memref<2x64xi32, #tpu.memory_space<vmem>>, vector<16xi32>,
      %get3A_245 = arith.constant 1 : i32
      %get3A_246 = arith.index_cast %get3A_245 : i32 to index
      %get3A_247 = arith.constant 16 : index
      %get3A_248 = tpu.vector_load %arg9[%get3A_246, %get3A_247] {strides = array<i32>} : memref<2x64xi32, #tpu.memory_space<vmem>>, vector<16xi32>,
      %gather3A_249 = tpu.vector_load_idx %arg15[%get3A_248] : memref<10240xf32, #tpu.memory_space<vmem>>[vector<16xi32>], vector<16xf32>,
      tpu.vector_store_idx %arg16[%get3A_244], %gather3A_249 {add = true} : memref<10240xf32, #tpu.memory_space<vmem>>[vector<16xi32>], vector<16xf32>,
      %get3A_250 = arith.constant 0 : i32
      %get3A_251 = arith.index_cast %get3A_250 : i32 to index
      %get3A_252 = arith.constant 32 : index
      %get3A_253 = tpu.vector_load %arg9[%get3A_251, %get3A_252] {strides = array<i32>} : memref<2x64xi32, #tpu.memory_space<vmem>>, vector<16xi32>,
      %get3A_254 = arith.constant 1 : i32
      %get3A_255 = arith.index_cast %get3A_254 : i32 to index
      %get3A_256 = arith.constant 32 : index
      %get3A_257 = tpu.vector_load %arg9[%get3A_255, %get3A_256] {strides = array<i32>} : memref<2x64xi32, #tpu.memory_space<vmem>>, vector<16xi32>,
      %gather3A_258 = tpu.vector_load_idx %arg15[%get3A_257] : memref<10240xf32, #tpu.memory_space<vmem>>[vector<16xi32>], vector<16xf32>,
      tpu.vector_store_idx %arg16[%get3A_253], %gather3A_258 {add = true} : memref<10240xf32, #tpu.memory_space<vmem>>[vector<16xi32>], vector<16xf32>,
      %get3A_259 = arith.constant 0 : i32
      %get3A_260 = arith.index_cast %get3A_259 : i32 to index
      %get3A_261 = arith.constant 48 : index
      %get3A_262 = tpu.vector_load %arg9[%get3A_260, %get3A_261] {strides = array<i32>} : memref<2x64xi32, #tpu.memory_space<vmem>>, vector<16xi32>,
      %get3A_263 = arith.constant 1 : i32
      %get3A_264 = arith.index_cast %get3A_263 : i32 to index
      %get3A_265 = arith.constant 48 : index
      %get3A_266 = tpu.vector_load %arg9[%get3A_264, %get3A_265] {strides = array<i32>} : memref<2x64xi32, #tpu.memory_space<vmem>>, vector<16xi32>,
      %gather3A_267 = tpu.vector_load_idx %arg15[%get3A_266] : memref<10240xf32, #tpu.memory_space<vmem>>[vector<16xi32>], vector<16xf32>,
      tpu.vector_store_idx %arg16[%get3A_262], %gather3A_267 {add = true} : memref<10240xf32, #tpu.memory_space<vmem>>[vector<16xi32>], vector<16xf32>,
      %dma_wait3A_268 = arith.constant 0 : i32
      %dma_wait3A_269 = arith.constant 0 : i32
      %dma_wait3A_270 = tpu.memref_slice %arg10[%dma_wait3A_268, %dma_wait3A_269] : memref<2x64xi32, #tpu.memory_space<vmem>> -> memref<1x64xi32, #tpu.memory_space<vmem>>
      %dma_wait3A_271 = tpu.memref_squeeze %dma_wait3A_270 : memref<1x64xi32, #tpu.memory_space<vmem>> -> memref<64xi32, #tpu.memory_space<vmem>>
      %dma_wait3A_272 = arith.constant 0 : i32
      %dma_wait3A_273 = arith.constant 0 : i32
      %dma_wait3A_274 = tpu.memref_slice %arg2[%dma_wait3A_272, %dma_wait3A_273] : memref<10240x128xf32, #tpu.memory_space<hbm>> -> memref<10240x128xf32, #tpu.memory_space<hbm>>
      tpu.wait_indirect_dma semaphore(%arg19 : memref<!tpu.dma_semaphore, #tpu.memory_space<semaphore_mem>>) src(%dma_wait3A_274 : memref<10240x128xf32, #tpu.memory_space<hbm>>) dst(%arg14 : memref<64x128xf32, #tpu.memory_space<vmem>>)
      %dma_start3A_275 = arith.constant 1 : i32
      %dma_start3A_276 = arith.constant 0 : i32
      %dma_start3A_277 = tpu.memref_slice %arg10[%dma_start3A_275, %dma_start3A_276] : memref<2x64xi32, #tpu.memory_space<vmem>> -> memref<1x64xi32, #tpu.memory_space<vmem>>
      %dma_start3A_278 = tpu.memref_squeeze %dma_start3A_277 : memref<1x64xi32, #tpu.memory_space<vmem>> -> memref<64xi32, #tpu.memory_space<vmem>>
      %dma_start3A_279 = arith.constant 0 : i32
      %dma_start3A_280 = arith.constant 0 : i32
      %dma_start3A_281 = tpu.memref_slice %arg17[%dma_start3A_279, %dma_start3A_280] : memref<10240x128xf32, #tpu.memory_space<vmem_shared>> -> memref<10240x128xf32, #tpu.memory_space<vmem_shared>>
      tpu.enqueue_indirect_dma source(%arg14 : memref<64x128xf32, #tpu.memory_space<vmem>>) target(%dma_start3A_281 : memref<10240x128xf32, #tpu.memory_space<vmem_shared>>) offsets(%dma_start3A_278 : memref<64xi32, #tpu.memory_space<vmem>>) semaphore(%arg21 : memref<!tpu.dma_semaphore, #tpu.memory_space<semaphore_mem>>) {add = true}
      %get3A_282 = arith.constant 0 : i32
      %get3A_283 = arith.index_cast %get3A_282 : i32 to index
      %get3A_284 = arith.constant 0 : index
      %get3A_285 = tpu.vector_load %arg10[%get3A_283, %get3A_284] {strides = array<i32>} : memref<2x64xi32, #tpu.memory_space<vmem>>, vector<16xi32>,
      %get3A_286 = arith.constant 1 : i32
      %get3A_287 = arith.index_cast %get3A_286 : i32 to index
      %get3A_288 = arith.constant 0 : index
      %get3A_289 = tpu.vector_load %arg10[%get3A_287, %get3A_288] {strides = array<i32>} : memref<2x64xi32, #tpu.memory_space<vmem>>, vector<16xi32>,
      %gather3A_290 = tpu.vector_load_idx %arg15[%get3A_289] : memref<10240xf32, #tpu.memory_space<vmem>>[vector<16xi32>], vector<16xf32>,
      tpu.vector_store_idx %arg16[%get3A_285], %gather3A_290 {add = true} : memref<10240xf32, #tpu.memory_space<vmem>>[vector<16xi32>], vector<16xf32>,
      %get3A_291 = arith.constant 0 : i32
      %get3A_292 = arith.index_cast %get3A_291 : i32 to index
      %get3A_293 = arith.constant 16 : index
      %get3A_294 = tpu.vector_load %arg10[%get3A_292, %get3A_293] {strides = array<i32>} : memref<2x64xi32, #tpu.memory_space<vmem>>, vector<16xi32>,
      %get3A_295 = arith.constant 1 : i32
      %get3A_296 = arith.index_cast %get3A_295 : i32 to index
      %get3A_297 = arith.constant 16 : index
      %get3A_298 = tpu.vector_load %arg10[%get3A_296, %get3A_297] {strides = array<i32>} : memref<2x64xi32, #tpu.memory_space<vmem>>, vector<16xi32>,
      %gather3A_299 = tpu.vector_load_idx %arg15[%get3A_298] : memref<10240xf32, #tpu.memory_space<vmem>>[vector<16xi32>], vector<16xf32>,
      tpu.vector_store_idx %arg16[%get3A_294], %gather3A_299 {add = true} : memref<10240xf32, #tpu.memory_space<vmem>>[vector<16xi32>], vector<16xf32>,
      %get3A_300 = arith.constant 0 : i32
      %get3A_301 = arith.index_cast %get3A_300 : i32 to index
      %get3A_302 = arith.constant 32 : index
      %get3A_303 = tpu.vector_load %arg10[%get3A_301, %get3A_302] {strides = array<i32>} : memref<2x64xi32, #tpu.memory_space<vmem>>, vector<16xi32>,
      %get3A_304 = arith.constant 1 : i32
      %get3A_305 = arith.index_cast %get3A_304 : i32 to index
      %get3A_306 = arith.constant 32 : index
      %get3A_307 = tpu.vector_load %arg10[%get3A_305, %get3A_306] {strides = array<i32>} : memref<2x64xi32, #tpu.memory_space<vmem>>, vector<16xi32>,
      %gather3A_308 = tpu.vector_load_idx %arg15[%get3A_307] : memref<10240xf32, #tpu.memory_space<vmem>>[vector<16xi32>], vector<16xf32>,
      tpu.vector_store_idx %arg16[%get3A_303], %gather3A_308 {add = true} : memref<10240xf32, #tpu.memory_space<vmem>>[vector<16xi32>], vector<16xf32>,
      %get3A_309 = arith.constant 0 : i32
      %get3A_310 = arith.index_cast %get3A_309 : i32 to index
      %get3A_311 = arith.constant 48 : index
      %get3A_312 = tpu.vector_load %arg10[%get3A_310, %get3A_311] {strides = array<i32>} : memref<2x64xi32, #tpu.memory_space<vmem>>, vector<16xi32>,
      %get3A_313 = arith.constant 1 : i32
      %get3A_314 = arith.index_cast %get3A_313 : i32 to index
      %get3A_315 = arith.constant 48 : index
      %get3A_316 = tpu.vector_load %arg10[%get3A_314, %get3A_315] {strides = array<i32>} : memref<2x64xi32, #tpu.memory_space<vmem>>, vector<16xi32>,
      %gather3A_317 = tpu.vector_load_idx %arg15[%get3A_316] : memref<10240xf32, #tpu.memory_space<vmem>>[vector<16xi32>], vector<16xf32>,
      tpu.vector_store_idx %arg16[%get3A_312], %gather3A_317 {add = true} : memref<10240xf32, #tpu.memory_space<vmem>>[vector<16xi32>], vector<16xf32>,
      %add3A_318 = arith.constant 4 : i32
      %add3A_319 = arith.addi %mul3A_165, %add3A_318 : i32
      %sub3A_320 = arith.constant 2 : i32
      %sub3A_321 = arith.subi %select_n3A, %sub3A_320 : i32
      %min3A = arith.minsi %add3A_319, %sub3A_321 : i32
      %add3A_322 = arith.constant 5 : i32
      %add3A_323 = arith.addi %mul3A_165, %add3A_322 : i32
      %sub3A_324 = arith.constant 1 : i32
      %sub3A_325 = arith.subi %select_n3A, %sub3A_324 : i32
      %min3A_326 = arith.minsi %add3A_323, %sub3A_325 : i32
      %dma_wait3A_327 = arith.constant 1 : i32
      %dma_wait3A_328 = arith.constant 0 : i32
      %dma_wait3A_329 = tpu.memref_slice %arg9[%dma_wait3A_327, %dma_wait3A_328] : memref<2x64xi32, #tpu.memory_space<vmem>> -> memref<1x64xi32, #tpu.memory_space<vmem>>
      %dma_wait3A_330 = tpu.memref_squeeze %dma_wait3A_329 : memref<1x64xi32, #tpu.memory_space<vmem>> -> memref<64xi32, #tpu.memory_space<vmem>>
      %dma_wait3A_331 = arith.constant 0 : i32
      %dma_wait3A_332 = arith.constant 0 : i32
      %dma_wait3A_333 = tpu.memref_slice %arg17[%dma_wait3A_331, %dma_wait3A_332] : memref<10240x128xf32, #tpu.memory_space<vmem_shared>> -> memref<10240x128xf32, #tpu.memory_space<vmem_shared>>
      tpu.wait_indirect_dma semaphore(%arg20 : memref<!tpu.dma_semaphore, #tpu.memory_space<semaphore_mem>>) src(%arg13 : memref<64x128xf32, #tpu.memory_space<vmem>>) dst(%dma_wait3A_333 : memref<10240x128xf32, #tpu.memory_space<vmem_shared>>)
      %dma_start3A_334 = arith.constant 0 : i32
      %dma_start3A_335 = arith.constant 0 : i32
      %dma_start3A_336 = tpu.memref_slice %arg4[%add3A, %min3A, %dma_start3A_334, %dma_start3A_335] : memref<32x268x2x64xi32, #tpu.memory_space<hbm>> -> memref<1x1x2x64xi32, #tpu.memory_space<hbm>>
      %dma_start3A_337 = tpu.memref_squeeze %dma_start3A_336 : memref<1x1x2x64xi32, #tpu.memory_space<hbm>> -> memref<2x64xi32, #tpu.memory_space<hbm>>
      %dma_start3A_338 = arith.constant 0 : i32
      %dma_start3A_339 = arith.constant 0 : i32
      %dma_start3A_340 = tpu.memref_slice %arg4[%add3A, %min3A, %dma_start3A_338, %dma_start3A_339] : memref<32x268x2x64xi32, #tpu.memory_space<hbm>> -> memref<1x1x2x64xi32, #tpu.memory_space<hbm>>
      %dma_start3A_341 = tpu.memref_squeeze %dma_start3A_340 : memref<1x1x2x64xi32, #tpu.memory_space<hbm>> -> memref<2x64xi32, #tpu.memory_space<hbm>>
      tpu.enqueue_dma source(%dma_start3A_341 : memref<2x64xi32, #tpu.memory_space<hbm>>) target(%arg9 : memref<2x64xi32, #tpu.memory_space<vmem>>) target_semaphore(%arg22 : memref<!tpu.dma_semaphore, #tpu.memory_space<semaphore_mem>>)
      %add3A_342 = arith.constant 2 : i32
      %add3A_343 = arith.addi %mul3A_165, %add3A_342 : i32
      %dma_wait3A_344 = arith.constant 0 : i32
      %dma_wait3A_345 = arith.constant 0 : i32
      %dma_wait3A_346 = tpu.memref_slice %arg4[%add3A, %add3A_343, %dma_wait3A_344, %dma_wait3A_345] : memref<32x268x2x64xi32, #tpu.memory_space<hbm>> -> memref<1x1x2x64xi32, #tpu.memory_space<hbm>>
      %dma_wait3A_347 = tpu.memref_squeeze %dma_wait3A_346 : memref<1x1x2x64xi32, #tpu.memory_space<hbm>> -> memref<2x64xi32, #tpu.memory_space<hbm>>
      %dma_wait3A_348 = arith.constant 0 : i32
      %dma_wait3A_349 = arith.constant 0 : i32
      %dma_wait3A_350 = tpu.memref_slice %arg4[%add3A, %add3A_343, %dma_wait3A_348, %dma_wait3A_349] : memref<32x268x2x64xi32, #tpu.memory_space<hbm>> -> memref<1x1x2x64xi32, #tpu.memory_space<hbm>>
      %dma_wait3A_351 = tpu.memref_squeeze %dma_wait3A_350 : memref<1x1x2x64xi32, #tpu.memory_space<hbm>> -> memref<2x64xi32, #tpu.memory_space<hbm>>
      tpu.wait_dma2 semaphore(%arg24 : memref<!tpu.dma_semaphore, #tpu.memory_space<semaphore_mem>>) src(%dma_wait3A_351 : memref<2x64xi32, #tpu.memory_space<hbm>>) dst(%arg11 : memref<2x64xi32, #tpu.memory_space<vmem>>)
      %dma_start3A_352 = arith.constant 0 : i32
      %dma_start3A_353 = arith.constant 0 : i32
      %dma_start3A_354 = tpu.memref_slice %arg11[%dma_start3A_352, %dma_start3A_353] : memref<2x64xi32, #tpu.memory_space<vmem>> -> memref<1x64xi32, #tpu.memory_space<vmem>>
      %dma_start3A_355 = tpu.memref_squeeze %dma_start3A_354 : memref<1x64xi32, #tpu.memory_space<vmem>> -> memref<64xi32, #tpu.memory_space<vmem>>
      %dma_start3A_356 = arith.constant 0 : i32
      %dma_start3A_357 = arith.constant 0 : i32
      %dma_start3A_358 = tpu.memref_slice %arg2[%dma_start3A_356, %dma_start3A_357] : memref<10240x128xf32, #tpu.memory_space<hbm>> -> memref<10240x128xf32, #tpu.memory_space<hbm>>
      tpu.enqueue_indirect_dma source(%dma_start3A_358 : memref<10240x128xf32, #tpu.memory_space<hbm>>) target(%arg13 : memref<64x128xf32, #tpu.memory_space<vmem>>) offsets(%dma_start3A_355 : memref<64xi32, #tpu.memory_space<vmem>>) semaphore(%arg18 : memref<!tpu.dma_semaphore, #tpu.memory_space<semaphore_mem>>)
      %dma_wait3A_359 = arith.constant 1 : i32
      %dma_wait3A_360 = arith.constant 0 : i32
      %dma_wait3A_361 = tpu.memref_slice %arg10[%dma_wait3A_359, %dma_wait3A_360] : memref<2x64xi32, #tpu.memory_space<vmem>> -> memref<1x64xi32, #tpu.memory_space<vmem>>
      %dma_wait3A_362 = tpu.memref_squeeze %dma_wait3A_361 : memref<1x64xi32, #tpu.memory_space<vmem>> -> memref<64xi32, #tpu.memory_space<vmem>>
      %dma_wait3A_363 = arith.constant 0 : i32
      %dma_wait3A_364 = arith.constant 0 : i32
      %dma_wait3A_365 = tpu.memref_slice %arg17[%dma_wait3A_363, %dma_wait3A_364] : memref<10240x128xf32, #tpu.memory_space<vmem_shared>> -> memref<10240x128xf32, #tpu.memory_space<vmem_shared>>
      tpu.wait_indirect_dma semaphore(%arg21 : memref<!tpu.dma_semaphore, #tpu.memory_space<semaphore_mem>>) src(%arg14 : memref<64x128xf32, #tpu.memory_space<vmem>>) dst(%dma_wait3A_365 : memref<10240x128xf32, #tpu.memory_space<vmem_shared>>)
      %dma_start3A_366 = arith.constant 0 : i32
      %dma_start3A_367 = arith.constant 0 : i32
      %dma_start3A_368 = tpu.memref_slice %arg4[%add3A, %min3A_326, %dma_start3A_366, %dma_start3A_367] : memref<32x268x2x64xi32, #tpu.memory_space<hbm>> -> memref<1x1x2x64xi32, #tpu.memory_space<hbm>>
      %dma_start3A_369 = tpu.memref_squeeze %dma_start3A_368 : memref<1x1x2x64xi32, #tpu.memory_space<hbm>> -> memref<2x64xi32, #tpu.memory_space<hbm>>
      %dma_start3A_370 = arith.constant 0 : i32
      %dma_start3A_371 = arith.constant 0 : i32
      %dma_start3A_372 = tpu.memref_slice %arg4[%add3A, %min3A_326, %dma_start3A_370, %dma_start3A_371] : memref<32x268x2x64xi32, #tpu.memory_space<hbm>> -> memref<1x1x2x64xi32, #tpu.memory_space<hbm>>
      %dma_start3A_373 = tpu.memref_squeeze %dma_start3A_372 : memref<1x1x2x64xi32, #tpu.memory_space<hbm>> -> memref<2x64xi32, #tpu.memory_space<hbm>>
      tpu.enqueue_dma source(%dma_start3A_373 : memref<2x64xi32, #tpu.memory_space<hbm>>) target(%arg10 : memref<2x64xi32, #tpu.memory_space<vmem>>) target_semaphore(%arg23 : memref<!tpu.dma_semaphore, #tpu.memory_space<semaphore_mem>>)
      %add3A_374 = arith.constant 3 : i32
      %add3A_375 = arith.addi %mul3A_165, %add3A_374 : i32
      %dma_wait3A_376 = arith.constant 0 : i32
      %dma_wait3A_377 = arith.constant 0 : i32
      %dma_wait3A_378 = tpu.memref_slice %arg4[%add3A, %add3A_375, %dma_wait3A_376, %dma_wait3A_377] : memref<32x268x2x64xi32, #tpu.memory_space<hbm>> -> memref<1x1x2x64xi32, #tpu.memory_space<hbm>>
      %dma_wait3A_379 = tpu.memref_squeeze %dma_wait3A_378 : memref<1x1x2x64xi32, #tpu.memory_space<hbm>> -> memref<2x64xi32, #tpu.memory_space<hbm>>
      %dma_wait3A_380 = arith.constant 0 : i32
      %dma_wait3A_381 = arith.constant 0 : i32
      %dma_wait3A_382 = tpu.memref_slice %arg4[%add3A, %add3A_375, %dma_wait3A_380, %dma_wait3A_381] : memref<32x268x2x64xi32, #tpu.memory_space<hbm>> -> memref<1x1x2x64xi32, #tpu.memory_space<hbm>>
      %dma_wait3A_383 = tpu.memref_squeeze %dma_wait3A_382 : memref<1x1x2x64xi32, #tpu.memory_space<hbm>> -> memref<2x64xi32, #tpu.memory_space<hbm>>
      tpu.wait_dma2 semaphore(%arg25 : memref<!tpu.dma_semaphore, #tpu.memory_space<semaphore_mem>>) src(%dma_wait3A_383 : memref<2x64xi32, #tpu.memory_space<hbm>>) dst(%arg12 : memref<2x64xi32, #tpu.memory_space<vmem>>)
      %dma_start3A_384 = arith.constant 0 : i32
      %dma_start3A_385 = arith.constant 0 : i32
      %dma_start3A_386 = tpu.memref_slice %arg12[%dma_start3A_384, %dma_start3A_385] : memref<2x64xi32, #tpu.memory_space<vmem>> -> memref<1x64xi32, #tpu.memory_space<vmem>>
      %dma_start3A_387 = tpu.memref_squeeze %dma_start3A_386 : memref<1x64xi32, #tpu.memory_space<vmem>> -> memref<64xi32, #tpu.memory_space<vmem>>
      %dma_start3A_388 = arith.constant 0 : i32
      %dma_start3A_389 = arith.constant 0 : i32
      %dma_start3A_390 = tpu.memref_slice %arg2[%dma_start3A_388, %dma_start3A_389] : memref<10240x128xf32, #tpu.memory_space<hbm>> -> memref<10240x128xf32, #tpu.memory_space<hbm>>
      tpu.enqueue_indirect_dma source(%dma_start3A_390 : memref<10240x128xf32, #tpu.memory_space<hbm>>) target(%arg14 : memref<64x128xf32, #tpu.memory_space<vmem>>) offsets(%dma_start3A_387 : memref<64xi32, #tpu.memory_space<vmem>>) semaphore(%arg19 : memref<!tpu.dma_semaphore, #tpu.memory_space<semaphore_mem>>)
      %dma_wait3A_391 = arith.constant 0 : i32
      %dma_wait3A_392 = arith.constant 0 : i32
      %dma_wait3A_393 = tpu.memref_slice %arg11[%dma_wait3A_391, %dma_wait3A_392] : memref<2x64xi32, #tpu.memory_space<vmem>> -> memref<1x64xi32, #tpu.memory_space<vmem>>
      %dma_wait3A_394 = tpu.memref_squeeze %dma_wait3A_393 : memref<1x64xi32, #tpu.memory_space<vmem>> -> memref<64xi32, #tpu.memory_space<vmem>>
      %dma_wait3A_395 = arith.constant 0 : i32
      %dma_wait3A_396 = arith.constant 0 : i32
      %dma_wait3A_397 = tpu.memref_slice %arg2[%dma_wait3A_395, %dma_wait3A_396] : memref<10240x128xf32, #tpu.memory_space<hbm>> -> memref<10240x128xf32, #tpu.memory_space<hbm>>
      tpu.wait_indirect_dma semaphore(%arg18 : memref<!tpu.dma_semaphore, #tpu.memory_space<semaphore_mem>>) src(%dma_wait3A_397 : memref<10240x128xf32, #tpu.memory_space<hbm>>) dst(%arg13 : memref<64x128xf32, #tpu.memory_space<vmem>>)
      %dma_start3A_398 = arith.constant 1 : i32
      %dma_start3A_399 = arith.constant 0 : i32
      %dma_start3A_400 = tpu.memref_slice %arg11[%dma_start3A_398, %dma_start3A_399] : memref<2x64xi32, #tpu.memory_space<vmem>> -> memref<1x64xi32, #tpu.memory_space<vmem>>
      %dma_start3A_401 = tpu.memref_squeeze %dma_start3A_400 : memref<1x64xi32, #tpu.memory_space<vmem>> -> memref<64xi32, #tpu.memory_space<vmem>>
      %dma_start3A_402 = arith.constant 0 : i32
      %dma_start3A_403 = arith.constant 0 : i32
      %dma_start3A_404 = tpu.memref_slice %arg17[%dma_start3A_402, %dma_start3A_403] : memref<10240x128xf32, #tpu.memory_space<vmem_shared>> -> memref<10240x128xf32, #tpu.memory_space<vmem_shared>>
      tpu.enqueue_indirect_dma source(%arg13 : memref<64x128xf32, #tpu.memory_space<vmem>>) target(%dma_start3A_404 : memref<10240x128xf32, #tpu.memory_space<vmem_shared>>) offsets(%dma_start3A_401 : memref<64xi32, #tpu.memory_space<vmem>>) semaphore(%arg20 : memref<!tpu.dma_semaphore, #tpu.memory_space<semaphore_mem>>) {add = true}
      %get3A_405 = arith.constant 0 : i32
      %get3A_406 = arith.index_cast %get3A_405 : i32 to index
      %get3A_407 = arith.constant 0 : index
      %get3A_408 = tpu.vector_load %arg11[%get3A_406, %get3A_407] {strides = array<i32>} : memref<2x64xi32, #tpu.memory_space<vmem>>, vector<16xi32>,
      %get3A_409 = arith.constant 1 : i32
      %get3A_410 = arith.index_cast %get3A_409 : i32 to index
      %get3A_411 = arith.constant 0 : index
      %get3A_412 = tpu.vector_load %arg11[%get3A_410, %get3A_411] {strides = array<i32>} : memref<2x64xi32, #tpu.memory_space<vmem>>, vector<16xi32>,
      %gather3A_413 = tpu.vector_load_idx %arg15[%get3A_412] : memref<10240xf32, #tpu.memory_space<vmem>>[vector<16xi32>], vector<16xf32>,
      tpu.vector_store_idx %arg16[%get3A_408], %gather3A_413 {add = true} : memref<10240xf32, #tpu.memory_space<vmem>>[vector<16xi32>], vector<16xf32>,
      %get3A_414 = arith.constant 0 : i32
      %get3A_415 = arith.index_cast %get3A_414 : i32 to index
      %get3A_416 = arith.constant 16 : index
      %get3A_417 = tpu.vector_load %arg11[%get3A_415, %get3A_416] {strides = array<i32>} : memref<2x64xi32, #tpu.memory_space<vmem>>, vector<16xi32>,
      %get3A_418 = arith.constant 1 : i32
      %get3A_419 = arith.index_cast %get3A_418 : i32 to index
      %get3A_420 = arith.constant 16 : index
      %get3A_421 = tpu.vector_load %arg11[%get3A_419, %get3A_420] {strides = array<i32>} : memref<2x64xi32, #tpu.memory_space<vmem>>, vector<16xi32>,
      %gather3A_422 = tpu.vector_load_idx %arg15[%get3A_421] : memref<10240xf32, #tpu.memory_space<vmem>>[vector<16xi32>], vector<16xf32>,
      tpu.vector_store_idx %arg16[%get3A_417], %gather3A_422 {add = true} : memref<10240xf32, #tpu.memory_space<vmem>>[vector<16xi32>], vector<16xf32>,
      %get3A_423 = arith.constant 0 : i32
      %get3A_424 = arith.index_cast %get3A_423 : i32 to index
      %get3A_425 = arith.constant 32 : index
      %get3A_426 = tpu.vector_load %arg11[%get3A_424, %get3A_425] {strides = array<i32>} : memref<2x64xi32, #tpu.memory_space<vmem>>, vector<16xi32>,
      %get3A_427 = arith.constant 1 : i32
      %get3A_428 = arith.index_cast %get3A_427 : i32 to index
      %get3A_429 = arith.constant 32 : index
      %get3A_430 = tpu.vector_load %arg11[%get3A_428, %get3A_429] {strides = array<i32>} : memref<2x64xi32, #tpu.memory_space<vmem>>, vector<16xi32>,
      %gather3A_431 = tpu.vector_load_idx %arg15[%get3A_430] : memref<10240xf32, #tpu.memory_space<vmem>>[vector<16xi32>], vector<16xf32>,
      tpu.vector_store_idx %arg16[%get3A_426], %gather3A_431 {add = true} : memref<10240xf32, #tpu.memory_space<vmem>>[vector<16xi32>], vector<16xf32>,
      %get3A_432 = arith.constant 0 : i32
      %get3A_433 = arith.index_cast %get3A_432 : i32 to index
      %get3A_434 = arith.constant 48 : index
      %get3A_435 = tpu.vector_load %arg11[%get3A_433, %get3A_434] {strides = array<i32>} : memref<2x64xi32, #tpu.memory_space<vmem>>, vector<16xi32>,
      %get3A_436 = arith.constant 1 : i32
      %get3A_437 = arith.index_cast %get3A_436 : i32 to index
      %get3A_438 = arith.constant 48 : index
      %get3A_439 = tpu.vector_load %arg11[%get3A_437, %get3A_438] {strides = array<i32>} : memref<2x64xi32, #tpu.memory_space<vmem>>, vector<16xi32>,
      %gather3A_440 = tpu.vector_load_idx %arg15[%get3A_439] : memref<10240xf32, #tpu.memory_space<vmem>>[vector<16xi32>], vector<16xf32>,
      tpu.vector_store_idx %arg16[%get3A_435], %gather3A_440 {add = true} : memref<10240xf32, #tpu.memory_space<vmem>>[vector<16xi32>], vector<16xf32>,
      %dma_wait3A_441 = arith.constant 0 : i32
      %dma_wait3A_442 = arith.constant 0 : i32
      %dma_wait3A_443 = tpu.memref_slice %arg12[%dma_wait3A_441, %dma_wait3A_442] : memref<2x64xi32, #tpu.memory_space<vmem>> -> memref<1x64xi32, #tpu.memory_space<vmem>>
      %dma_wait3A_444 = tpu.memref_squeeze %dma_wait3A_443 : memref<1x64xi32, #tpu.memory_space<vmem>> -> memref<64xi32, #tpu.memory_space<vmem>>
      %dma_wait3A_445 = arith.constant 0 : i32
      %dma_wait3A_446 = arith.constant 0 : i32
      %dma_wait3A_447 = tpu.memref_slice %arg2[%dma_wait3A_445, %dma_wait3A_446] : memref<10240x128xf32, #tpu.memory_space<hbm>> -> memref<10240x128xf32, #tpu.memory_space<hbm>>
      tpu.wait_indirect_dma semaphore(%arg19 : memref<!tpu.dma_semaphore, #tpu.memory_space<semaphore_mem>>) src(%dma_wait3A_447 : memref<10240x128xf32, #tpu.memory_space<hbm>>) dst(%arg14 : memref<64x128xf32, #tpu.memory_space<vmem>>)
      %dma_start3A_448 = arith.constant 1 : i32
      %dma_start3A_449 = arith.constant 0 : i32
      %dma_start3A_450 = tpu.memref_slice %arg12[%dma_start3A_448, %dma_start3A_449] : memref<2x64xi32, #tpu.memory_space<vmem>> -> memref<1x64xi32, #tpu.memory_space<vmem>>
      %dma_start3A_451 = tpu.memref_squeeze %dma_start3A_450 : memref<1x64xi32, #tpu.memory_space<vmem>> -> memref<64xi32, #tpu.memory_space<vmem>>
      %dma_start3A_452 = arith.constant 0 : i32
      %dma_start3A_453 = arith.constant 0 : i32
      %dma_start3A_454 = tpu.memref_slice %arg17[%dma_start3A_452, %dma_start3A_453] : memref<10240x128xf32, #tpu.memory_space<vmem_shared>> -> memref<10240x128xf32, #tpu.memory_space<vmem_shared>>
      tpu.enqueue_indirect_dma source(%arg14 : memref<64x128xf32, #tpu.memory_space<vmem>>) target(%dma_start3A_454 : memref<10240x128xf32, #tpu.memory_space<vmem_shared>>) offsets(%dma_start3A_451 : memref<64xi32, #tpu.memory_space<vmem>>) semaphore(%arg21 : memref<!tpu.dma_semaphore, #tpu.memory_space<semaphore_mem>>) {add = true}
      %get3A_455 = arith.constant 0 : i32
      %get3A_456 = arith.index_cast %get3A_455 : i32 to index
      %get3A_457 = arith.constant 0 : index
      %get3A_458 = tpu.vector_load %arg12[%get3A_456, %get3A_457] {strides = array<i32>} : memref<2x64xi32, #tpu.memory_space<vmem>>, vector<16xi32>,
      %get3A_459 = arith.constant 1 : i32
      %get3A_460 = arith.index_cast %get3A_459 : i32 to index
      %get3A_461 = arith.constant 0 : index
      %get3A_462 = tpu.vector_load %arg12[%get3A_460, %get3A_461] {strides = array<i32>} : memref<2x64xi32, #tpu.memory_space<vmem>>, vector<16xi32>,
      %gather3A_463 = tpu.vector_load_idx %arg15[%get3A_462] : memref<10240xf32, #tpu.memory_space<vmem>>[vector<16xi32>], vector<16xf32>,
      tpu.vector_store_idx %arg16[%get3A_458], %gather3A_463 {add = true} : memref<10240xf32, #tpu.memory_space<vmem>>[vector<16xi32>], vector<16xf32>,
      %get3A_464 = arith.constant 0 : i32
      %get3A_465 = arith.index_cast %get3A_464 : i32 to index
      %get3A_466 = arith.constant 16 : index
      %get3A_467 = tpu.vector_load %arg12[%get3A_465, %get3A_466] {strides = array<i32>} : memref<2x64xi32, #tpu.memory_space<vmem>>, vector<16xi32>,
      %get3A_468 = arith.constant 1 : i32
      %get3A_469 = arith.index_cast %get3A_468 : i32 to index
      %get3A_470 = arith.constant 16 : index
      %get3A_471 = tpu.vector_load %arg12[%get3A_469, %get3A_470] {strides = array<i32>} : memref<2x64xi32, #tpu.memory_space<vmem>>, vector<16xi32>,
      %gather3A_472 = tpu.vector_load_idx %arg15[%get3A_471] : memref<10240xf32, #tpu.memory_space<vmem>>[vector<16xi32>], vector<16xf32>,
      tpu.vector_store_idx %arg16[%get3A_467], %gather3A_472 {add = true} : memref<10240xf32, #tpu.memory_space<vmem>>[vector<16xi32>], vector<16xf32>,
      %get3A_473 = arith.constant 0 : i32
      %get3A_474 = arith.index_cast %get3A_473 : i32 to index
      %get3A_475 = arith.constant 32 : index
      %get3A_476 = tpu.vector_load %arg12[%get3A_474, %get3A_475] {strides = array<i32>} : memref<2x64xi32, #tpu.memory_space<vmem>>, vector<16xi32>,
      %get3A_477 = arith.constant 1 : i32
      %get3A_478 = arith.index_cast %get3A_477 : i32 to index
      %get3A_479 = arith.constant 32 : index
      %get3A_480 = tpu.vector_load %arg12[%get3A_478, %get3A_479] {strides = array<i32>} : memref<2x64xi32, #tpu.memory_space<vmem>>, vector<16xi32>,
      %gather3A_481 = tpu.vector_load_idx %arg15[%get3A_480] : memref<10240xf32, #tpu.memory_space<vmem>>[vector<16xi32>], vector<16xf32>,
      tpu.vector_store_idx %arg16[%get3A_476], %gather3A_481 {add = true} : memref<10240xf32, #tpu.memory_space<vmem>>[vector<16xi32>], vector<16xf32>,
      %get3A_482 = arith.constant 0 : i32
      %get3A_483 = arith.index_cast %get3A_482 : i32 to index
      %get3A_484 = arith.constant 48 : index
      %get3A_485 = tpu.vector_load %arg12[%get3A_483, %get3A_484] {strides = array<i32>} : memref<2x64xi32, #tpu.memory_space<vmem>>, vector<16xi32>,
      %get3A_486 = arith.constant 1 : i32
      %get3A_487 = arith.index_cast %get3A_486 : i32 to index
      %get3A_488 = arith.constant 48 : index
      %get3A_489 = tpu.vector_load %arg12[%get3A_487, %get3A_488] {strides = array<i32>} : memref<2x64xi32, #tpu.memory_space<vmem>>, vector<16xi32>,
      %gather3A_490 = tpu.vector_load_idx %arg15[%get3A_489] : memref<10240xf32, #tpu.memory_space<vmem>>[vector<16xi32>], vector<16xf32>,
      tpu.vector_store_idx %arg16[%get3A_485], %gather3A_490 {add = true} : memref<10240xf32, #tpu.memory_space<vmem>>[vector<16xi32>], vector<16xf32>,
    }
    %dma_wait3A = arith.constant 1 : i32
    %dma_wait3A_87 = arith.constant 0 : i32
    %dma_wait3A_88 = tpu.memref_slice %arg11[%dma_wait3A, %dma_wait3A_87] : memref<2x64xi32, #tpu.memory_space<vmem>> -> memref<1x64xi32, #tpu.memory_space<vmem>>
    %dma_wait3A_89 = tpu.memref_squeeze %dma_wait3A_88 : memref<1x64xi32, #tpu.memory_space<vmem>> -> memref<64xi32, #tpu.memory_space<vmem>>
    %dma_wait3A_90 = arith.constant 0 : i32
    %dma_wait3A_91 = arith.constant 0 : i32
    %dma_wait3A_92 = tpu.memref_slice %arg17[%dma_wait3A_90, %dma_wait3A_91] : memref<10240x128xf32, #tpu.memory_space<vmem_shared>> -> memref<10240x128xf32, #tpu.memory_space<vmem_shared>>
    tpu.wait_indirect_dma semaphore(%arg20 : memref<!tpu.dma_semaphore, #tpu.memory_space<semaphore_mem>>) src(%arg13 : memref<64x128xf32, #tpu.memory_space<vmem>>) dst(%dma_wait3A_92 : memref<10240x128xf32, #tpu.memory_space<vmem_shared>>)
    %dma_wait3A_93 = arith.constant 1 : i32
    %dma_wait3A_94 = arith.constant 0 : i32
    %dma_wait3A_95 = tpu.memref_slice %arg12[%dma_wait3A_93, %dma_wait3A_94] : memref<2x64xi32, #tpu.memory_space<vmem>> -> memref<1x64xi32, #tpu.memory_space<vmem>>
    %dma_wait3A_96 = tpu.memref_squeeze %dma_wait3A_95 : memref<1x64xi32, #tpu.memory_space<vmem>> -> memref<64xi32, #tpu.memory_space<vmem>>
    %dma_wait3A_97 = arith.constant 0 : i32
    %dma_wait3A_98 = arith.constant 0 : i32
    %dma_wait3A_99 = tpu.memref_slice %arg17[%dma_wait3A_97, %dma_wait3A_98] : memref<10240x128xf32, #tpu.memory_space<vmem_shared>> -> memref<10240x128xf32, #tpu.memory_space<vmem_shared>>
    tpu.wait_indirect_dma semaphore(%arg21 : memref<!tpu.dma_semaphore, #tpu.memory_space<semaphore_mem>>) src(%arg14 : memref<64x128xf32, #tpu.memory_space<vmem>>) dst(%dma_wait3A_99 : memref<10240x128xf32, #tpu.memory_space<vmem_shared>>)
    %sub3A_100 = arith.constant 2 : i32
    %sub3A_101 = arith.subi %select_n3A, %sub3A_100 : i32
    %dma_wait3A_102 = arith.constant 0 : i32
    %dma_wait3A_103 = arith.constant 0 : i32
    %dma_wait3A_104 = tpu.memref_slice %arg4[%add3A, %sub3A_101, %dma_wait3A_102, %dma_wait3A_103] : memref<32x268x2x64xi32, #tpu.memory_space<hbm>> -> memref<1x1x2x64xi32, #tpu.memory_space<hbm>>
    %dma_wait3A_105 = tpu.memref_squeeze %dma_wait3A_104 : memref<1x1x2x64xi32, #tpu.memory_space<hbm>> -> memref<2x64xi32, #tpu.memory_space<hbm>>
    %dma_wait3A_106 = arith.constant 0 : i32
    %dma_wait3A_107 = arith.constant 0 : i32
    %dma_wait3A_108 = tpu.memref_slice %arg4[%add3A, %sub3A_101, %dma_wait3A_106, %dma_wait3A_107] : memref<32x268x2x64xi32, #tpu.memory_space<hbm>> -> memref<1x1x2x64xi32, #tpu.memory_space<hbm>>
    %dma_wait3A_109 = tpu.memref_squeeze %dma_wait3A_108 : memref<1x1x2x64xi32, #tpu.memory_space<hbm>> -> memref<2x64xi32, #tpu.memory_space<hbm>>
    tpu.wait_dma2 semaphore(%arg22 : memref<!tpu.dma_semaphore, #tpu.memory_space<semaphore_mem>>) src(%dma_wait3A_109 : memref<2x64xi32, #tpu.memory_space<hbm>>) dst(%arg9 : memref<2x64xi32, #tpu.memory_space<vmem>>)
    %sub3A_110 = arith.constant 1 : i32
    %sub3A_111 = arith.subi %select_n3A, %sub3A_110 : i32
    %dma_wait3A_112 = arith.constant 0 : i32
    %dma_wait3A_113 = arith.constant 0 : i32
    %dma_wait3A_114 = tpu.memref_slice %arg4[%add3A, %sub3A_111, %dma_wait3A_112, %dma_wait3A_113] : memref<32x268x2x64xi32, #tpu.memory_space<hbm>> -> memref<1x1x2x64xi32, #tpu.memory_space<hbm>>
    %dma_wait3A_115 = tpu.memref_squeeze %dma_wait3A_114 : memref<1x1x2x64xi32, #tpu.memory_space<hbm>> -> memref<2x64xi32, #tpu.memory_space<hbm>>
    %dma_wait3A_116 = arith.constant 0 : i32
    %dma_wait3A_117 = arith.constant 0 : i32
    %dma_wait3A_118 = tpu.memref_slice %arg4[%add3A, %sub3A_111, %dma_wait3A_116, %dma_wait3A_117] : memref<32x268x2x64xi32, #tpu.memory_space<hbm>> -> memref<1x1x2x64xi32, #tpu.memory_space<hbm>>
    %dma_wait3A_119 = tpu.memref_squeeze %dma_wait3A_118 : memref<1x1x2x64xi32, #tpu.memory_space<hbm>> -> memref<2x64xi32, #tpu.memory_space<hbm>>
    tpu.wait_dma2 semaphore(%arg23 : memref<!tpu.dma_semaphore, #tpu.memory_space<semaphore_mem>>) src(%dma_wait3A_119 : memref<2x64xi32, #tpu.memory_space<hbm>>) dst(%arg10 : memref<2x64xi32, #tpu.memory_space<vmem>>)
    %barrier3A_120 = arith.constant 0 : index
    tpu.barrier barrier_id(%barrier3A_120)
    %mul3A_121 = arith.constant 640 : i32
    %mul3A_122 = arith.muli %arg1, %mul3A_121 : i32
    %add3A_123 = arith.constant 0 : i32
    %add3A_124 = arith.addi %mul3A_122, %add3A_123 : i32
    "tpu.region"() ({
      %run_scoped3A = tpu.sem_alloc : memref<!tpu.dma_semaphore, #tpu.memory_space<semaphore_mem>>
      %dma_start3A_163 = arith.constant 0 : i32
      %dma_start3A_164 = arith.constant 0 : i32
      %dma_start3A_165 = tpu.memref_slice %arg13[%dma_start3A_163, %dma_start3A_164] : memref<64x128xf32, #tpu.memory_space<vmem>> -> memref<64x128xf32, #tpu.memory_space<vmem>>
      %dma_start3A_166 = arith.constant 0 : i32
      %dma_start3A_167 = tpu.memref_slice %arg17[%add3A_124, %dma_start3A_166] : memref<10240x128xf32, #tpu.memory_space<vmem_shared>> -> memref<64x128xf32, #tpu.memory_space<vmem_shared>>
      %dma_start3A_168 = arith.constant 0 : i32
      %dma_start3A_169 = arith.constant 0 : i32
      %dma_start3A_170 = tpu.memref_slice %arg13[%dma_start3A_168, %dma_start3A_169] : memref<64x128xf32, #tpu.memory_space<vmem>> -> memref<64x128xf32, #tpu.memory_space<vmem>>
      %dma_start3A_171 = arith.constant 0 : i32
      %dma_start3A_172 = tpu.memref_slice %arg17[%add3A_124, %dma_start3A_171] : memref<10240x128xf32, #tpu.memory_space<vmem_shared>> -> memref<64x128xf32, #tpu.memory_space<vmem_shared>>
      tpu.enqueue_dma source(%dma_start3A_172 : memref<64x128xf32, #tpu.memory_space<vmem_shared>>) target(%dma_start3A_170 : memref<64x128xf32, #tpu.memory_space<vmem>>) target_semaphore(%run_scoped3A : memref<!tpu.dma_semaphore, #tpu.memory_space<semaphore_mem>>)
      %dma_wait3A_173 = arith.constant 0 : i32
      %dma_wait3A_174 = arith.constant 0 : i32
      %dma_wait3A_175 = tpu.memref_slice %arg13[%dma_wait3A_173, %dma_wait3A_174] : memref<64x128xf32, #tpu.memory_space<vmem>> -> memref<64x128xf32, #tpu.memory_space<vmem>>
      %dma_wait3A_176 = arith.constant 0 : i32
      %dma_wait3A_177 = tpu.memref_slice %arg17[%add3A_124, %dma_wait3A_176] : memref<10240x128xf32, #tpu.memory_space<vmem_shared>> -> memref<64x128xf32, #tpu.memory_space<vmem_shared>>
      %dma_wait3A_178 = arith.constant 0 : i32
      %dma_wait3A_179 = arith.constant 0 : i32
      %dma_wait3A_180 = tpu.memref_slice %arg13[%dma_wait3A_178, %dma_wait3A_179] : memref<64x128xf32, #tpu.memory_space<vmem>> -> memref<64x128xf32, #tpu.memory_space<vmem>>
      %dma_wait3A_181 = arith.constant 0 : i32
      %dma_wait3A_182 = tpu.memref_slice %arg17[%add3A_124, %dma_wait3A_181] : memref<10240x128xf32, #tpu.memory_space<vmem_shared>> -> memref<64x128xf32, #tpu.memory_space<vmem_shared>>
      tpu.wait_dma2 semaphore(%run_scoped3A : memref<!tpu.dma_semaphore, #tpu.memory_space<semaphore_mem>>) src(%dma_wait3A_182 : memref<64x128xf32, #tpu.memory_space<vmem_shared>>) dst(%dma_wait3A_180 : memref<64x128xf32, #tpu.memory_space<vmem>>)
      tpu.yield
    }) : () -> ()
    "tpu.region"() ({
      %run_scoped3A = tpu.sem_alloc : memref<!tpu.dma_semaphore, #tpu.memory_space<semaphore_mem>>
      %dma_start3A_163 = arith.constant 0 : i32
      %dma_start3A_164 = arith.constant 0 : i32
      %dma_start3A_165 = tpu.memref_slice %arg13[%dma_start3A_163, %dma_start3A_164] : memref<64x128xf32, #tpu.memory_space<vmem>> -> memref<64x128xf32, #tpu.memory_space<vmem>>
      %dma_start3A_166 = arith.constant 0 : i32
      %dma_start3A_167 = tpu.memref_slice %arg7[%arg0, %add3A_124, %dma_start3A_166] : memref<2x10240x128xf32, #tpu.memory_space<hbm>> -> memref<1x64x128xf32, #tpu.memory_space<hbm>>
      %dma_start3A_168 = tpu.memref_squeeze %dma_start3A_167 : memref<1x64x128xf32, #tpu.memory_space<hbm>> -> memref<64x128xf32, #tpu.memory_space<hbm>>
      %dma_start3A_169 = arith.constant 0 : i32
      %dma_start3A_170 = tpu.memref_slice %arg7[%arg0, %add3A_124, %dma_start3A_169] : memref<2x10240x128xf32, #tpu.memory_space<hbm>> -> memref<1x64x128xf32, #tpu.memory_space<hbm>>
      %dma_start3A_171 = tpu.memref_squeeze %dma_start3A_170 : memref<1x64x128xf32, #tpu.memory_space<hbm>> -> memref<64x128xf32, #tpu.memory_space<hbm>>
      %dma_start3A_172 = arith.constant 0 : i32
      %dma_start3A_173 = arith.constant 0 : i32
      %dma_start3A_174 = tpu.memref_slice %arg13[%dma_start3A_172, %dma_start3A_173] : memref<64x128xf32, #tpu.memory_space<vmem>> -> memref<64x128xf32, #tpu.memory_space<vmem>>
      tpu.enqueue_dma source(%dma_start3A_174 : memref<64x128xf32, #tpu.memory_space<vmem>>) target(%dma_start3A_171 : memref<64x128xf32, #tpu.memory_space<hbm>>) target_semaphore(%run_scoped3A : memref<!tpu.dma_semaphore, #tpu.memory_space<semaphore_mem>>)
      %dma_wait3A_175 = arith.constant 0 : i32
      %dma_wait3A_176 = arith.constant 0 : i32
      %dma_wait3A_177 = tpu.memref_slice %arg13[%dma_wait3A_175, %dma_wait3A_176] : memref<64x128xf32, #tpu.memory_space<vmem>> -> memref<64x128xf32, #tpu.memory_space<vmem>>
      %dma_wait3A_178 = arith.constant 0 : i32
      %dma_wait3A_179 = tpu.memref_slice %arg7[%arg0, %add3A_124, %dma_wait3A_178] : memref<2x10240x128xf32, #tpu.memory_space<hbm>> -> memref<1x64x128xf32, #tpu.memory_space<hbm>>
      %dma_wait3A_180 = tpu.memref_squeeze %dma_wait3A_179 : memref<1x64x128xf32, #tpu.memory_space<hbm>> -> memref<64x128xf32, #tpu.memory_space<hbm>>
      %dma_wait3A_181 = arith.constant 0 : i32
      %dma_wait3A_182 = tpu.memref_slice %arg7[%arg0, %add3A_124, %dma_wait3A_181] : memref<2x10240x128xf32, #tpu.memory_space<hbm>> -> memref<1x64x128xf32, #tpu.memory_space<hbm>>
      %dma_wait3A_183 = tpu.memref_squeeze %dma_wait3A_182 : memref<1x64x128xf32, #tpu.memory_space<hbm>> -> memref<64x128xf32, #tpu.memory_space<hbm>>
      %dma_wait3A_184 = arith.constant 0 : i32
      %dma_wait3A_185 = arith.constant 0 : i32
      %dma_wait3A_186 = tpu.memref_slice %arg13[%dma_wait3A_184, %dma_wait3A_185] : memref<64x128xf32, #tpu.memory_space<vmem>> -> memref<64x128xf32, #tpu.memory_space<vmem>>
      tpu.wait_dma2 semaphore(%run_scoped3A : memref<!tpu.dma_semaphore, #tpu.memory_space<semaphore_mem>>) src(%dma_wait3A_186 : memref<64x128xf32, #tpu.memory_space<vmem>>) dst(%dma_wait3A_183 : memref<64x128xf32, #tpu.memory_space<hbm>>)
      tpu.yield
    }) : () -> ()
    %mul3A_125 = arith.constant 640 : i32
    %mul3A_126 = arith.muli %arg1, %mul3A_125 : i32
    %add3A_127 = arith.constant 64 : i32
    %add3A_128 = arith.addi %mul3A_126, %add3A_127 : i32
    "tpu.region"() ({
      %run_scoped3A = tpu.sem_alloc : memref<!tpu.dma_semaphore, #tpu.memory_space<semaphore_mem>>
      %dma_start3A_163 = arith.constant 0 : i32
      %dma_start3A_164 = arith.constant 0 : i32
      %dma_start3A_165 = tpu.memref_slice %arg13[%dma_start3A_163, %dma_start3A_164] : memref<64x128xf32, #tpu.memory_space<vmem>> -> memref<64x128xf32, #tpu.memory_space<vmem>>
      %dma_start3A_166 = arith.constant 0 : i32
      %dma_start3A_167 = tpu.memref_slice %arg17[%add3A_128, %dma_start3A_166] : memref<10240x128xf32, #tpu.memory_space<vmem_shared>> -> memref<64x128xf32, #tpu.memory_space<vmem_shared>>
      %dma_start3A_168 = arith.constant 0 : i32
      %dma_start3A_169 = arith.constant 0 : i32
      %dma_start3A_170 = tpu.memref_slice %arg13[%dma_start3A_168, %dma_start3A_169] : memref<64x128xf32, #tpu.memory_space<vmem>> -> memref<64x128xf32, #tpu.memory_space<vmem>>
      %dma_start3A_171 = arith.constant 0 : i32
      %dma_start3A_172 = tpu.memref_slice %arg17[%add3A_128, %dma_start3A_171] : memref<10240x128xf32, #tpu.memory_space<vmem_shared>> -> memref<64x128xf32, #tpu.memory_space<vmem_shared>>
      tpu.enqueue_dma source(%dma_start3A_172 : memref<64x128xf32, #tpu.memory_space<vmem_shared>>) target(%dma_start3A_170 : memref<64x128xf32, #tpu.memory_space<vmem>>) target_semaphore(%run_scoped3A : memref<!tpu.dma_semaphore, #tpu.memory_space<semaphore_mem>>)
      %dma_wait3A_173 = arith.constant 0 : i32
      %dma_wait3A_174 = arith.constant 0 : i32
      %dma_wait3A_175 = tpu.memref_slice %arg13[%dma_wait3A_173, %dma_wait3A_174] : memref<64x128xf32, #tpu.memory_space<vmem>> -> memref<64x128xf32, #tpu.memory_space<vmem>>
      %dma_wait3A_176 = arith.constant 0 : i32
      %dma_wait3A_177 = tpu.memref_slice %arg17[%add3A_128, %dma_wait3A_176] : memref<10240x128xf32, #tpu.memory_space<vmem_shared>> -> memref<64x128xf32, #tpu.memory_space<vmem_shared>>
      %dma_wait3A_178 = arith.constant 0 : i32
      %dma_wait3A_179 = arith.constant 0 : i32
      %dma_wait3A_180 = tpu.memref_slice %arg13[%dma_wait3A_178, %dma_wait3A_179] : memref<64x128xf32, #tpu.memory_space<vmem>> -> memref<64x128xf32, #tpu.memory_space<vmem>>
      %dma_wait3A_181 = arith.constant 0 : i32
      %dma_wait3A_182 = tpu.memref_slice %arg17[%add3A_128, %dma_wait3A_181] : memref<10240x128xf32, #tpu.memory_space<vmem_shared>> -> memref<64x128xf32, #tpu.memory_space<vmem_shared>>
      tpu.wait_dma2 semaphore(%run_scoped3A : memref<!tpu.dma_semaphore, #tpu.memory_space<semaphore_mem>>) src(%dma_wait3A_182 : memref<64x128xf32, #tpu.memory_space<vmem_shared>>) dst(%dma_wait3A_180 : memref<64x128xf32, #tpu.memory_space<vmem>>)
      tpu.yield
    }) : () -> ()
    "tpu.region"() ({
      %run_scoped3A = tpu.sem_alloc : memref<!tpu.dma_semaphore, #tpu.memory_space<semaphore_mem>>
      %dma_start3A_163 = arith.constant 0 : i32
      %dma_start3A_164 = arith.constant 0 : i32
      %dma_start3A_165 = tpu.memref_slice %arg13[%dma_start3A_163, %dma_start3A_164] : memref<64x128xf32, #tpu.memory_space<vmem>> -> memref<64x128xf32, #tpu.memory_space<vmem>>
      %dma_start3A_166 = arith.constant 0 : i32
      %dma_start3A_167 = tpu.memref_slice %arg7[%arg0, %add3A_128, %dma_start3A_166] : memref<2x10240x128xf32, #tpu.memory_space<hbm>> -> memref<1x64x128xf32, #tpu.memory_space<hbm>>
      %dma_start3A_168 = tpu.memref_squeeze %dma_start3A_167 : memref<1x64x128xf32, #tpu.memory_space<hbm>> -> memref<64x128xf32, #tpu.memory_space<hbm>>
      %dma_start3A_169 = arith.constant 0 : i32
      %dma_start3A_170 = tpu.memref_slice %arg7[%arg0, %add3A_128, %dma_start3A_169] : memref<2x10240x128xf32, #tpu.memory_space<hbm>> -> memref<1x64x128xf32, #tpu.memory_space<hbm>>
      %dma_start3A_171 = tpu.memref_squeeze %dma_start3A_170 : memref<1x64x128xf32, #tpu.memory_space<hbm>> -> memref<64x128xf32, #tpu.memory_space<hbm>>
      %dma_start3A_172 = arith.constant 0 : i32
      %dma_start3A_173 = arith.constant 0 : i32
      %dma_start3A_174 = tpu.memref_slice %arg13[%dma_start3A_172, %dma_start3A_173] : memref<64x128xf32, #tpu.memory_space<vmem>> -> memref<64x128xf32, #tpu.memory_space<vmem>>
      tpu.enqueue_dma source(%dma_start3A_174 : memref<64x128xf32, #tpu.memory_space<vmem>>) target(%dma_start3A_171 : memref<64x128xf32, #tpu.memory_space<hbm>>) target_semaphore(%run_scoped3A : memref<!tpu.dma_semaphore, #tpu.memory_space<semaphore_mem>>)
      %dma_wait3A_175 = arith.constant 0 : i32
      %dma_wait3A_176 = arith.constant 0 : i32
      %dma_wait3A_177 = tpu.memref_slice %arg13[%dma_wait3A_175, %dma_wait3A_176] : memref<64x128xf32, #tpu.memory_space<vmem>> -> memref<64x128xf32, #tpu.memory_space<vmem>>
      %dma_wait3A_178 = arith.constant 0 : i32
      %dma_wait3A_179 = tpu.memref_slice %arg7[%arg0, %add3A_128, %dma_wait3A_178] : memref<2x10240x128xf32, #tpu.memory_space<hbm>> -> memref<1x64x128xf32, #tpu.memory_space<hbm>>
      %dma_wait3A_180 = tpu.memref_squeeze %dma_wait3A_179 : memref<1x64x128xf32, #tpu.memory_space<hbm>> -> memref<64x128xf32, #tpu.memory_space<hbm>>
      %dma_wait3A_181 = arith.constant 0 : i32
      %dma_wait3A_182 = tpu.memref_slice %arg7[%arg0, %add3A_128, %dma_wait3A_181] : memref<2x10240x128xf32, #tpu.memory_space<hbm>> -> memref<1x64x128xf32, #tpu.memory_space<hbm>>
      %dma_wait3A_183 = tpu.memref_squeeze %dma_wait3A_182 : memref<1x64x128xf32, #tpu.memory_space<hbm>> -> memref<64x128xf32, #tpu.memory_space<hbm>>
      %dma_wait3A_184 = arith.constant 0 : i32
      %dma_wait3A_185 = arith.constant 0 : i32
      %dma_wait3A_186 = tpu.memref_slice %arg13[%dma_wait3A_184, %dma_wait3A_185] : memref<64x128xf32, #tpu.memory_space<vmem>> -> memref<64x128xf32, #tpu.memory_space<vmem>>
      tpu.wait_dma2 semaphore(%run_scoped3A : memref<!tpu.dma_semaphore, #tpu.memory_space<semaphore_mem>>) src(%dma_wait3A_186 : memref<64x128xf32, #tpu.memory_space<vmem>>) dst(%dma_wait3A_183 : memref<64x128xf32, #tpu.memory_space<hbm>>)
      tpu.yield
    }) : () -> ()
    %mul3A_129 = arith.constant 640 : i32
    %mul3A_130 = arith.muli %arg1, %mul3A_129 : i32
    %add3A_131 = arith.constant 128 : i32
    %add3A_132 = arith.addi %mul3A_130, %add3A_131 : i32
    "tpu.region"() ({
      %run_scoped3A = tpu.sem_alloc : memref<!tpu.dma_semaphore, #tpu.memory_space<semaphore_mem>>
      %dma_start3A_163 = arith.constant 0 : i32
      %dma_start3A_164 = arith.constant 0 : i32
      %dma_start3A_165 = tpu.memref_slice %arg13[%dma_start3A_163, %dma_start3A_164] : memref<64x128xf32, #tpu.memory_space<vmem>> -> memref<64x128xf32, #tpu.memory_space<vmem>>
      %dma_start3A_166 = arith.constant 0 : i32
      %dma_start3A_167 = tpu.memref_slice %arg17[%add3A_132, %dma_start3A_166] : memref<10240x128xf32, #tpu.memory_space<vmem_shared>> -> memref<64x128xf32, #tpu.memory_space<vmem_shared>>
      %dma_start3A_168 = arith.constant 0 : i32
      %dma_start3A_169 = arith.constant 0 : i32
      %dma_start3A_170 = tpu.memref_slice %arg13[%dma_start3A_168, %dma_start3A_169] : memref<64x128xf32, #tpu.memory_space<vmem>> -> memref<64x128xf32, #tpu.memory_space<vmem>>
      %dma_start3A_171 = arith.constant 0 : i32
      %dma_start3A_172 = tpu.memref_slice %arg17[%add3A_132, %dma_start3A_171] : memref<10240x128xf32, #tpu.memory_space<vmem_shared>> -> memref<64x128xf32, #tpu.memory_space<vmem_shared>>
      tpu.enqueue_dma source(%dma_start3A_172 : memref<64x128xf32, #tpu.memory_space<vmem_shared>>) target(%dma_start3A_170 : memref<64x128xf32, #tpu.memory_space<vmem>>) target_semaphore(%run_scoped3A : memref<!tpu.dma_semaphore, #tpu.memory_space<semaphore_mem>>)
      %dma_wait3A_173 = arith.constant 0 : i32
      %dma_wait3A_174 = arith.constant 0 : i32
      %dma_wait3A_175 = tpu.memref_slice %arg13[%dma_wait3A_173, %dma_wait3A_174] : memref<64x128xf32, #tpu.memory_space<vmem>> -> memref<64x128xf32, #tpu.memory_space<vmem>>
      %dma_wait3A_176 = arith.constant 0 : i32
      %dma_wait3A_177 = tpu.memref_slice %arg17[%add3A_132, %dma_wait3A_176] : memref<10240x128xf32, #tpu.memory_space<vmem_shared>> -> memref<64x128xf32, #tpu.memory_space<vmem_shared>>
      %dma_wait3A_178 = arith.constant 0 : i32
      %dma_wait3A_179 = arith.constant 0 : i32
      %dma_wait3A_180 = tpu.memref_slice %arg13[%dma_wait3A_178, %dma_wait3A_179] : memref<64x128xf32, #tpu.memory_space<vmem>> -> memref<64x128xf32, #tpu.memory_space<vmem>>
      %dma_wait3A_181 = arith.constant 0 : i32
      %dma_wait3A_182 = tpu.memref_slice %arg17[%add3A_132, %dma_wait3A_181] : memref<10240x128xf32, #tpu.memory_space<vmem_shared>> -> memref<64x128xf32, #tpu.memory_space<vmem_shared>>
      tpu.wait_dma2 semaphore(%run_scoped3A : memref<!tpu.dma_semaphore, #tpu.memory_space<semaphore_mem>>) src(%dma_wait3A_182 : memref<64x128xf32, #tpu.memory_space<vmem_shared>>) dst(%dma_wait3A_180 : memref<64x128xf32, #tpu.memory_space<vmem>>)
      tpu.yield
    }) : () -> ()
    "tpu.region"() ({
      %run_scoped3A = tpu.sem_alloc : memref<!tpu.dma_semaphore, #tpu.memory_space<semaphore_mem>>
      %dma_start3A_163 = arith.constant 0 : i32
      %dma_start3A_164 = arith.constant 0 : i32
      %dma_start3A_165 = tpu.memref_slice %arg13[%dma_start3A_163, %dma_start3A_164] : memref<64x128xf32, #tpu.memory_space<vmem>> -> memref<64x128xf32, #tpu.memory_space<vmem>>
      %dma_start3A_166 = arith.constant 0 : i32
      %dma_start3A_167 = tpu.memref_slice %arg7[%arg0, %add3A_132, %dma_start3A_166] : memref<2x10240x128xf32, #tpu.memory_space<hbm>> -> memref<1x64x128xf32, #tpu.memory_space<hbm>>
      %dma_start3A_168 = tpu.memref_squeeze %dma_start3A_167 : memref<1x64x128xf32, #tpu.memory_space<hbm>> -> memref<64x128xf32, #tpu.memory_space<hbm>>
      %dma_start3A_169 = arith.constant 0 : i32
      %dma_start3A_170 = tpu.memref_slice %arg7[%arg0, %add3A_132, %dma_start3A_169] : memref<2x10240x128xf32, #tpu.memory_space<hbm>> -> memref<1x64x128xf32, #tpu.memory_space<hbm>>
      %dma_start3A_171 = tpu.memref_squeeze %dma_start3A_170 : memref<1x64x128xf32, #tpu.memory_space<hbm>> -> memref<64x128xf32, #tpu.memory_space<hbm>>
      %dma_start3A_172 = arith.constant 0 : i32
      %dma_start3A_173 = arith.constant 0 : i32
      %dma_start3A_174 = tpu.memref_slice %arg13[%dma_start3A_172, %dma_start3A_173] : memref<64x128xf32, #tpu.memory_space<vmem>> -> memref<64x128xf32, #tpu.memory_space<vmem>>
      tpu.enqueue_dma source(%dma_start3A_174 : memref<64x128xf32, #tpu.memory_space<vmem>>) target(%dma_start3A_171 : memref<64x128xf32, #tpu.memory_space<hbm>>) target_semaphore(%run_scoped3A : memref<!tpu.dma_semaphore, #tpu.memory_space<semaphore_mem>>)
      %dma_wait3A_175 = arith.constant 0 : i32
      %dma_wait3A_176 = arith.constant 0 : i32
      %dma_wait3A_177 = tpu.memref_slice %arg13[%dma_wait3A_175, %dma_wait3A_176] : memref<64x128xf32, #tpu.memory_space<vmem>> -> memref<64x128xf32, #tpu.memory_space<vmem>>
      %dma_wait3A_178 = arith.constant 0 : i32
      %dma_wait3A_179 = tpu.memref_slice %arg7[%arg0, %add3A_132, %dma_wait3A_178] : memref<2x10240x128xf32, #tpu.memory_space<hbm>> -> memref<1x64x128xf32, #tpu.memory_space<hbm>>
      %dma_wait3A_180 = tpu.memref_squeeze %dma_wait3A_179 : memref<1x64x128xf32, #tpu.memory_space<hbm>> -> memref<64x128xf32, #tpu.memory_space<hbm>>
      %dma_wait3A_181 = arith.constant 0 : i32
      %dma_wait3A_182 = tpu.memref_slice %arg7[%arg0, %add3A_132, %dma_wait3A_181] : memref<2x10240x128xf32, #tpu.memory_space<hbm>> -> memref<1x64x128xf32, #tpu.memory_space<hbm>>
      %dma_wait3A_183 = tpu.memref_squeeze %dma_wait3A_182 : memref<1x64x128xf32, #tpu.memory_space<hbm>> -> memref<64x128xf32, #tpu.memory_space<hbm>>
      %dma_wait3A_184 = arith.constant 0 : i32
      %dma_wait3A_185 = arith.constant 0 : i32
      %dma_wait3A_186 = tpu.memref_slice %arg13[%dma_wait3A_184, %dma_wait3A_185] : memref<64x128xf32, #tpu.memory_space<vmem>> -> memref<64x128xf32, #tpu.memory_space<vmem>>
      tpu.wait_dma2 semaphore(%run_scoped3A : memref<!tpu.dma_semaphore, #tpu.memory_space<semaphore_mem>>) src(%dma_wait3A_186 : memref<64x128xf32, #tpu.memory_space<vmem>>) dst(%dma_wait3A_183 : memref<64x128xf32, #tpu.memory_space<hbm>>)
      tpu.yield
    }) : () -> ()
    %mul3A_133 = arith.constant 640 : i32
    %mul3A_134 = arith.muli %arg1, %mul3A_133 : i32
    %add3A_135 = arith.constant 192 : i32
    %add3A_136 = arith.addi %mul3A_134, %add3A_135 : i32
    "tpu.region"() ({
      %run_scoped3A = tpu.sem_alloc : memref<!tpu.dma_semaphore, #tpu.memory_space<semaphore_mem>>
      %dma_start3A_163 = arith.constant 0 : i32
      %dma_start3A_164 = arith.constant 0 : i32
      %dma_start3A_165 = tpu.memref_slice %arg13[%dma_start3A_163, %dma_start3A_164] : memref<64x128xf32, #tpu.memory_space<vmem>> -> memref<64x128xf32, #tpu.memory_space<vmem>>
      %dma_start3A_166 = arith.constant 0 : i32
      %dma_start3A_167 = tpu.memref_slice %arg17[%add3A_136, %dma_start3A_166] : memref<10240x128xf32, #tpu.memory_space<vmem_shared>> -> memref<64x128xf32, #tpu.memory_space<vmem_shared>>
      %dma_start3A_168 = arith.constant 0 : i32
      %dma_start3A_169 = arith.constant 0 : i32
      %dma_start3A_170 = tpu.memref_slice %arg13[%dma_start3A_168, %dma_start3A_169] : memref<64x128xf32, #tpu.memory_space<vmem>> -> memref<64x128xf32, #tpu.memory_space<vmem>>
      %dma_start3A_171 = arith.constant 0 : i32
      %dma_start3A_172 = tpu.memref_slice %arg17[%add3A_136, %dma_start3A_171] : memref<10240x128xf32, #tpu.memory_space<vmem_shared>> -> memref<64x128xf32, #tpu.memory_space<vmem_shared>>
      tpu.enqueue_dma source(%dma_start3A_172 : memref<64x128xf32, #tpu.memory_space<vmem_shared>>) target(%dma_start3A_170 : memref<64x128xf32, #tpu.memory_space<vmem>>) target_semaphore(%run_scoped3A : memref<!tpu.dma_semaphore, #tpu.memory_space<semaphore_mem>>)
      %dma_wait3A_173 = arith.constant 0 : i32
      %dma_wait3A_174 = arith.constant 0 : i32
      %dma_wait3A_175 = tpu.memref_slice %arg13[%dma_wait3A_173, %dma_wait3A_174] : memref<64x128xf32, #tpu.memory_space<vmem>> -> memref<64x128xf32, #tpu.memory_space<vmem>>
      %dma_wait3A_176 = arith.constant 0 : i32
      %dma_wait3A_177 = tpu.memref_slice %arg17[%add3A_136, %dma_wait3A_176] : memref<10240x128xf32, #tpu.memory_space<vmem_shared>> -> memref<64x128xf32, #tpu.memory_space<vmem_shared>>
      %dma_wait3A_178 = arith.constant 0 : i32
      %dma_wait3A_179 = arith.constant 0 : i32
      %dma_wait3A_180 = tpu.memref_slice %arg13[%dma_wait3A_178, %dma_wait3A_179] : memref<64x128xf32, #tpu.memory_space<vmem>> -> memref<64x128xf32, #tpu.memory_space<vmem>>
      %dma_wait3A_181 = arith.constant 0 : i32
      %dma_wait3A_182 = tpu.memref_slice %arg17[%add3A_136, %dma_wait3A_181] : memref<10240x128xf32, #tpu.memory_space<vmem_shared>> -> memref<64x128xf32, #tpu.memory_space<vmem_shared>>
      tpu.wait_dma2 semaphore(%run_scoped3A : memref<!tpu.dma_semaphore, #tpu.memory_space<semaphore_mem>>) src(%dma_wait3A_182 : memref<64x128xf32, #tpu.memory_space<vmem_shared>>) dst(%dma_wait3A_180 : memref<64x128xf32, #tpu.memory_space<vmem>>)
      tpu.yield
    }) : () -> ()
    "tpu.region"() ({
      %run_scoped3A = tpu.sem_alloc : memref<!tpu.dma_semaphore, #tpu.memory_space<semaphore_mem>>
      %dma_start3A_163 = arith.constant 0 : i32
      %dma_start3A_164 = arith.constant 0 : i32
      %dma_start3A_165 = tpu.memref_slice %arg13[%dma_start3A_163, %dma_start3A_164] : memref<64x128xf32, #tpu.memory_space<vmem>> -> memref<64x128xf32, #tpu.memory_space<vmem>>
      %dma_start3A_166 = arith.constant 0 : i32
      %dma_start3A_167 = tpu.memref_slice %arg7[%arg0, %add3A_136, %dma_start3A_166] : memref<2x10240x128xf32, #tpu.memory_space<hbm>> -> memref<1x64x128xf32, #tpu.memory_space<hbm>>
      %dma_start3A_168 = tpu.memref_squeeze %dma_start3A_167 : memref<1x64x128xf32, #tpu.memory_space<hbm>> -> memref<64x128xf32, #tpu.memory_space<hbm>>
      %dma_start3A_169 = arith.constant 0 : i32
      %dma_start3A_170 = tpu.memref_slice %arg7[%arg0, %add3A_136, %dma_start3A_169] : memref<2x10240x128xf32, #tpu.memory_space<hbm>> -> memref<1x64x128xf32, #tpu.memory_space<hbm>>
      %dma_start3A_171 = tpu.memref_squeeze %dma_start3A_170 : memref<1x64x128xf32, #tpu.memory_space<hbm>> -> memref<64x128xf32, #tpu.memory_space<hbm>>
      %dma_start3A_172 = arith.constant 0 : i32
      %dma_start3A_173 = arith.constant 0 : i32
      %dma_start3A_174 = tpu.memref_slice %arg13[%dma_start3A_172, %dma_start3A_173] : memref<64x128xf32, #tpu.memory_space<vmem>> -> memref<64x128xf32, #tpu.memory_space<vmem>>
      tpu.enqueue_dma source(%dma_start3A_174 : memref<64x128xf32, #tpu.memory_space<vmem>>) target(%dma_start3A_171 : memref<64x128xf32, #tpu.memory_space<hbm>>) target_semaphore(%run_scoped3A : memref<!tpu.dma_semaphore, #tpu.memory_space<semaphore_mem>>)
      %dma_wait3A_175 = arith.constant 0 : i32
      %dma_wait3A_176 = arith.constant 0 : i32
      %dma_wait3A_177 = tpu.memref_slice %arg13[%dma_wait3A_175, %dma_wait3A_176] : memref<64x128xf32, #tpu.memory_space<vmem>> -> memref<64x128xf32, #tpu.memory_space<vmem>>
      %dma_wait3A_178 = arith.constant 0 : i32
      %dma_wait3A_179 = tpu.memref_slice %arg7[%arg0, %add3A_136, %dma_wait3A_178] : memref<2x10240x128xf32, #tpu.memory_space<hbm>> -> memref<1x64x128xf32, #tpu.memory_space<hbm>>
      %dma_wait3A_180 = tpu.memref_squeeze %dma_wait3A_179 : memref<1x64x128xf32, #tpu.memory_space<hbm>> -> memref<64x128xf32, #tpu.memory_space<hbm>>
      %dma_wait3A_181 = arith.constant 0 : i32
      %dma_wait3A_182 = tpu.memref_slice %arg7[%arg0, %add3A_136, %dma_wait3A_181] : memref<2x10240x128xf32, #tpu.memory_space<hbm>> -> memref<1x64x128xf32, #tpu.memory_space<hbm>>
      %dma_wait3A_183 = tpu.memref_squeeze %dma_wait3A_182 : memref<1x64x128xf32, #tpu.memory_space<hbm>> -> memref<64x128xf32, #tpu.memory_space<hbm>>
      %dma_wait3A_184 = arith.constant 0 : i32
      %dma_wait3A_185 = arith.constant 0 : i32
      %dma_wait3A_186 = tpu.memref_slice %arg13[%dma_wait3A_184, %dma_wait3A_185] : memref<64x128xf32, #tpu.memory_space<vmem>> -> memref<64x128xf32, #tpu.memory_space<vmem>>
      tpu.wait_dma2 semaphore(%run_scoped3A : memref<!tpu.dma_semaphore, #tpu.memory_space<semaphore_mem>>) src(%dma_wait3A_186 : memref<64x128xf32, #tpu.memory_space<vmem>>) dst(%dma_wait3A_183 : memref<64x128xf32, #tpu.memory_space<hbm>>)
      tpu.yield
    }) : () -> ()
    %mul3A_137 = arith.constant 640 : i32
    %mul3A_138 = arith.muli %arg1, %mul3A_137 : i32
    %add3A_139 = arith.constant 256 : i32
    %add3A_140 = arith.addi %mul3A_138, %add3A_139 : i32
    "tpu.region"() ({
      %run_scoped3A = tpu.sem_alloc : memref<!tpu.dma_semaphore, #tpu.memory_space<semaphore_mem>>
      %dma_start3A_163 = arith.constant 0 : i32
      %dma_start3A_164 = arith.constant 0 : i32
      %dma_start3A_165 = tpu.memref_slice %arg13[%dma_start3A_163, %dma_start3A_164] : memref<64x128xf32, #tpu.memory_space<vmem>> -> memref<64x128xf32, #tpu.memory_space<vmem>>
      %dma_start3A_166 = arith.constant 0 : i32
      %dma_start3A_167 = tpu.memref_slice %arg17[%add3A_140, %dma_start3A_166] : memref<10240x128xf32, #tpu.memory_space<vmem_shared>> -> memref<64x128xf32, #tpu.memory_space<vmem_shared>>
      %dma_start3A_168 = arith.constant 0 : i32
      %dma_start3A_169 = arith.constant 0 : i32
      %dma_start3A_170 = tpu.memref_slice %arg13[%dma_start3A_168, %dma_start3A_169] : memref<64x128xf32, #tpu.memory_space<vmem>> -> memref<64x128xf32, #tpu.memory_space<vmem>>
      %dma_start3A_171 = arith.constant 0 : i32
      %dma_start3A_172 = tpu.memref_slice %arg17[%add3A_140, %dma_start3A_171] : memref<10240x128xf32, #tpu.memory_space<vmem_shared>> -> memref<64x128xf32, #tpu.memory_space<vmem_shared>>
      tpu.enqueue_dma source(%dma_start3A_172 : memref<64x128xf32, #tpu.memory_space<vmem_shared>>) target(%dma_start3A_170 : memref<64x128xf32, #tpu.memory_space<vmem>>) target_semaphore(%run_scoped3A : memref<!tpu.dma_semaphore, #tpu.memory_space<semaphore_mem>>)
      %dma_wait3A_173 = arith.constant 0 : i32
      %dma_wait3A_174 = arith.constant 0 : i32
      %dma_wait3A_175 = tpu.memref_slice %arg13[%dma_wait3A_173, %dma_wait3A_174] : memref<64x128xf32, #tpu.memory_space<vmem>> -> memref<64x128xf32, #tpu.memory_space<vmem>>
      %dma_wait3A_176 = arith.constant 0 : i32
      %dma_wait3A_177 = tpu.memref_slice %arg17[%add3A_140, %dma_wait3A_176] : memref<10240x128xf32, #tpu.memory_space<vmem_shared>> -> memref<64x128xf32, #tpu.memory_space<vmem_shared>>
      %dma_wait3A_178 = arith.constant 0 : i32
      %dma_wait3A_179 = arith.constant 0 : i32
      %dma_wait3A_180 = tpu.memref_slice %arg13[%dma_wait3A_178, %dma_wait3A_179] : memref<64x128xf32, #tpu.memory_space<vmem>> -> memref<64x128xf32, #tpu.memory_space<vmem>>
      %dma_wait3A_181 = arith.constant 0 : i32
      %dma_wait3A_182 = tpu.memref_slice %arg17[%add3A_140, %dma_wait3A_181] : memref<10240x128xf32, #tpu.memory_space<vmem_shared>> -> memref<64x128xf32, #tpu.memory_space<vmem_shared>>
      tpu.wait_dma2 semaphore(%run_scoped3A : memref<!tpu.dma_semaphore, #tpu.memory_space<semaphore_mem>>) src(%dma_wait3A_182 : memref<64x128xf32, #tpu.memory_space<vmem_shared>>) dst(%dma_wait3A_180 : memref<64x128xf32, #tpu.memory_space<vmem>>)
      tpu.yield
    }) : () -> ()
    "tpu.region"() ({
      %run_scoped3A = tpu.sem_alloc : memref<!tpu.dma_semaphore, #tpu.memory_space<semaphore_mem>>
      %dma_start3A_163 = arith.constant 0 : i32
      %dma_start3A_164 = arith.constant 0 : i32
      %dma_start3A_165 = tpu.memref_slice %arg13[%dma_start3A_163, %dma_start3A_164] : memref<64x128xf32, #tpu.memory_space<vmem>> -> memref<64x128xf32, #tpu.memory_space<vmem>>
      %dma_start3A_166 = arith.constant 0 : i32
      %dma_start3A_167 = tpu.memref_slice %arg7[%arg0, %add3A_140, %dma_start3A_166] : memref<2x10240x128xf32, #tpu.memory_space<hbm>> -> memref<1x64x128xf32, #tpu.memory_space<hbm>>
      %dma_start3A_168 = tpu.memref_squeeze %dma_start3A_167 : memref<1x64x128xf32, #tpu.memory_space<hbm>> -> memref<64x128xf32, #tpu.memory_space<hbm>>
      %dma_start3A_169 = arith.constant 0 : i32
      %dma_start3A_170 = tpu.memref_slice %arg7[%arg0, %add3A_140, %dma_start3A_169] : memref<2x10240x128xf32, #tpu.memory_space<hbm>> -> memref<1x64x128xf32, #tpu.memory_space<hbm>>
      %dma_start3A_171 = tpu.memref_squeeze %dma_start3A_170 : memref<1x64x128xf32, #tpu.memory_space<hbm>> -> memref<64x128xf32, #tpu.memory_space<hbm>>
      %dma_start3A_172 = arith.constant 0 : i32
      %dma_start3A_173 = arith.constant 0 : i32
      %dma_start3A_174 = tpu.memref_slice %arg13[%dma_start3A_172, %dma_start3A_173] : memref<64x128xf32, #tpu.memory_space<vmem>> -> memref<64x128xf32, #tpu.memory_space<vmem>>
      tpu.enqueue_dma source(%dma_start3A_174 : memref<64x128xf32, #tpu.memory_space<vmem>>) target(%dma_start3A_171 : memref<64x128xf32, #tpu.memory_space<hbm>>) target_semaphore(%run_scoped3A : memref<!tpu.dma_semaphore, #tpu.memory_space<semaphore_mem>>)
      %dma_wait3A_175 = arith.constant 0 : i32
      %dma_wait3A_176 = arith.constant 0 : i32
      %dma_wait3A_177 = tpu.memref_slice %arg13[%dma_wait3A_175, %dma_wait3A_176] : memref<64x128xf32, #tpu.memory_space<vmem>> -> memref<64x128xf32, #tpu.memory_space<vmem>>
      %dma_wait3A_178 = arith.constant 0 : i32
      %dma_wait3A_179 = tpu.memref_slice %arg7[%arg0, %add3A_140, %dma_wait3A_178] : memref<2x10240x128xf32, #tpu.memory_space<hbm>> -> memref<1x64x128xf32, #tpu.memory_space<hbm>>
      %dma_wait3A_180 = tpu.memref_squeeze %dma_wait3A_179 : memref<1x64x128xf32, #tpu.memory_space<hbm>> -> memref<64x128xf32, #tpu.memory_space<hbm>>
      %dma_wait3A_181 = arith.constant 0 : i32
      %dma_wait3A_182 = tpu.memref_slice %arg7[%arg0, %add3A_140, %dma_wait3A_181] : memref<2x10240x128xf32, #tpu.memory_space<hbm>> -> memref<1x64x128xf32, #tpu.memory_space<hbm>>
      %dma_wait3A_183 = tpu.memref_squeeze %dma_wait3A_182 : memref<1x64x128xf32, #tpu.memory_space<hbm>> -> memref<64x128xf32, #tpu.memory_space<hbm>>
      %dma_wait3A_184 = arith.constant 0 : i32
      %dma_wait3A_185 = arith.constant 0 : i32
      %dma_wait3A_186 = tpu.memref_slice %arg13[%dma_wait3A_184, %dma_wait3A_185] : memref<64x128xf32, #tpu.memory_space<vmem>> -> memref<64x128xf32, #tpu.memory_space<vmem>>
      tpu.wait_dma2 semaphore(%run_scoped3A : memref<!tpu.dma_semaphore, #tpu.memory_space<semaphore_mem>>) src(%dma_wait3A_186 : memref<64x128xf32, #tpu.memory_space<vmem>>) dst(%dma_wait3A_183 : memref<64x128xf32, #tpu.memory_space<hbm>>)
      tpu.yield
    }) : () -> ()
    %mul3A_141 = arith.constant 640 : i32
    %mul3A_142 = arith.muli %arg1, %mul3A_141 : i32
    %add3A_143 = arith.constant 320 : i32
    %add3A_144 = arith.addi %mul3A_142, %add3A_143 : i32
    "tpu.region"() ({
      %run_scoped3A = tpu.sem_alloc : memref<!tpu.dma_semaphore, #tpu.memory_space<semaphore_mem>>
      %dma_start3A_163 = arith.constant 0 : i32
      %dma_start3A_164 = arith.constant 0 : i32
      %dma_start3A_165 = tpu.memref_slice %arg13[%dma_start3A_163, %dma_start3A_164] : memref<64x128xf32, #tpu.memory_space<vmem>> -> memref<64x128xf32, #tpu.memory_space<vmem>>
      %dma_start3A_166 = arith.constant 0 : i32
      %dma_start3A_167 = tpu.memref_slice %arg17[%add3A_144, %dma_start3A_166] : memref<10240x128xf32, #tpu.memory_space<vmem_shared>> -> memref<64x128xf32, #tpu.memory_space<vmem_shared>>
      %dma_start3A_168 = arith.constant 0 : i32
      %dma_start3A_169 = arith.constant 0 : i32
      %dma_start3A_170 = tpu.memref_slice %arg13[%dma_start3A_168, %dma_start3A_169] : memref<64x128xf32, #tpu.memory_space<vmem>> -> memref<64x128xf32, #tpu.memory_space<vmem>>
      %dma_start3A_171 = arith.constant 0 : i32
      %dma_start3A_172 = tpu.memref_slice %arg17[%add3A_144, %dma_start3A_171] : memref<10240x128xf32, #tpu.memory_space<vmem_shared>> -> memref<64x128xf32, #tpu.memory_space<vmem_shared>>
      tpu.enqueue_dma source(%dma_start3A_172 : memref<64x128xf32, #tpu.memory_space<vmem_shared>>) target(%dma_start3A_170 : memref<64x128xf32, #tpu.memory_space<vmem>>) target_semaphore(%run_scoped3A : memref<!tpu.dma_semaphore, #tpu.memory_space<semaphore_mem>>)
      %dma_wait3A_173 = arith.constant 0 : i32
      %dma_wait3A_174 = arith.constant 0 : i32
      %dma_wait3A_175 = tpu.memref_slice %arg13[%dma_wait3A_173, %dma_wait3A_174] : memref<64x128xf32, #tpu.memory_space<vmem>> -> memref<64x128xf32, #tpu.memory_space<vmem>>
      %dma_wait3A_176 = arith.constant 0 : i32
      %dma_wait3A_177 = tpu.memref_slice %arg17[%add3A_144, %dma_wait3A_176] : memref<10240x128xf32, #tpu.memory_space<vmem_shared>> -> memref<64x128xf32, #tpu.memory_space<vmem_shared>>
      %dma_wait3A_178 = arith.constant 0 : i32
      %dma_wait3A_179 = arith.constant 0 : i32
      %dma_wait3A_180 = tpu.memref_slice %arg13[%dma_wait3A_178, %dma_wait3A_179] : memref<64x128xf32, #tpu.memory_space<vmem>> -> memref<64x128xf32, #tpu.memory_space<vmem>>
      %dma_wait3A_181 = arith.constant 0 : i32
      %dma_wait3A_182 = tpu.memref_slice %arg17[%add3A_144, %dma_wait3A_181] : memref<10240x128xf32, #tpu.memory_space<vmem_shared>> -> memref<64x128xf32, #tpu.memory_space<vmem_shared>>
      tpu.wait_dma2 semaphore(%run_scoped3A : memref<!tpu.dma_semaphore, #tpu.memory_space<semaphore_mem>>) src(%dma_wait3A_182 : memref<64x128xf32, #tpu.memory_space<vmem_shared>>) dst(%dma_wait3A_180 : memref<64x128xf32, #tpu.memory_space<vmem>>)
      tpu.yield
    }) : () -> ()
    "tpu.region"() ({
      %run_scoped3A = tpu.sem_alloc : memref<!tpu.dma_semaphore, #tpu.memory_space<semaphore_mem>>
      %dma_start3A_163 = arith.constant 0 : i32
      %dma_start3A_164 = arith.constant 0 : i32
      %dma_start3A_165 = tpu.memref_slice %arg13[%dma_start3A_163, %dma_start3A_164] : memref<64x128xf32, #tpu.memory_space<vmem>> -> memref<64x128xf32, #tpu.memory_space<vmem>>
      %dma_start3A_166 = arith.constant 0 : i32
      %dma_start3A_167 = tpu.memref_slice %arg7[%arg0, %add3A_144, %dma_start3A_166] : memref<2x10240x128xf32, #tpu.memory_space<hbm>> -> memref<1x64x128xf32, #tpu.memory_space<hbm>>
      %dma_start3A_168 = tpu.memref_squeeze %dma_start3A_167 : memref<1x64x128xf32, #tpu.memory_space<hbm>> -> memref<64x128xf32, #tpu.memory_space<hbm>>
      %dma_start3A_169 = arith.constant 0 : i32
      %dma_start3A_170 = tpu.memref_slice %arg7[%arg0, %add3A_144, %dma_start3A_169] : memref<2x10240x128xf32, #tpu.memory_space<hbm>> -> memref<1x64x128xf32, #tpu.memory_space<hbm>>
      %dma_start3A_171 = tpu.memref_squeeze %dma_start3A_170 : memref<1x64x128xf32, #tpu.memory_space<hbm>> -> memref<64x128xf32, #tpu.memory_space<hbm>>
      %dma_start3A_172 = arith.constant 0 : i32
      %dma_start3A_173 = arith.constant 0 : i32
      %dma_start3A_174 = tpu.memref_slice %arg13[%dma_start3A_172, %dma_start3A_173] : memref<64x128xf32, #tpu.memory_space<vmem>> -> memref<64x128xf32, #tpu.memory_space<vmem>>
      tpu.enqueue_dma source(%dma_start3A_174 : memref<64x128xf32, #tpu.memory_space<vmem>>) target(%dma_start3A_171 : memref<64x128xf32, #tpu.memory_space<hbm>>) target_semaphore(%run_scoped3A : memref<!tpu.dma_semaphore, #tpu.memory_space<semaphore_mem>>)
      %dma_wait3A_175 = arith.constant 0 : i32
      %dma_wait3A_176 = arith.constant 0 : i32
      %dma_wait3A_177 = tpu.memref_slice %arg13[%dma_wait3A_175, %dma_wait3A_176] : memref<64x128xf32, #tpu.memory_space<vmem>> -> memref<64x128xf32, #tpu.memory_space<vmem>>
      %dma_wait3A_178 = arith.constant 0 : i32
      %dma_wait3A_179 = tpu.memref_slice %arg7[%arg0, %add3A_144, %dma_wait3A_178] : memref<2x10240x128xf32, #tpu.memory_space<hbm>> -> memref<1x64x128xf32, #tpu.memory_space<hbm>>
      %dma_wait3A_180 = tpu.memref_squeeze %dma_wait3A_179 : memref<1x64x128xf32, #tpu.memory_space<hbm>> -> memref<64x128xf32, #tpu.memory_space<hbm>>
      %dma_wait3A_181 = arith.constant 0 : i32
      %dma_wait3A_182 = tpu.memref_slice %arg7[%arg0, %add3A_144, %dma_wait3A_181] : memref<2x10240x128xf32, #tpu.memory_space<hbm>> -> memref<1x64x128xf32, #tpu.memory_space<hbm>>
      %dma_wait3A_183 = tpu.memref_squeeze %dma_wait3A_182 : memref<1x64x128xf32, #tpu.memory_space<hbm>> -> memref<64x128xf32, #tpu.memory_space<hbm>>
      %dma_wait3A_184 = arith.constant 0 : i32
      %dma_wait3A_185 = arith.constant 0 : i32
      %dma_wait3A_186 = tpu.memref_slice %arg13[%dma_wait3A_184, %dma_wait3A_185] : memref<64x128xf32, #tpu.memory_space<vmem>> -> memref<64x128xf32, #tpu.memory_space<vmem>>
      tpu.wait_dma2 semaphore(%run_scoped3A : memref<!tpu.dma_semaphore, #tpu.memory_space<semaphore_mem>>) src(%dma_wait3A_186 : memref<64x128xf32, #tpu.memory_space<vmem>>) dst(%dma_wait3A_183 : memref<64x128xf32, #tpu.memory_space<hbm>>)
      tpu.yield
    }) : () -> ()
    %mul3A_145 = arith.constant 640 : i32
    %mul3A_146 = arith.muli %arg1, %mul3A_145 : i32
    %add3A_147 = arith.constant 384 : i32
    %add3A_148 = arith.addi %mul3A_146, %add3A_147 : i32
    "tpu.region"() ({
      %run_scoped3A = tpu.sem_alloc : memref<!tpu.dma_semaphore, #tpu.memory_space<semaphore_mem>>
      %dma_start3A_163 = arith.constant 0 : i32
      %dma_start3A_164 = arith.constant 0 : i32
      %dma_start3A_165 = tpu.memref_slice %arg13[%dma_start3A_163, %dma_start3A_164] : memref<64x128xf32, #tpu.memory_space<vmem>> -> memref<64x128xf32, #tpu.memory_space<vmem>>
      %dma_start3A_166 = arith.constant 0 : i32
      %dma_start3A_167 = tpu.memref_slice %arg17[%add3A_148, %dma_start3A_166] : memref<10240x128xf32, #tpu.memory_space<vmem_shared>> -> memref<64x128xf32, #tpu.memory_space<vmem_shared>>
      %dma_start3A_168 = arith.constant 0 : i32
      %dma_start3A_169 = arith.constant 0 : i32
      %dma_start3A_170 = tpu.memref_slice %arg13[%dma_start3A_168, %dma_start3A_169] : memref<64x128xf32, #tpu.memory_space<vmem>> -> memref<64x128xf32, #tpu.memory_space<vmem>>
      %dma_start3A_171 = arith.constant 0 : i32
      %dma_start3A_172 = tpu.memref_slice %arg17[%add3A_148, %dma_start3A_171] : memref<10240x128xf32, #tpu.memory_space<vmem_shared>> -> memref<64x128xf32, #tpu.memory_space<vmem_shared>>
      tpu.enqueue_dma source(%dma_start3A_172 : memref<64x128xf32, #tpu.memory_space<vmem_shared>>) target(%dma_start3A_170 : memref<64x128xf32, #tpu.memory_space<vmem>>) target_semaphore(%run_scoped3A : memref<!tpu.dma_semaphore, #tpu.memory_space<semaphore_mem>>)
      %dma_wait3A_173 = arith.constant 0 : i32
      %dma_wait3A_174 = arith.constant 0 : i32
      %dma_wait3A_175 = tpu.memref_slice %arg13[%dma_wait3A_173, %dma_wait3A_174] : memref<64x128xf32, #tpu.memory_space<vmem>> -> memref<64x128xf32, #tpu.memory_space<vmem>>
      %dma_wait3A_176 = arith.constant 0 : i32
      %dma_wait3A_177 = tpu.memref_slice %arg17[%add3A_148, %dma_wait3A_176] : memref<10240x128xf32, #tpu.memory_space<vmem_shared>> -> memref<64x128xf32, #tpu.memory_space<vmem_shared>>
      %dma_wait3A_178 = arith.constant 0 : i32
      %dma_wait3A_179 = arith.constant 0 : i32
      %dma_wait3A_180 = tpu.memref_slice %arg13[%dma_wait3A_178, %dma_wait3A_179] : memref<64x128xf32, #tpu.memory_space<vmem>> -> memref<64x128xf32, #tpu.memory_space<vmem>>
      %dma_wait3A_181 = arith.constant 0 : i32
      %dma_wait3A_182 = tpu.memref_slice %arg17[%add3A_148, %dma_wait3A_181] : memref<10240x128xf32, #tpu.memory_space<vmem_shared>> -> memref<64x128xf32, #tpu.memory_space<vmem_shared>>
      tpu.wait_dma2 semaphore(%run_scoped3A : memref<!tpu.dma_semaphore, #tpu.memory_space<semaphore_mem>>) src(%dma_wait3A_182 : memref<64x128xf32, #tpu.memory_space<vmem_shared>>) dst(%dma_wait3A_180 : memref<64x128xf32, #tpu.memory_space<vmem>>)
      tpu.yield
    }) : () -> ()
    "tpu.region"() ({
      %run_scoped3A = tpu.sem_alloc : memref<!tpu.dma_semaphore, #tpu.memory_space<semaphore_mem>>
      %dma_start3A_163 = arith.constant 0 : i32
      %dma_start3A_164 = arith.constant 0 : i32
      %dma_start3A_165 = tpu.memref_slice %arg13[%dma_start3A_163, %dma_start3A_164] : memref<64x128xf32, #tpu.memory_space<vmem>> -> memref<64x128xf32, #tpu.memory_space<vmem>>
      %dma_start3A_166 = arith.constant 0 : i32
      %dma_start3A_167 = tpu.memref_slice %arg7[%arg0, %add3A_148, %dma_start3A_166] : memref<2x10240x128xf32, #tpu.memory_space<hbm>> -> memref<1x64x128xf32, #tpu.memory_space<hbm>>
      %dma_start3A_168 = tpu.memref_squeeze %dma_start3A_167 : memref<1x64x128xf32, #tpu.memory_space<hbm>> -> memref<64x128xf32, #tpu.memory_space<hbm>>
      %dma_start3A_169 = arith.constant 0 : i32
      %dma_start3A_170 = tpu.memref_slice %arg7[%arg0, %add3A_148, %dma_start3A_169] : memref<2x10240x128xf32, #tpu.memory_space<hbm>> -> memref<1x64x128xf32, #tpu.memory_space<hbm>>
      %dma_start3A_171 = tpu.memref_squeeze %dma_start3A_170 : memref<1x64x128xf32, #tpu.memory_space<hbm>> -> memref<64x128xf32, #tpu.memory_space<hbm>>
      %dma_start3A_172 = arith.constant 0 : i32
      %dma_start3A_173 = arith.constant 0 : i32
      %dma_start3A_174 = tpu.memref_slice %arg13[%dma_start3A_172, %dma_start3A_173] : memref<64x128xf32, #tpu.memory_space<vmem>> -> memref<64x128xf32, #tpu.memory_space<vmem>>
      tpu.enqueue_dma source(%dma_start3A_174 : memref<64x128xf32, #tpu.memory_space<vmem>>) target(%dma_start3A_171 : memref<64x128xf32, #tpu.memory_space<hbm>>) target_semaphore(%run_scoped3A : memref<!tpu.dma_semaphore, #tpu.memory_space<semaphore_mem>>)
      %dma_wait3A_175 = arith.constant 0 : i32
      %dma_wait3A_176 = arith.constant 0 : i32
      %dma_wait3A_177 = tpu.memref_slice %arg13[%dma_wait3A_175, %dma_wait3A_176] : memref<64x128xf32, #tpu.memory_space<vmem>> -> memref<64x128xf32, #tpu.memory_space<vmem>>
      %dma_wait3A_178 = arith.constant 0 : i32
      %dma_wait3A_179 = tpu.memref_slice %arg7[%arg0, %add3A_148, %dma_wait3A_178] : memref<2x10240x128xf32, #tpu.memory_space<hbm>> -> memref<1x64x128xf32, #tpu.memory_space<hbm>>
      %dma_wait3A_180 = tpu.memref_squeeze %dma_wait3A_179 : memref<1x64x128xf32, #tpu.memory_space<hbm>> -> memref<64x128xf32, #tpu.memory_space<hbm>>
      %dma_wait3A_181 = arith.constant 0 : i32
      %dma_wait3A_182 = tpu.memref_slice %arg7[%arg0, %add3A_148, %dma_wait3A_181] : memref<2x10240x128xf32, #tpu.memory_space<hbm>> -> memref<1x64x128xf32, #tpu.memory_space<hbm>>
      %dma_wait3A_183 = tpu.memref_squeeze %dma_wait3A_182 : memref<1x64x128xf32, #tpu.memory_space<hbm>> -> memref<64x128xf32, #tpu.memory_space<hbm>>
      %dma_wait3A_184 = arith.constant 0 : i32
      %dma_wait3A_185 = arith.constant 0 : i32
      %dma_wait3A_186 = tpu.memref_slice %arg13[%dma_wait3A_184, %dma_wait3A_185] : memref<64x128xf32, #tpu.memory_space<vmem>> -> memref<64x128xf32, #tpu.memory_space<vmem>>
      tpu.wait_dma2 semaphore(%run_scoped3A : memref<!tpu.dma_semaphore, #tpu.memory_space<semaphore_mem>>) src(%dma_wait3A_186 : memref<64x128xf32, #tpu.memory_space<vmem>>) dst(%dma_wait3A_183 : memref<64x128xf32, #tpu.memory_space<hbm>>)
      tpu.yield
    }) : () -> ()
    %mul3A_149 = arith.constant 640 : i32
    %mul3A_150 = arith.muli %arg1, %mul3A_149 : i32
    %add3A_151 = arith.constant 448 : i32
    %add3A_152 = arith.addi %mul3A_150, %add3A_151 : i32
    "tpu.region"() ({
      %run_scoped3A = tpu.sem_alloc : memref<!tpu.dma_semaphore, #tpu.memory_space<semaphore_mem>>
      %dma_start3A_163 = arith.constant 0 : i32
      %dma_start3A_164 = arith.constant 0 : i32
      %dma_start3A_165 = tpu.memref_slice %arg13[%dma_start3A_163, %dma_start3A_164] : memref<64x128xf32, #tpu.memory_space<vmem>> -> memref<64x128xf32, #tpu.memory_space<vmem>>
      %dma_start3A_166 = arith.constant 0 : i32
      %dma_start3A_167 = tpu.memref_slice %arg17[%add3A_152, %dma_start3A_166] : memref<10240x128xf32, #tpu.memory_space<vmem_shared>> -> memref<64x128xf32, #tpu.memory_space<vmem_shared>>
      %dma_start3A_168 = arith.constant 0 : i32
      %dma_start3A_169 = arith.constant 0 : i32
      %dma_start3A_170 = tpu.memref_slice %arg13[%dma_start3A_168, %dma_start3A_169] : memref<64x128xf32, #tpu.memory_space<vmem>> -> memref<64x128xf32, #tpu.memory_space<vmem>>
      %dma_start3A_171 = arith.constant 0 : i32
      %dma_start3A_172 = tpu.memref_slice %arg17[%add3A_152, %dma_start3A_171] : memref<10240x128xf32, #tpu.memory_space<vmem_shared>> -> memref<64x128xf32, #tpu.memory_space<vmem_shared>>
      tpu.enqueue_dma source(%dma_start3A_172 : memref<64x128xf32, #tpu.memory_space<vmem_shared>>) target(%dma_start3A_170 : memref<64x128xf32, #tpu.memory_space<vmem>>) target_semaphore(%run_scoped3A : memref<!tpu.dma_semaphore, #tpu.memory_space<semaphore_mem>>)
      %dma_wait3A_173 = arith.constant 0 : i32
      %dma_wait3A_174 = arith.constant 0 : i32
      %dma_wait3A_175 = tpu.memref_slice %arg13[%dma_wait3A_173, %dma_wait3A_174] : memref<64x128xf32, #tpu.memory_space<vmem>> -> memref<64x128xf32, #tpu.memory_space<vmem>>
      %dma_wait3A_176 = arith.constant 0 : i32
      %dma_wait3A_177 = tpu.memref_slice %arg17[%add3A_152, %dma_wait3A_176] : memref<10240x128xf32, #tpu.memory_space<vmem_shared>> -> memref<64x128xf32, #tpu.memory_space<vmem_shared>>
      %dma_wait3A_178 = arith.constant 0 : i32
      %dma_wait3A_179 = arith.constant 0 : i32
      %dma_wait3A_180 = tpu.memref_slice %arg13[%dma_wait3A_178, %dma_wait3A_179] : memref<64x128xf32, #tpu.memory_space<vmem>> -> memref<64x128xf32, #tpu.memory_space<vmem>>
      %dma_wait3A_181 = arith.constant 0 : i32
      %dma_wait3A_182 = tpu.memref_slice %arg17[%add3A_152, %dma_wait3A_181] : memref<10240x128xf32, #tpu.memory_space<vmem_shared>> -> memref<64x128xf32, #tpu.memory_space<vmem_shared>>
      tpu.wait_dma2 semaphore(%run_scoped3A : memref<!tpu.dma_semaphore, #tpu.memory_space<semaphore_mem>>) src(%dma_wait3A_182 : memref<64x128xf32, #tpu.memory_space<vmem_shared>>) dst(%dma_wait3A_180 : memref<64x128xf32, #tpu.memory_space<vmem>>)
      tpu.yield
    }) : () -> ()
    "tpu.region"() ({
      %run_scoped3A = tpu.sem_alloc : memref<!tpu.dma_semaphore, #tpu.memory_space<semaphore_mem>>
      %dma_start3A_163 = arith.constant 0 : i32
      %dma_start3A_164 = arith.constant 0 : i32
      %dma_start3A_165 = tpu.memref_slice %arg13[%dma_start3A_163, %dma_start3A_164] : memref<64x128xf32, #tpu.memory_space<vmem>> -> memref<64x128xf32, #tpu.memory_space<vmem>>
      %dma_start3A_166 = arith.constant 0 : i32
      %dma_start3A_167 = tpu.memref_slice %arg7[%arg0, %add3A_152, %dma_start3A_166] : memref<2x10240x128xf32, #tpu.memory_space<hbm>> -> memref<1x64x128xf32, #tpu.memory_space<hbm>>
      %dma_start3A_168 = tpu.memref_squeeze %dma_start3A_167 : memref<1x64x128xf32, #tpu.memory_space<hbm>> -> memref<64x128xf32, #tpu.memory_space<hbm>>
      %dma_start3A_169 = arith.constant 0 : i32
      %dma_start3A_170 = tpu.memref_slice %arg7[%arg0, %add3A_152, %dma_start3A_169] : memref<2x10240x128xf32, #tpu.memory_space<hbm>> -> memref<1x64x128xf32, #tpu.memory_space<hbm>>
      %dma_start3A_171 = tpu.memref_squeeze %dma_start3A_170 : memref<1x64x128xf32, #tpu.memory_space<hbm>> -> memref<64x128xf32, #tpu.memory_space<hbm>>
      %dma_start3A_172 = arith.constant 0 : i32
      %dma_start3A_173 = arith.constant 0 : i32
      %dma_start3A_174 = tpu.memref_slice %arg13[%dma_start3A_172, %dma_start3A_173] : memref<64x128xf32, #tpu.memory_space<vmem>> -> memref<64x128xf32, #tpu.memory_space<vmem>>
      tpu.enqueue_dma source(%dma_start3A_174 : memref<64x128xf32, #tpu.memory_space<vmem>>) target(%dma_start3A_171 : memref<64x128xf32, #tpu.memory_space<hbm>>) target_semaphore(%run_scoped3A : memref<!tpu.dma_semaphore, #tpu.memory_space<semaphore_mem>>)
      %dma_wait3A_175 = arith.constant 0 : i32
      %dma_wait3A_176 = arith.constant 0 : i32
      %dma_wait3A_177 = tpu.memref_slice %arg13[%dma_wait3A_175, %dma_wait3A_176] : memref<64x128xf32, #tpu.memory_space<vmem>> -> memref<64x128xf32, #tpu.memory_space<vmem>>
      %dma_wait3A_178 = arith.constant 0 : i32
      %dma_wait3A_179 = tpu.memref_slice %arg7[%arg0, %add3A_152, %dma_wait3A_178] : memref<2x10240x128xf32, #tpu.memory_space<hbm>> -> memref<1x64x128xf32, #tpu.memory_space<hbm>>
      %dma_wait3A_180 = tpu.memref_squeeze %dma_wait3A_179 : memref<1x64x128xf32, #tpu.memory_space<hbm>> -> memref<64x128xf32, #tpu.memory_space<hbm>>
      %dma_wait3A_181 = arith.constant 0 : i32
      %dma_wait3A_182 = tpu.memref_slice %arg7[%arg0, %add3A_152, %dma_wait3A_181] : memref<2x10240x128xf32, #tpu.memory_space<hbm>> -> memref<1x64x128xf32, #tpu.memory_space<hbm>>
      %dma_wait3A_183 = tpu.memref_squeeze %dma_wait3A_182 : memref<1x64x128xf32, #tpu.memory_space<hbm>> -> memref<64x128xf32, #tpu.memory_space<hbm>>
      %dma_wait3A_184 = arith.constant 0 : i32
      %dma_wait3A_185 = arith.constant 0 : i32
      %dma_wait3A_186 = tpu.memref_slice %arg13[%dma_wait3A_184, %dma_wait3A_185] : memref<64x128xf32, #tpu.memory_space<vmem>> -> memref<64x128xf32, #tpu.memory_space<vmem>>
      tpu.wait_dma2 semaphore(%run_scoped3A : memref<!tpu.dma_semaphore, #tpu.memory_space<semaphore_mem>>) src(%dma_wait3A_186 : memref<64x128xf32, #tpu.memory_space<vmem>>) dst(%dma_wait3A_183 : memref<64x128xf32, #tpu.memory_space<hbm>>)
      tpu.yield
    }) : () -> ()
    %mul3A_153 = arith.constant 640 : i32
    %mul3A_154 = arith.muli %arg1, %mul3A_153 : i32
    %add3A_155 = arith.constant 512 : i32
    %add3A_156 = arith.addi %mul3A_154, %add3A_155 : i32
    "tpu.region"() ({
      %run_scoped3A = tpu.sem_alloc : memref<!tpu.dma_semaphore, #tpu.memory_space<semaphore_mem>>
      %dma_start3A_163 = arith.constant 0 : i32
      %dma_start3A_164 = arith.constant 0 : i32
      %dma_start3A_165 = tpu.memref_slice %arg13[%dma_start3A_163, %dma_start3A_164] : memref<64x128xf32, #tpu.memory_space<vmem>> -> memref<64x128xf32, #tpu.memory_space<vmem>>
      %dma_start3A_166 = arith.constant 0 : i32
      %dma_start3A_167 = tpu.memref_slice %arg17[%add3A_156, %dma_start3A_166] : memref<10240x128xf32, #tpu.memory_space<vmem_shared>> -> memref<64x128xf32, #tpu.memory_space<vmem_shared>>
      %dma_start3A_168 = arith.constant 0 : i32
      %dma_start3A_169 = arith.constant 0 : i32
      %dma_start3A_170 = tpu.memref_slice %arg13[%dma_start3A_168, %dma_start3A_169] : memref<64x128xf32, #tpu.memory_space<vmem>> -> memref<64x128xf32, #tpu.memory_space<vmem>>
      %dma_start3A_171 = arith.constant 0 : i32
      %dma_start3A_172 = tpu.memref_slice %arg17[%add3A_156, %dma_start3A_171] : memref<10240x128xf32, #tpu.memory_space<vmem_shared>> -> memref<64x128xf32, #tpu.memory_space<vmem_shared>>
      tpu.enqueue_dma source(%dma_start3A_172 : memref<64x128xf32, #tpu.memory_space<vmem_shared>>) target(%dma_start3A_170 : memref<64x128xf32, #tpu.memory_space<vmem>>) target_semaphore(%run_scoped3A : memref<!tpu.dma_semaphore, #tpu.memory_space<semaphore_mem>>)
      %dma_wait3A_173 = arith.constant 0 : i32
      %dma_wait3A_174 = arith.constant 0 : i32
      %dma_wait3A_175 = tpu.memref_slice %arg13[%dma_wait3A_173, %dma_wait3A_174] : memref<64x128xf32, #tpu.memory_space<vmem>> -> memref<64x128xf32, #tpu.memory_space<vmem>>
      %dma_wait3A_176 = arith.constant 0 : i32
      %dma_wait3A_177 = tpu.memref_slice %arg17[%add3A_156, %dma_wait3A_176] : memref<10240x128xf32, #tpu.memory_space<vmem_shared>> -> memref<64x128xf32, #tpu.memory_space<vmem_shared>>
      %dma_wait3A_178 = arith.constant 0 : i32
      %dma_wait3A_179 = arith.constant 0 : i32
      %dma_wait3A_180 = tpu.memref_slice %arg13[%dma_wait3A_178, %dma_wait3A_179] : memref<64x128xf32, #tpu.memory_space<vmem>> -> memref<64x128xf32, #tpu.memory_space<vmem>>
      %dma_wait3A_181 = arith.constant 0 : i32
      %dma_wait3A_182 = tpu.memref_slice %arg17[%add3A_156, %dma_wait3A_181] : memref<10240x128xf32, #tpu.memory_space<vmem_shared>> -> memref<64x128xf32, #tpu.memory_space<vmem_shared>>
      tpu.wait_dma2 semaphore(%run_scoped3A : memref<!tpu.dma_semaphore, #tpu.memory_space<semaphore_mem>>) src(%dma_wait3A_182 : memref<64x128xf32, #tpu.memory_space<vmem_shared>>) dst(%dma_wait3A_180 : memref<64x128xf32, #tpu.memory_space<vmem>>)
      tpu.yield
    }) : () -> ()
    "tpu.region"() ({
      %run_scoped3A = tpu.sem_alloc : memref<!tpu.dma_semaphore, #tpu.memory_space<semaphore_mem>>
      %dma_start3A_163 = arith.constant 0 : i32
      %dma_start3A_164 = arith.constant 0 : i32
      %dma_start3A_165 = tpu.memref_slice %arg13[%dma_start3A_163, %dma_start3A_164] : memref<64x128xf32, #tpu.memory_space<vmem>> -> memref<64x128xf32, #tpu.memory_space<vmem>>
      %dma_start3A_166 = arith.constant 0 : i32
      %dma_start3A_167 = tpu.memref_slice %arg7[%arg0, %add3A_156, %dma_start3A_166] : memref<2x10240x128xf32, #tpu.memory_space<hbm>> -> memref<1x64x128xf32, #tpu.memory_space<hbm>>
      %dma_start3A_168 = tpu.memref_squeeze %dma_start3A_167 : memref<1x64x128xf32, #tpu.memory_space<hbm>> -> memref<64x128xf32, #tpu.memory_space<hbm>>
      %dma_start3A_169 = arith.constant 0 : i32
      %dma_start3A_170 = tpu.memref_slice %arg7[%arg0, %add3A_156, %dma_start3A_169] : memref<2x10240x128xf32, #tpu.memory_space<hbm>> -> memref<1x64x128xf32, #tpu.memory_space<hbm>>
      %dma_start3A_171 = tpu.memref_squeeze %dma_start3A_170 : memref<1x64x128xf32, #tpu.memory_space<hbm>> -> memref<64x128xf32, #tpu.memory_space<hbm>>
      %dma_start3A_172 = arith.constant 0 : i32
      %dma_start3A_173 = arith.constant 0 : i32
      %dma_start3A_174 = tpu.memref_slice %arg13[%dma_start3A_172, %dma_start3A_173] : memref<64x128xf32, #tpu.memory_space<vmem>> -> memref<64x128xf32, #tpu.memory_space<vmem>>
      tpu.enqueue_dma source(%dma_start3A_174 : memref<64x128xf32, #tpu.memory_space<vmem>>) target(%dma_start3A_171 : memref<64x128xf32, #tpu.memory_space<hbm>>) target_semaphore(%run_scoped3A : memref<!tpu.dma_semaphore, #tpu.memory_space<semaphore_mem>>)
      %dma_wait3A_175 = arith.constant 0 : i32
      %dma_wait3A_176 = arith.constant 0 : i32
      %dma_wait3A_177 = tpu.memref_slice %arg13[%dma_wait3A_175, %dma_wait3A_176] : memref<64x128xf32, #tpu.memory_space<vmem>> -> memref<64x128xf32, #tpu.memory_space<vmem>>
      %dma_wait3A_178 = arith.constant 0 : i32
      %dma_wait3A_179 = tpu.memref_slice %arg7[%arg0, %add3A_156, %dma_wait3A_178] : memref<2x10240x128xf32, #tpu.memory_space<hbm>> -> memref<1x64x128xf32, #tpu.memory_space<hbm>>
      %dma_wait3A_180 = tpu.memref_squeeze %dma_wait3A_179 : memref<1x64x128xf32, #tpu.memory_space<hbm>> -> memref<64x128xf32, #tpu.memory_space<hbm>>
      %dma_wait3A_181 = arith.constant 0 : i32
      %dma_wait3A_182 = tpu.memref_slice %arg7[%arg0, %add3A_156, %dma_wait3A_181] : memref<2x10240x128xf32, #tpu.memory_space<hbm>> -> memref<1x64x128xf32, #tpu.memory_space<hbm>>
      %dma_wait3A_183 = tpu.memref_squeeze %dma_wait3A_182 : memref<1x64x128xf32, #tpu.memory_space<hbm>> -> memref<64x128xf32, #tpu.memory_space<hbm>>
      %dma_wait3A_184 = arith.constant 0 : i32
      %dma_wait3A_185 = arith.constant 0 : i32
      %dma_wait3A_186 = tpu.memref_slice %arg13[%dma_wait3A_184, %dma_wait3A_185] : memref<64x128xf32, #tpu.memory_space<vmem>> -> memref<64x128xf32, #tpu.memory_space<vmem>>
      tpu.wait_dma2 semaphore(%run_scoped3A : memref<!tpu.dma_semaphore, #tpu.memory_space<semaphore_mem>>) src(%dma_wait3A_186 : memref<64x128xf32, #tpu.memory_space<vmem>>) dst(%dma_wait3A_183 : memref<64x128xf32, #tpu.memory_space<hbm>>)
      tpu.yield
    }) : () -> ()
    %mul3A_157 = arith.constant 640 : i32
    %mul3A_158 = arith.muli %arg1, %mul3A_157 : i32
    %add3A_159 = arith.constant 576 : i32
    %add3A_160 = arith.addi %mul3A_158, %add3A_159 : i32
    "tpu.region"() ({
      %run_scoped3A = tpu.sem_alloc : memref<!tpu.dma_semaphore, #tpu.memory_space<semaphore_mem>>
      %dma_start3A_163 = arith.constant 0 : i32
      %dma_start3A_164 = arith.constant 0 : i32
      %dma_start3A_165 = tpu.memref_slice %arg13[%dma_start3A_163, %dma_start3A_164] : memref<64x128xf32, #tpu.memory_space<vmem>> -> memref<64x128xf32, #tpu.memory_space<vmem>>
      %dma_start3A_166 = arith.constant 0 : i32
      %dma_start3A_167 = tpu.memref_slice %arg17[%add3A_160, %dma_start3A_166] : memref<10240x128xf32, #tpu.memory_space<vmem_shared>> -> memref<64x128xf32, #tpu.memory_space<vmem_shared>>
      %dma_start3A_168 = arith.constant 0 : i32
      %dma_start3A_169 = arith.constant 0 : i32
      %dma_start3A_170 = tpu.memref_slice %arg13[%dma_start3A_168, %dma_start3A_169] : memref<64x128xf32, #tpu.memory_space<vmem>> -> memref<64x128xf32, #tpu.memory_space<vmem>>
      %dma_start3A_171 = arith.constant 0 : i32
      %dma_start3A_172 = tpu.memref_slice %arg17[%add3A_160, %dma_start3A_171] : memref<10240x128xf32, #tpu.memory_space<vmem_shared>> -> memref<64x128xf32, #tpu.memory_space<vmem_shared>>
      tpu.enqueue_dma source(%dma_start3A_172 : memref<64x128xf32, #tpu.memory_space<vmem_shared>>) target(%dma_start3A_170 : memref<64x128xf32, #tpu.memory_space<vmem>>) target_semaphore(%run_scoped3A : memref<!tpu.dma_semaphore, #tpu.memory_space<semaphore_mem>>)
      %dma_wait3A_173 = arith.constant 0 : i32
      %dma_wait3A_174 = arith.constant 0 : i32
      %dma_wait3A_175 = tpu.memref_slice %arg13[%dma_wait3A_173, %dma_wait3A_174] : memref<64x128xf32, #tpu.memory_space<vmem>> -> memref<64x128xf32, #tpu.memory_space<vmem>>
      %dma_wait3A_176 = arith.constant 0 : i32
      %dma_wait3A_177 = tpu.memref_slice %arg17[%add3A_160, %dma_wait3A_176] : memref<10240x128xf32, #tpu.memory_space<vmem_shared>> -> memref<64x128xf32, #tpu.memory_space<vmem_shared>>
      %dma_wait3A_178 = arith.constant 0 : i32
      %dma_wait3A_179 = arith.constant 0 : i32
      %dma_wait3A_180 = tpu.memref_slice %arg13[%dma_wait3A_178, %dma_wait3A_179] : memref<64x128xf32, #tpu.memory_space<vmem>> -> memref<64x128xf32, #tpu.memory_space<vmem>>
      %dma_wait3A_181 = arith.constant 0 : i32
      %dma_wait3A_182 = tpu.memref_slice %arg17[%add3A_160, %dma_wait3A_181] : memref<10240x128xf32, #tpu.memory_space<vmem_shared>> -> memref<64x128xf32, #tpu.memory_space<vmem_shared>>
      tpu.wait_dma2 semaphore(%run_scoped3A : memref<!tpu.dma_semaphore, #tpu.memory_space<semaphore_mem>>) src(%dma_wait3A_182 : memref<64x128xf32, #tpu.memory_space<vmem_shared>>) dst(%dma_wait3A_180 : memref<64x128xf32, #tpu.memory_space<vmem>>)
      tpu.yield
    }) : () -> ()
    "tpu.region"() ({
      %run_scoped3A = tpu.sem_alloc : memref<!tpu.dma_semaphore, #tpu.memory_space<semaphore_mem>>
      %dma_start3A_163 = arith.constant 0 : i32
      %dma_start3A_164 = arith.constant 0 : i32
      %dma_start3A_165 = tpu.memref_slice %arg13[%dma_start3A_163, %dma_start3A_164] : memref<64x128xf32, #tpu.memory_space<vmem>> -> memref<64x128xf32, #tpu.memory_space<vmem>>
      %dma_start3A_166 = arith.constant 0 : i32
      %dma_start3A_167 = tpu.memref_slice %arg7[%arg0, %add3A_160, %dma_start3A_166] : memref<2x10240x128xf32, #tpu.memory_space<hbm>> -> memref<1x64x128xf32, #tpu.memory_space<hbm>>
      %dma_start3A_168 = tpu.memref_squeeze %dma_start3A_167 : memref<1x64x128xf32, #tpu.memory_space<hbm>> -> memref<64x128xf32, #tpu.memory_space<hbm>>
      %dma_start3A_169 = arith.constant 0 : i32
      %dma_start3A_170 = tpu.memref_slice %arg7[%arg0, %add3A_160, %dma_start3A_169] : memref<2x10240x128xf32, #tpu.memory_space<hbm>> -> memref<1x64x128xf32, #tpu.memory_space<hbm>>
      %dma_start3A_171 = tpu.memref_squeeze %dma_start3A_170 : memref<1x64x128xf32, #tpu.memory_space<hbm>> -> memref<64x128xf32, #tpu.memory_space<hbm>>
      %dma_start3A_172 = arith.constant 0 : i32
      %dma_start3A_173 = arith.constant 0 : i32
      %dma_start3A_174 = tpu.memref_slice %arg13[%dma_start3A_172, %dma_start3A_173] : memref<64x128xf32, #tpu.memory_space<vmem>> -> memref<64x128xf32, #tpu.memory_space<vmem>>
      tpu.enqueue_dma source(%dma_start3A_174 : memref<64x128xf32, #tpu.memory_space<vmem>>) target(%dma_start3A_171 : memref<64x128xf32, #tpu.memory_space<hbm>>) target_semaphore(%run_scoped3A : memref<!tpu.dma_semaphore, #tpu.memory_space<semaphore_mem>>)
      %dma_wait3A_175 = arith.constant 0 : i32
      %dma_wait3A_176 = arith.constant 0 : i32
      %dma_wait3A_177 = tpu.memref_slice %arg13[%dma_wait3A_175, %dma_wait3A_176] : memref<64x128xf32, #tpu.memory_space<vmem>> -> memref<64x128xf32, #tpu.memory_space<vmem>>
      %dma_wait3A_178 = arith.constant 0 : i32
      %dma_wait3A_179 = tpu.memref_slice %arg7[%arg0, %add3A_160, %dma_wait3A_178] : memref<2x10240x128xf32, #tpu.memory_space<hbm>> -> memref<1x64x128xf32, #tpu.memory_space<hbm>>
      %dma_wait3A_180 = tpu.memref_squeeze %dma_wait3A_179 : memref<1x64x128xf32, #tpu.memory_space<hbm>> -> memref<64x128xf32, #tpu.memory_space<hbm>>
      %dma_wait3A_181 = arith.constant 0 : i32
      %dma_wait3A_182 = tpu.memref_slice %arg7[%arg0, %add3A_160, %dma_wait3A_181] : memref<2x10240x128xf32, #tpu.memory_space<hbm>> -> memref<1x64x128xf32, #tpu.memory_space<hbm>>
      %dma_wait3A_183 = tpu.memref_squeeze %dma_wait3A_182 : memref<1x64x128xf32, #tpu.memory_space<hbm>> -> memref<64x128xf32, #tpu.memory_space<hbm>>
      %dma_wait3A_184 = arith.constant 0 : i32
      %dma_wait3A_185 = arith.constant 0 : i32
      %dma_wait3A_186 = tpu.memref_slice %arg13[%dma_wait3A_184, %dma_wait3A_185] : memref<64x128xf32, #tpu.memory_space<vmem>> -> memref<64x128xf32, #tpu.memory_space<vmem>>
      tpu.wait_dma2 semaphore(%run_scoped3A : memref<!tpu.dma_semaphore, #tpu.memory_space<semaphore_mem>>) src(%dma_wait3A_186 : memref<64x128xf32, #tpu.memory_space<vmem>>) dst(%dma_wait3A_183 : memref<64x128xf32, #tpu.memory_space<hbm>>)
      tpu.yield
    }) : () -> ()
    %mul3A_161 = arith.constant 10240 : i32
    %mul3A_162 = arith.muli %add3A, %mul3A_161 : i32
    "tpu.region"() ({
      %run_scoped3A = tpu.sem_alloc : memref<!tpu.dma_semaphore, #tpu.memory_space<semaphore_mem>>
      %dma_start3A_163 = tpu.memref_slice %arg8[%mul3A_162] : memref<327680xf32, #tpu.memory_space<hbm>> -> memref<10240xf32, #tpu.memory_space<hbm>>
      %dma_start3A_164 = tpu.memref_slice %arg8[%mul3A_162] : memref<327680xf32, #tpu.memory_space<hbm>> -> memref<10240xf32, #tpu.memory_space<hbm>>
      tpu.enqueue_dma source(%arg16 : memref<10240xf32, #tpu.memory_space<vmem>>) target(%dma_start3A_164 : memref<10240xf32, #tpu.memory_space<hbm>>) target_semaphore(%run_scoped3A : memref<!tpu.dma_semaphore, #tpu.memory_space<semaphore_mem>>)
      %dma_wait3A_165 = tpu.memref_slice %arg8[%mul3A_162] : memref<327680xf32, #tpu.memory_space<hbm>> -> memref<10240xf32, #tpu.memory_space<hbm>>
      %dma_wait3A_166 = tpu.memref_slice %arg8[%mul3A_162] : memref<327680xf32, #tpu.memory_space<hbm>> -> memref<10240xf32, #tpu.memory_space<hbm>>
      tpu.wait_dma2 semaphore(%run_scoped3A : memref<!tpu.dma_semaphore, #tpu.memory_space<semaphore_mem>>) src(%arg16 : memref<10240xf32, #tpu.memory_space<vmem>>) dst(%dma_wait3A_166 : memref<10240xf32, #tpu.memory_space<hbm>>)
      tpu.yield
    }) : () -> ()
    return
  }
}

#map = affine_map<(d0, d1) -> (0, 0, 0, 0)>
#map1 = affine_map<(d0, d1) -> (0)>
module attributes {stable_mosaic.version = 14 : i64} {
  func.func @deg_kernel(%arg0: i32, %arg1: i32, %arg2: memref<32x268x2x64xi32, #tpu.memory_space<hbm>>, %arg3: memref<10240xf32, #tpu.memory_space<hbm>>, %arg4: memref<16xf32, #tpu.memory_space<hbm>>, %arg5: memref<327680xf32, #tpu.memory_space<hbm>>, %arg6: memref<327680xf32, #tpu.memory_space<hbm>>, %arg7: memref<268x2x64xi32, #tpu.memory_space<vmem>>, %arg8: memref<10240xf32, #tpu.memory_space<vmem>>, %arg9: memref<10240xf32, #tpu.memory_space<vmem>>, %arg10: memref<16xf32, #tpu.memory_space<vmem>>) attributes {dimension_semantics = [#tpu.dimension_semantics<core_parallel>, #tpu.dimension_semantics<subcore_parallel>], iteration_bounds = array<i64: 2, 16>, scalar_prefetch = 0 : i64, scratch_operands = 4 : i64, tpu.core_type = #tpu.core_type<sc_vector_subcore>, window_params = [{transform_indices = #map}, {transform_indices = #map1}, {transform_indices = #map1}, {transform_indices = #map1}, {transform_indices = #map1}]} {
    %mul3A = arith.constant 16 : i32
    %mul3A_0 = arith.muli %arg0, %mul3A : i32
    %add3A = arith.addi %mul3A_0, %arg1 : i32
    "tpu.region"() ({
      %run_scoped3A = tpu.sem_alloc : memref<!tpu.dma_semaphore, #tpu.memory_space<semaphore_mem>>
      tpu.enqueue_dma source(%arg3 : memref<10240xf32, #tpu.memory_space<hbm>>) target(%arg8 : memref<10240xf32, #tpu.memory_space<vmem>>) target_semaphore(%run_scoped3A : memref<!tpu.dma_semaphore, #tpu.memory_space<semaphore_mem>>)
      tpu.wait_dma2 semaphore(%run_scoped3A : memref<!tpu.dma_semaphore, #tpu.memory_space<semaphore_mem>>) src(%arg3 : memref<10240xf32, #tpu.memory_space<hbm>>) dst(%arg8 : memref<10240xf32, #tpu.memory_space<vmem>>)
      tpu.yield
    }) : () -> ()
    "tpu.region"() ({
      %run_scoped3A = tpu.sem_alloc : memref<!tpu.dma_semaphore, #tpu.memory_space<semaphore_mem>>
      tpu.enqueue_dma source(%arg3 : memref<10240xf32, #tpu.memory_space<hbm>>) target(%arg9 : memref<10240xf32, #tpu.memory_space<vmem>>) target_semaphore(%run_scoped3A : memref<!tpu.dma_semaphore, #tpu.memory_space<semaphore_mem>>)
      tpu.wait_dma2 semaphore(%run_scoped3A : memref<!tpu.dma_semaphore, #tpu.memory_space<semaphore_mem>>) src(%arg3 : memref<10240xf32, #tpu.memory_space<hbm>>) dst(%arg9 : memref<10240xf32, #tpu.memory_space<vmem>>)
      tpu.yield
    }) : () -> ()
    "tpu.region"() ({
      %run_scoped3A = tpu.sem_alloc : memref<!tpu.dma_semaphore, #tpu.memory_space<semaphore_mem>>
      %dma_start3A = arith.constant 0 : i32
      %dma_start3A_15 = arith.constant 0 : i32
      %dma_start3A_16 = arith.constant 0 : i32
      %dma_start3A_17 = tpu.memref_slice %arg2[%add3A, %dma_start3A, %dma_start3A_15, %dma_start3A_16] : memref<32x268x2x64xi32, #tpu.memory_space<hbm>> -> memref<1x268x2x64xi32, #tpu.memory_space<hbm>>
      %dma_start3A_18 = tpu.memref_squeeze %dma_start3A_17 : memref<1x268x2x64xi32, #tpu.memory_space<hbm>> -> memref<268x2x64xi32, #tpu.memory_space<hbm>>
      %dma_start3A_19 = arith.constant 0 : i32
      %dma_start3A_20 = arith.constant 0 : i32
      %dma_start3A_21 = arith.constant 0 : i32
      %dma_start3A_22 = tpu.memref_slice %arg2[%add3A, %dma_start3A_19, %dma_start3A_20, %dma_start3A_21] : memref<32x268x2x64xi32, #tpu.memory_space<hbm>> -> memref<1x268x2x64xi32, #tpu.memory_space<hbm>>
      %dma_start3A_23 = tpu.memref_squeeze %dma_start3A_22 : memref<1x268x2x64xi32, #tpu.memory_space<hbm>> -> memref<268x2x64xi32, #tpu.memory_space<hbm>>
      tpu.enqueue_dma source(%dma_start3A_23 : memref<268x2x64xi32, #tpu.memory_space<hbm>>) target(%arg7 : memref<268x2x64xi32, #tpu.memory_space<vmem>>) target_semaphore(%run_scoped3A : memref<!tpu.dma_semaphore, #tpu.memory_space<semaphore_mem>>)
      %dma_wait3A = arith.constant 0 : i32
      %dma_wait3A_24 = arith.constant 0 : i32
      %dma_wait3A_25 = arith.constant 0 : i32
      %dma_wait3A_26 = tpu.memref_slice %arg2[%add3A, %dma_wait3A, %dma_wait3A_24, %dma_wait3A_25] : memref<32x268x2x64xi32, #tpu.memory_space<hbm>> -> memref<1x268x2x64xi32, #tpu.memory_space<hbm>>
      %dma_wait3A_27 = tpu.memref_squeeze %dma_wait3A_26 : memref<1x268x2x64xi32, #tpu.memory_space<hbm>> -> memref<268x2x64xi32, #tpu.memory_space<hbm>>
      %dma_wait3A_28 = arith.constant 0 : i32
      %dma_wait3A_29 = arith.constant 0 : i32
      %dma_wait3A_30 = arith.constant 0 : i32
      %dma_wait3A_31 = tpu.memref_slice %arg2[%add3A, %dma_wait3A_28, %dma_wait3A_29, %dma_wait3A_30] : memref<32x268x2x64xi32, #tpu.memory_space<hbm>> -> memref<1x268x2x64xi32, #tpu.memory_space<hbm>>
      %dma_wait3A_32 = tpu.memref_squeeze %dma_wait3A_31 : memref<1x268x2x64xi32, #tpu.memory_space<hbm>> -> memref<268x2x64xi32, #tpu.memory_space<hbm>>
      tpu.wait_dma2 semaphore(%run_scoped3A : memref<!tpu.dma_semaphore, #tpu.memory_space<semaphore_mem>>) src(%dma_wait3A_32 : memref<268x2x64xi32, #tpu.memory_space<hbm>>) dst(%arg7 : memref<268x2x64xi32, #tpu.memory_space<vmem>>)
      tpu.yield
    }) : () -> ()
    "tpu.region"() ({
      %run_scoped3A = tpu.sem_alloc : memref<!tpu.dma_semaphore, #tpu.memory_space<semaphore_mem>>
      tpu.enqueue_dma source(%arg4 : memref<16xf32, #tpu.memory_space<hbm>>) target(%arg10 : memref<16xf32, #tpu.memory_space<vmem>>) target_semaphore(%run_scoped3A : memref<!tpu.dma_semaphore, #tpu.memory_space<semaphore_mem>>)
      tpu.wait_dma2 semaphore(%run_scoped3A : memref<!tpu.dma_semaphore, #tpu.memory_space<semaphore_mem>>) src(%arg4 : memref<16xf32, #tpu.memory_space<hbm>>) dst(%arg10 : memref<16xf32, #tpu.memory_space<vmem>>)
      tpu.yield
    }) : () -> ()
    %get3A = arith.constant 0 : index
    %get3A_1 = tpu.vector_load %arg10[%get3A] {strides = array<i32>} : memref<16xf32, #tpu.memory_space<vmem>>, vector<16xf32>,
    %eq3A = arith.constant 0 : i32
    %eq3A_2 = arith.cmpi eq, %arg0, %eq3A : i32
    %jit3A = arith.constant 48 : i32
    %jit3A_3 = arith.constant 268 : i32
    %select_n3A = arith.select %eq3A_2, %jit3A, %jit3A_3 : i32
    %while3A = arith.constant 0 : i32
    %while3A_4 = arith.constant 0 : i32
    %while3A_5 = arith.subi %select_n3A, %while3A_4 : i32
    %while3A_6 = arith.addi %while3A_4, %while3A_5 : i32
    %while3A_7 = arith.constant 1 : i32
    %while3A_8 = arith.divsi %while3A_5, %while3A_7 : i32
    %while3A_9 = arith.muli %while3A_8, %while3A_7 : i32
    %while3A_10 = arith.addi %while3A_4, %while3A_9 : i32
    %while3A_11 = arith.constant 1 : i32
    scf.for %while3A_15 = %while3A_4 to %while3A_10 step %while3A_11  : i32 {
      %get3A_16 = arith.constant 0 : i32
      %get3A_17 = arith.constant 0 : i32
      %get3A_18 = tpu.memref_slice %arg7[%while3A_15, %get3A_16, %get3A_17] : memref<268x2x64xi32, #tpu.memory_space<vmem>> -> memref<1x1x64xi32, #tpu.memory_space<vmem>>
      %get3A_19 = tpu.memref_squeeze %get3A_18 : memref<1x1x64xi32, #tpu.memory_space<vmem>> -> memref<64xi32, #tpu.memory_space<vmem>>
      %get3A_20 = arith.constant 0 : index
      %get3A_21 = tpu.vector_load %get3A_19[%get3A_20] {strides = array<i32>} : memref<64xi32, #tpu.memory_space<vmem>>, vector<16xi32>,
      %get3A_22 = arith.constant 1 : i32
      %get3A_23 = arith.constant 0 : i32
      %get3A_24 = tpu.memref_slice %arg7[%while3A_15, %get3A_22, %get3A_23] : memref<268x2x64xi32, #tpu.memory_space<vmem>> -> memref<1x1x64xi32, #tpu.memory_space<vmem>>
      %get3A_25 = tpu.memref_squeeze %get3A_24 : memref<1x1x64xi32, #tpu.memory_space<vmem>> -> memref<64xi32, #tpu.memory_space<vmem>>
      %get3A_26 = arith.constant 0 : index
      %get3A_27 = tpu.vector_load %get3A_25[%get3A_26] {strides = array<i32>} : memref<64xi32, #tpu.memory_space<vmem>>, vector<16xi32>,
      tpu.vector_store_idx %arg8[%get3A_21], %get3A_1 {add = true} : memref<10240xf32, #tpu.memory_space<vmem>>[vector<16xi32>], vector<16xf32>,
      tpu.vector_store_idx %arg9[%get3A_27], %get3A_1 {add = true} : memref<10240xf32, #tpu.memory_space<vmem>>[vector<16xi32>], vector<16xf32>,
      %get3A_28 = arith.constant 0 : i32
      %get3A_29 = arith.constant 0 : i32
      %get3A_30 = tpu.memref_slice %arg7[%while3A_15, %get3A_28, %get3A_29] : memref<268x2x64xi32, #tpu.memory_space<vmem>> -> memref<1x1x64xi32, #tpu.memory_space<vmem>>
      %get3A_31 = tpu.memref_squeeze %get3A_30 : memref<1x1x64xi32, #tpu.memory_space<vmem>> -> memref<64xi32, #tpu.memory_space<vmem>>
      %get3A_32 = arith.constant 16 : index
      %get3A_33 = tpu.vector_load %get3A_31[%get3A_32] {strides = array<i32>} : memref<64xi32, #tpu.memory_space<vmem>>, vector<16xi32>,
      %get3A_34 = arith.constant 1 : i32
      %get3A_35 = arith.constant 0 : i32
      %get3A_36 = tpu.memref_slice %arg7[%while3A_15, %get3A_34, %get3A_35] : memref<268x2x64xi32, #tpu.memory_space<vmem>> -> memref<1x1x64xi32, #tpu.memory_space<vmem>>
      %get3A_37 = tpu.memref_squeeze %get3A_36 : memref<1x1x64xi32, #tpu.memory_space<vmem>> -> memref<64xi32, #tpu.memory_space<vmem>>
      %get3A_38 = arith.constant 16 : index
      %get3A_39 = tpu.vector_load %get3A_37[%get3A_38] {strides = array<i32>} : memref<64xi32, #tpu.memory_space<vmem>>, vector<16xi32>,
      tpu.vector_store_idx %arg8[%get3A_33], %get3A_1 {add = true} : memref<10240xf32, #tpu.memory_space<vmem>>[vector<16xi32>], vector<16xf32>,
      tpu.vector_store_idx %arg9[%get3A_39], %get3A_1 {add = true} : memref<10240xf32, #tpu.memory_space<vmem>>[vector<16xi32>], vector<16xf32>,
      %get3A_40 = arith.constant 0 : i32
      %get3A_41 = arith.constant 0 : i32
      %get3A_42 = tpu.memref_slice %arg7[%while3A_15, %get3A_40, %get3A_41] : memref<268x2x64xi32, #tpu.memory_space<vmem>> -> memref<1x1x64xi32, #tpu.memory_space<vmem>>
      %get3A_43 = tpu.memref_squeeze %get3A_42 : memref<1x1x64xi32, #tpu.memory_space<vmem>> -> memref<64xi32, #tpu.memory_space<vmem>>
      %get3A_44 = arith.constant 32 : index
      %get3A_45 = tpu.vector_load %get3A_43[%get3A_44] {strides = array<i32>} : memref<64xi32, #tpu.memory_space<vmem>>, vector<16xi32>,
      %get3A_46 = arith.constant 1 : i32
      %get3A_47 = arith.constant 0 : i32
      %get3A_48 = tpu.memref_slice %arg7[%while3A_15, %get3A_46, %get3A_47] : memref<268x2x64xi32, #tpu.memory_space<vmem>> -> memref<1x1x64xi32, #tpu.memory_space<vmem>>
      %get3A_49 = tpu.memref_squeeze %get3A_48 : memref<1x1x64xi32, #tpu.memory_space<vmem>> -> memref<64xi32, #tpu.memory_space<vmem>>
      %get3A_50 = arith.constant 32 : index
      %get3A_51 = tpu.vector_load %get3A_49[%get3A_50] {strides = array<i32>} : memref<64xi32, #tpu.memory_space<vmem>>, vector<16xi32>,
      tpu.vector_store_idx %arg8[%get3A_45], %get3A_1 {add = true} : memref<10240xf32, #tpu.memory_space<vmem>>[vector<16xi32>], vector<16xf32>,
      tpu.vector_store_idx %arg9[%get3A_51], %get3A_1 {add = true} : memref<10240xf32, #tpu.memory_space<vmem>>[vector<16xi32>], vector<16xf32>,
      %get3A_52 = arith.constant 0 : i32
      %get3A_53 = arith.constant 0 : i32
      %get3A_54 = tpu.memref_slice %arg7[%while3A_15, %get3A_52, %get3A_53] : memref<268x2x64xi32, #tpu.memory_space<vmem>> -> memref<1x1x64xi32, #tpu.memory_space<vmem>>
      %get3A_55 = tpu.memref_squeeze %get3A_54 : memref<1x1x64xi32, #tpu.memory_space<vmem>> -> memref<64xi32, #tpu.memory_space<vmem>>
      %get3A_56 = arith.constant 48 : index
      %get3A_57 = tpu.vector_load %get3A_55[%get3A_56] {strides = array<i32>} : memref<64xi32, #tpu.memory_space<vmem>>, vector<16xi32>,
      %get3A_58 = arith.constant 1 : i32
      %get3A_59 = arith.constant 0 : i32
      %get3A_60 = tpu.memref_slice %arg7[%while3A_15, %get3A_58, %get3A_59] : memref<268x2x64xi32, #tpu.memory_space<vmem>> -> memref<1x1x64xi32, #tpu.memory_space<vmem>>
      %get3A_61 = tpu.memref_squeeze %get3A_60 : memref<1x1x64xi32, #tpu.memory_space<vmem>> -> memref<64xi32, #tpu.memory_space<vmem>>
      %get3A_62 = arith.constant 48 : index
      %get3A_63 = tpu.vector_load %get3A_61[%get3A_62] {strides = array<i32>} : memref<64xi32, #tpu.memory_space<vmem>>, vector<16xi32>,
      tpu.vector_store_idx %arg8[%get3A_57], %get3A_1 {add = true} : memref<10240xf32, #tpu.memory_space<vmem>>[vector<16xi32>], vector<16xf32>,
      tpu.vector_store_idx %arg9[%get3A_63], %get3A_1 {add = true} : memref<10240xf32, #tpu.memory_space<vmem>>[vector<16xi32>], vector<16xf32>,
    }
    %while3A_12 = arith.constant 1 : i32
    scf.for %while3A_15 = %while3A_10 to %while3A_6 step %while3A_12  : i32 {
      %get3A_16 = arith.constant 0 : i32
      %get3A_17 = arith.constant 0 : i32
      %get3A_18 = tpu.memref_slice %arg7[%while3A_15, %get3A_16, %get3A_17] : memref<268x2x64xi32, #tpu.memory_space<vmem>> -> memref<1x1x64xi32, #tpu.memory_space<vmem>>
      %get3A_19 = tpu.memref_squeeze %get3A_18 : memref<1x1x64xi32, #tpu.memory_space<vmem>> -> memref<64xi32, #tpu.memory_space<vmem>>
      %get3A_20 = arith.constant 0 : index
      %get3A_21 = tpu.vector_load %get3A_19[%get3A_20] {strides = array<i32>} : memref<64xi32, #tpu.memory_space<vmem>>, vector<16xi32>,
      %get3A_22 = arith.constant 1 : i32
      %get3A_23 = arith.constant 0 : i32
      %get3A_24 = tpu.memref_slice %arg7[%while3A_15, %get3A_22, %get3A_23] : memref<268x2x64xi32, #tpu.memory_space<vmem>> -> memref<1x1x64xi32, #tpu.memory_space<vmem>>
      %get3A_25 = tpu.memref_squeeze %get3A_24 : memref<1x1x64xi32, #tpu.memory_space<vmem>> -> memref<64xi32, #tpu.memory_space<vmem>>
      %get3A_26 = arith.constant 0 : index
      %get3A_27 = tpu.vector_load %get3A_25[%get3A_26] {strides = array<i32>} : memref<64xi32, #tpu.memory_space<vmem>>, vector<16xi32>,
      tpu.vector_store_idx %arg8[%get3A_21], %get3A_1 {add = true} : memref<10240xf32, #tpu.memory_space<vmem>>[vector<16xi32>], vector<16xf32>,
      tpu.vector_store_idx %arg9[%get3A_27], %get3A_1 {add = true} : memref<10240xf32, #tpu.memory_space<vmem>>[vector<16xi32>], vector<16xf32>,
      %get3A_28 = arith.constant 0 : i32
      %get3A_29 = arith.constant 0 : i32
      %get3A_30 = tpu.memref_slice %arg7[%while3A_15, %get3A_28, %get3A_29] : memref<268x2x64xi32, #tpu.memory_space<vmem>> -> memref<1x1x64xi32, #tpu.memory_space<vmem>>
      %get3A_31 = tpu.memref_squeeze %get3A_30 : memref<1x1x64xi32, #tpu.memory_space<vmem>> -> memref<64xi32, #tpu.memory_space<vmem>>
      %get3A_32 = arith.constant 16 : index
      %get3A_33 = tpu.vector_load %get3A_31[%get3A_32] {strides = array<i32>} : memref<64xi32, #tpu.memory_space<vmem>>, vector<16xi32>,
      %get3A_34 = arith.constant 1 : i32
      %get3A_35 = arith.constant 0 : i32
      %get3A_36 = tpu.memref_slice %arg7[%while3A_15, %get3A_34, %get3A_35] : memref<268x2x64xi32, #tpu.memory_space<vmem>> -> memref<1x1x64xi32, #tpu.memory_space<vmem>>
      %get3A_37 = tpu.memref_squeeze %get3A_36 : memref<1x1x64xi32, #tpu.memory_space<vmem>> -> memref<64xi32, #tpu.memory_space<vmem>>
      %get3A_38 = arith.constant 16 : index
      %get3A_39 = tpu.vector_load %get3A_37[%get3A_38] {strides = array<i32>} : memref<64xi32, #tpu.memory_space<vmem>>, vector<16xi32>,
      tpu.vector_store_idx %arg8[%get3A_33], %get3A_1 {add = true} : memref<10240xf32, #tpu.memory_space<vmem>>[vector<16xi32>], vector<16xf32>,
      tpu.vector_store_idx %arg9[%get3A_39], %get3A_1 {add = true} : memref<10240xf32, #tpu.memory_space<vmem>>[vector<16xi32>], vector<16xf32>,
      %get3A_40 = arith.constant 0 : i32
      %get3A_41 = arith.constant 0 : i32
      %get3A_42 = tpu.memref_slice %arg7[%while3A_15, %get3A_40, %get3A_41] : memref<268x2x64xi32, #tpu.memory_space<vmem>> -> memref<1x1x64xi32, #tpu.memory_space<vmem>>
      %get3A_43 = tpu.memref_squeeze %get3A_42 : memref<1x1x64xi32, #tpu.memory_space<vmem>> -> memref<64xi32, #tpu.memory_space<vmem>>
      %get3A_44 = arith.constant 32 : index
      %get3A_45 = tpu.vector_load %get3A_43[%get3A_44] {strides = array<i32>} : memref<64xi32, #tpu.memory_space<vmem>>, vector<16xi32>,
      %get3A_46 = arith.constant 1 : i32
      %get3A_47 = arith.constant 0 : i32
      %get3A_48 = tpu.memref_slice %arg7[%while3A_15, %get3A_46, %get3A_47] : memref<268x2x64xi32, #tpu.memory_space<vmem>> -> memref<1x1x64xi32, #tpu.memory_space<vmem>>
      %get3A_49 = tpu.memref_squeeze %get3A_48 : memref<1x1x64xi32, #tpu.memory_space<vmem>> -> memref<64xi32, #tpu.memory_space<vmem>>
      %get3A_50 = arith.constant 32 : index
      %get3A_51 = tpu.vector_load %get3A_49[%get3A_50] {strides = array<i32>} : memref<64xi32, #tpu.memory_space<vmem>>, vector<16xi32>,
      tpu.vector_store_idx %arg8[%get3A_45], %get3A_1 {add = true} : memref<10240xf32, #tpu.memory_space<vmem>>[vector<16xi32>], vector<16xf32>,
      tpu.vector_store_idx %arg9[%get3A_51], %get3A_1 {add = true} : memref<10240xf32, #tpu.memory_space<vmem>>[vector<16xi32>], vector<16xf32>,
      %get3A_52 = arith.constant 0 : i32
      %get3A_53 = arith.constant 0 : i32
      %get3A_54 = tpu.memref_slice %arg7[%while3A_15, %get3A_52, %get3A_53] : memref<268x2x64xi32, #tpu.memory_space<vmem>> -> memref<1x1x64xi32, #tpu.memory_space<vmem>>
      %get3A_55 = tpu.memref_squeeze %get3A_54 : memref<1x1x64xi32, #tpu.memory_space<vmem>> -> memref<64xi32, #tpu.memory_space<vmem>>
      %get3A_56 = arith.constant 48 : index
      %get3A_57 = tpu.vector_load %get3A_55[%get3A_56] {strides = array<i32>} : memref<64xi32, #tpu.memory_space<vmem>>, vector<16xi32>,
      %get3A_58 = arith.constant 1 : i32
      %get3A_59 = arith.constant 0 : i32
      %get3A_60 = tpu.memref_slice %arg7[%while3A_15, %get3A_58, %get3A_59] : memref<268x2x64xi32, #tpu.memory_space<vmem>> -> memref<1x1x64xi32, #tpu.memory_space<vmem>>
      %get3A_61 = tpu.memref_squeeze %get3A_60 : memref<1x1x64xi32, #tpu.memory_space<vmem>> -> memref<64xi32, #tpu.memory_space<vmem>>
      %get3A_62 = arith.constant 48 : index
      %get3A_63 = tpu.vector_load %get3A_61[%get3A_62] {strides = array<i32>} : memref<64xi32, #tpu.memory_space<vmem>>, vector<16xi32>,
      tpu.vector_store_idx %arg8[%get3A_57], %get3A_1 {add = true} : memref<10240xf32, #tpu.memory_space<vmem>>[vector<16xi32>], vector<16xf32>,
      tpu.vector_store_idx %arg9[%get3A_63], %get3A_1 {add = true} : memref<10240xf32, #tpu.memory_space<vmem>>[vector<16xi32>], vector<16xf32>,
    }
    %mul3A_13 = arith.constant 10240 : i32
    %mul3A_14 = arith.muli %add3A, %mul3A_13 : i32
    "tpu.region"() ({
      %run_scoped3A = tpu.sem_alloc : memref<!tpu.dma_semaphore, #tpu.memory_space<semaphore_mem>>
      %dma_start3A = tpu.memref_slice %arg5[%mul3A_14] : memref<327680xf32, #tpu.memory_space<hbm>> -> memref<10240xf32, #tpu.memory_space<hbm>>
      %dma_start3A_15 = tpu.memref_slice %arg5[%mul3A_14] : memref<327680xf32, #tpu.memory_space<hbm>> -> memref<10240xf32, #tpu.memory_space<hbm>>
      tpu.enqueue_dma source(%arg8 : memref<10240xf32, #tpu.memory_space<vmem>>) target(%dma_start3A_15 : memref<10240xf32, #tpu.memory_space<hbm>>) target_semaphore(%run_scoped3A : memref<!tpu.dma_semaphore, #tpu.memory_space<semaphore_mem>>)
      %dma_wait3A = tpu.memref_slice %arg5[%mul3A_14] : memref<327680xf32, #tpu.memory_space<hbm>> -> memref<10240xf32, #tpu.memory_space<hbm>>
      %dma_wait3A_16 = tpu.memref_slice %arg5[%mul3A_14] : memref<327680xf32, #tpu.memory_space<hbm>> -> memref<10240xf32, #tpu.memory_space<hbm>>
      tpu.wait_dma2 semaphore(%run_scoped3A : memref<!tpu.dma_semaphore, #tpu.memory_space<semaphore_mem>>) src(%arg8 : memref<10240xf32, #tpu.memory_space<vmem>>) dst(%dma_wait3A_16 : memref<10240xf32, #tpu.memory_space<hbm>>)
      tpu.yield
    }) : () -> ()
    "tpu.region"() ({
      %run_scoped3A = tpu.sem_alloc : memref<!tpu.dma_semaphore, #tpu.memory_space<semaphore_mem>>
      %dma_start3A = tpu.memref_slice %arg6[%mul3A_14] : memref<327680xf32, #tpu.memory_space<hbm>> -> memref<10240xf32, #tpu.memory_space<hbm>>
      %dma_start3A_15 = tpu.memref_slice %arg6[%mul3A_14] : memref<327680xf32, #tpu.memory_space<hbm>> -> memref<10240xf32, #tpu.memory_space<hbm>>
      tpu.enqueue_dma source(%arg9 : memref<10240xf32, #tpu.memory_space<vmem>>) target(%dma_start3A_15 : memref<10240xf32, #tpu.memory_space<hbm>>) target_semaphore(%run_scoped3A : memref<!tpu.dma_semaphore, #tpu.memory_space<semaphore_mem>>)
      %dma_wait3A = tpu.memref_slice %arg6[%mul3A_14] : memref<327680xf32, #tpu.memory_space<hbm>> -> memref<10240xf32, #tpu.memory_space<hbm>>
      %dma_wait3A_16 = tpu.memref_slice %arg6[%mul3A_14] : memref<327680xf32, #tpu.memory_space<hbm>> -> memref<10240xf32, #tpu.memory_space<hbm>>
      tpu.wait_dma2 semaphore(%run_scoped3A : memref<!tpu.dma_semaphore, #tpu.memory_space<semaphore_mem>>) src(%arg9 : memref<10240xf32, #tpu.memory_space<vmem>>) dst(%dma_wait3A_16 : memref<10240xf32, #tpu.memory_space<hbm>>)
      tpu.yield
    }) : () -> ()
    return
  }
}

module attributes {stable_mosaic.version = 14 : i64} {
  func.func @body(%arg0: memref<10240x32xf32, #tpu.memory_space<vmem>>, %arg1: memref<10240x32xf32, #tpu.memory_space<vmem>>, %arg2: memref<10240x128xf32, #tpu.memory_space<vmem>>, %arg3: memref<10240x128xf32, #tpu.memory_space<vmem>>, %arg4: memref<10240x1xf32, #tpu.memory_space<vmem>>, %arg5: memref<10240x1xf32, #tpu.memory_space<vmem>>) attributes {dimension_semantics = [], scalar_prefetch = 0 : i64, scratch_operands = 0 : i64, tpu.core_type = #tpu.core_type<tc>} {
    %get3A = arith.constant 0 : index
    %get3A_0 = arith.constant 0 : index
    %get3A_1 = vector.load %arg0[%get3A, %get3A_0] : memref<10240x32xf32, #tpu.memory_space<vmem>>, vector<10240x32xf32>
    %reduce_sum3A = arith.constant dense<0.000000e+00> : vector<10240xf32>
    %reduce_sum3A_2 = vector.multi_reduction <add>, %get3A_1, %reduce_sum3A [1] : vector<10240x32xf32> to vector<10240xf32>
    %broadcast_in_dim3A = vector.shape_cast %reduce_sum3A_2 : vector<10240xf32> to vector<10240x1xf32>
    %get3A_3 = arith.constant 0 : index
    %get3A_4 = arith.constant 0 : index
    %get3A_5 = vector.load %arg1[%get3A_3, %get3A_4] : memref<10240x32xf32, #tpu.memory_space<vmem>>, vector<10240x32xf32>
    %reduce_sum3A_6 = arith.constant dense<0.000000e+00> : vector<10240xf32>
    %reduce_sum3A_7 = vector.multi_reduction <add>, %get3A_5, %reduce_sum3A_6 [1] : vector<10240x32xf32> to vector<10240xf32>
    %broadcast_in_dim3A_8 = vector.shape_cast %reduce_sum3A_7 : vector<10240xf32> to vector<10240x1xf32>
    %max3A = arith.constant 1.000000e+00 : f32
    %max3A_9 = vector.broadcast %max3A : f32 to vector<10240x1xf32>
    %max3A_10 = arith.maximumf %broadcast_in_dim3A, %max3A_9 : vector<10240x1xf32>
    %rsqrt3A = math.rsqrt %max3A_10 : vector<10240x1xf32>
    %max3A_11 = arith.constant 1.000000e+00 : f32
    %max3A_12 = vector.broadcast %max3A_11 : f32 to vector<10240x1xf32>
    %max3A_13 = arith.maximumf %broadcast_in_dim3A_8, %max3A_12 : vector<10240x1xf32>
    %rsqrt3A_14 = math.rsqrt %max3A_13 : vector<10240x1xf32>
    %swap3A = arith.constant 0 : index
    %swap3A_15 = arith.constant 0 : index
    %swap3A_16 = vector.load %arg4[%swap3A, %swap3A_15] : memref<10240x1xf32, #tpu.memory_space<vmem>>, vector<10240x1xf32>
    tpu.vector_store %arg4[%swap3A, %swap3A_15], %rsqrt3A {strides = array<i32>} : memref<10240x1xf32, #tpu.memory_space<vmem>>, vector<10240x1xf32>,
    %swap3A_17 = arith.constant 0 : index
    %swap3A_18 = arith.constant 0 : index
    %swap3A_19 = vector.load %arg5[%swap3A_17, %swap3A_18] : memref<10240x1xf32, #tpu.memory_space<vmem>>, vector<10240x1xf32>
    tpu.vector_store %arg5[%swap3A_17, %swap3A_18], %rsqrt3A_14 {strides = array<i32>} : memref<10240x1xf32, #tpu.memory_space<vmem>>, vector<10240x1xf32>,
    %get3A_20 = arith.constant 0 : index
    %get3A_21 = arith.constant 0 : index
    %get3A_22 = vector.load %arg2[%get3A_20, %get3A_21] : memref<10240x128xf32, #tpu.memory_space<vmem>>, vector<10240x128xf32>
    %mul3A = vector.broadcast %rsqrt3A : vector<10240x1xf32> to vector<10240x128xf32>
    %mul3A_23 = arith.mulf %get3A_22, %mul3A : vector<10240x128xf32>
    %swap3A_24 = arith.constant 0 : index
    %swap3A_25 = arith.constant 0 : index
    %swap3A_26 = vector.load %arg3[%swap3A_24, %swap3A_25] : memref<10240x128xf32, #tpu.memory_space<vmem>>, vector<10240x128xf32>
    tpu.vector_store %arg3[%swap3A_24, %swap3A_25], %mul3A_23 {strides = array<i32>} : memref<10240x128xf32, #tpu.memory_space<vmem>>, vector<10240x128xf32>,
    return
  }
}

module attributes {stable_mosaic.version = 14 : i64} {
  func.func @body(%arg0: memref<10240x128xf32, #tpu.memory_space<vmem>>, %arg1: memref<10240x128xf32, #tpu.memory_space<vmem>>, %arg2: memref<10240x32xf32, #tpu.memory_space<vmem>>, %arg3: memref<10240x1xf32, #tpu.memory_space<vmem>>, %arg4: memref<10240x1xf32, #tpu.memory_space<vmem>>, %arg5: memref<128x128xf32, #tpu.memory_space<vmem>>, %arg6: memref<1x128xf32, #tpu.memory_space<vmem>>, %arg7: memref<128x128xf32, #tpu.memory_space<vmem>>, %arg8: memref<1x128xf32, #tpu.memory_space<vmem>>, %arg9: memref<128x64xf32, #tpu.memory_space<vmem>>, %arg10: memref<1x64xf32, #tpu.memory_space<vmem>>, %arg11: memref<1x64xf32, #tpu.memory_space<vmem>>) attributes {dimension_semantics = [], scalar_prefetch = 0 : i64, scratch_operands = 0 : i64, tpu.core_type = #tpu.core_type<tc>} {
    %get3A = arith.constant 0 : index
    %get3A_0 = arith.constant 0 : index
    %get3A_1 = vector.load %arg0[%get3A, %get3A_0] : memref<10240x128xf32, #tpu.memory_space<vmem>>, vector<10240x128xf32>
    %get3A_2 = arith.constant 0 : index
    %get3A_3 = arith.constant 0 : index
    %get3A_4 = vector.load %arg1[%get3A_2, %get3A_3] : memref<10240x128xf32, #tpu.memory_space<vmem>>, vector<10240x128xf32>
    %add3A = arith.addf %get3A_1, %get3A_4 : vector<10240x128xf32>
    %get3A_5 = arith.constant 0 : index
    %get3A_6 = arith.constant 0 : index
    %get3A_7 = vector.load %arg3[%get3A_5, %get3A_6] : memref<10240x1xf32, #tpu.memory_space<vmem>>, vector<10240x1xf32>
    %mul3A = vector.broadcast %get3A_7 : vector<10240x1xf32> to vector<10240x128xf32>
    %mul3A_8 = arith.mulf %add3A, %mul3A : vector<10240x128xf32>
    %get3A_9 = arith.constant 0 : index
    %get3A_10 = arith.constant 0 : index
    %get3A_11 = vector.load %arg5[%get3A_9, %get3A_10] : memref<128x128xf32, #tpu.memory_space<vmem>>, vector<128x128xf32>
    %dot_general3A = arith.constant dense<0.000000e+00> : vector<10240x128xf32>
    %dot_general3A_12 = tpu.matmul %mul3A_8, %get3A_11, %dot_general3A {dimension_numbers = #tpu.dot_dimension_numbers<[1], [0], [0], [1], [0, 0, 1, 1], [], []>, transpose_lhs_hint = false} : vector<10240x128xf32>, vector<128x128xf32>, vector<10240x128xf32> -> vector<10240x128xf32>
    %get3A_13 = arith.constant 0 : index
    %get3A_14 = arith.constant 0 : index
    %get3A_15 = vector.load %arg6[%get3A_13, %get3A_14] : memref<1x128xf32, #tpu.memory_space<vmem>>, vector<1x128xf32>
    %add3A_16 = vector.broadcast %get3A_15 : vector<1x128xf32> to vector<10240x128xf32>
    %add3A_17 = arith.addf %dot_general3A_12, %add3A_16 : vector<10240x128xf32>
    %max3A = arith.constant 0.000000e+00 : f32
    %max3A_18 = vector.broadcast %max3A : f32 to vector<10240x128xf32>
    %max3A_19 = arith.maximumf %add3A_17, %max3A_18 : vector<10240x128xf32>
    %get3A_20 = arith.constant 0 : index
    %get3A_21 = arith.constant 0 : index
    %get3A_22 = vector.load %arg2[%get3A_20, %get3A_21] : memref<10240x32xf32, #tpu.memory_space<vmem>>, vector<10240x32xf32>
    %reduce_sum3A = arith.constant dense<0.000000e+00> : vector<10240xf32>
    %reduce_sum3A_23 = vector.multi_reduction <add>, %get3A_22, %reduce_sum3A [1] : vector<10240x32xf32> to vector<10240xf32>
    %broadcast_in_dim3A = vector.shape_cast %reduce_sum3A_23 : vector<10240xf32> to vector<10240x1xf32>
    %get3A_24 = arith.constant 0 : index
    %get3A_25 = arith.constant 0 : index
    %get3A_26 = vector.load %arg4[%get3A_24, %get3A_25] : memref<10240x1xf32, #tpu.memory_space<vmem>>, vector<10240x1xf32>
    %mul3A_27 = arith.mulf %broadcast_in_dim3A, %get3A_26 : vector<10240x1xf32>
    %iota3A = tpu.iota {dimensions = array<i32: 0>} : vector<10240x1xi32>
    %lt3A = arith.constant 10000 : i32
    %lt3A_28 = vector.broadcast %lt3A : i32 to vector<10240x1xi32>
    %lt3A_29 = arith.cmpi slt, %iota3A, %lt3A_28 : vector<10240x1xi32>
    %jit3A = arith.constant 0.000000e+00 : f32
    %broadcast_in_dim3A_30 = vector.broadcast %jit3A : f32 to vector<10240x1xf32>
    %select_n3A = arith.select %lt3A_29, %mul3A_27, %broadcast_in_dim3A_30 : vector<10240x1xi1>, vector<10240x1xf32>
    %mul3A_31 = vector.broadcast %select_n3A : vector<10240x1xf32> to vector<10240x128xf32>
    %mul3A_32 = arith.mulf %max3A_19, %mul3A_31 : vector<10240x128xf32>
    %reduce_sum3A_33 = arith.constant dense<0.000000e+00> : vector<128xf32>
    %reduce_sum3A_34 = vector.multi_reduction <add>, %mul3A_32, %reduce_sum3A_33 [0] : vector<10240x128xf32> to vector<128xf32>
    %broadcast_in_dim3A_35 = vector.shape_cast %reduce_sum3A_34 : vector<128xf32> to vector<1x128xf32>
    %get3A_36 = arith.constant 0 : index
    %get3A_37 = arith.constant 0 : index
    %get3A_38 = vector.load %arg7[%get3A_36, %get3A_37] : memref<128x128xf32, #tpu.memory_space<vmem>>, vector<128x128xf32>
    %dot_general3A_39 = arith.constant dense<0.000000e+00> : vector<1x128xf32>
    %dot_general3A_40 = tpu.matmul %broadcast_in_dim3A_35, %get3A_38, %dot_general3A_39 {dimension_numbers = #tpu.dot_dimension_numbers<[1], [0], [0], [1], [0, 0, 1, 1], [], []>, transpose_lhs_hint = false} : vector<1x128xf32>, vector<128x128xf32>, vector<1x128xf32> -> vector<1x128xf32>
    %mul3A_41 = arith.constant 9.99999974E-5 : f32
    %mul3A_42 = vector.broadcast %mul3A_41 : f32 to vector<1x128xf32>
    %mul3A_43 = arith.mulf %dot_general3A_40, %mul3A_42 : vector<1x128xf32>
    %get3A_44 = arith.constant 0 : index
    %get3A_45 = arith.constant 0 : index
    %get3A_46 = vector.load %arg8[%get3A_44, %get3A_45] : memref<1x128xf32, #tpu.memory_space<vmem>>, vector<1x128xf32>
    %add3A_47 = arith.addf %mul3A_43, %get3A_46 : vector<1x128xf32>
    %get3A_48 = arith.constant 0 : index
    %get3A_49 = arith.constant 0 : index
    %get3A_50 = vector.load %arg9[%get3A_48, %get3A_49] : memref<128x64xf32, #tpu.memory_space<vmem>>, vector<128x64xf32>
    %dot_general3A_51 = arith.constant dense<0.000000e+00> : vector<1x64xf32>
    %dot_general3A_52 = tpu.matmul %add3A_47, %get3A_50, %dot_general3A_51 {dimension_numbers = #tpu.dot_dimension_numbers<[1], [0], [0], [1], [0, 0, 1, 1], [], []>, transpose_lhs_hint = false} : vector<1x128xf32>, vector<128x64xf32>, vector<1x64xf32> -> vector<1x64xf32>
    %get3A_53 = arith.constant 0 : index
    %get3A_54 = arith.constant 0 : index
    %get3A_55 = vector.load %arg10[%get3A_53, %get3A_54] : memref<1x64xf32, #tpu.memory_space<vmem>>, vector<1x64xf32>
    %add3A_56 = arith.addf %dot_general3A_52, %get3A_55 : vector<1x64xf32>
    %swap3A = arith.constant 0 : index
    %swap3A_57 = arith.constant 0 : index
    %swap3A_58 = vector.load %arg11[%swap3A, %swap3A_57] : memref<1x64xf32, #tpu.memory_space<vmem>>, vector<1x64xf32>
    tpu.vector_store %arg11[%swap3A, %swap3A_57], %add3A_56 {strides = array<i32>} : memref<1x64xf32, #tpu.memory_space<vmem>>, vector<1x64xf32>,
    return
  }
}

</mosaic_0001>

<sc_bundles>
// kernel: kernel.6.cloned.1.call-start
scs
__scs_entry_jumppad:
0x0: {  	(pc) =	sbr.rel $0x88, $3  }
0x1: {  	(tag) =	ssettag $0x0;
	lr =	simm.s32 $0x1  }
0x2: {  	[smem:$0x3F99] =	sst lr;
	_ =	strace $0xD0000000  }
0x3: {  	_ = 	snop  }
0x4: {  	_ = 	snop  }
0x5: {  	_ = 	snop  }
0x6: {  	_ = 	snop  }
0x7: {  	_ = 	snop  }
__scs_overlays_trampoline_lowered:
0x8: {  	[smem:$0x3FA8] =	sst s0  }
0x9: {  	[smem:$0x3FA9] =	sst s1  }
0xa: {  	[smem:$0x3FAA] =	sst s2  }
0xb: {  	[smem:$0x3FAB] =	sst s3  }
0xc: {  	[smem:$0x3FAC] =	sst s4  }
0xd: {  	[smem:$0x3FAD] =	sst s5  }
0xe: {  	[smem:$0x3FAE] =	sst s6  }
0xf: {  	[smem:$0x3FAF] =	sst s7  }
0x10: {  	[smem:$0x3FB0] =	sst s8  }
0x11: {  	[smem:$0x3FB1] =	sst s9;
	s0 =	simm.s32 @!p0 $0x0  }
0x12: {  	s1 =	sld [smem:$0x3F97];
	s0 =	simm.s32 @p0 $0x1  }
0x13: {  	[smem:$0x3FB2] =	sst s0;
	s0 =	simm.s32 @!p1 $0x0  }
0x14: {  	s2 =	sld [smem:$0x3F96];
	s0 =	simm.s32 @p1 $0x1  }
0x15: {  	[smem:$0x3FB3] =	sst s0;
	s0 =	simm.s32 @!p2 $0x0  }
0x16: {  	s3 =	sld [smem:$0x3FDB];
	s0 =	simm.s32 @p2 $0x1  }
0x17: {  	s4 =	simm.s32 $0x1BF5;
	[smem:$0x3FB5] =	sst s0  }
0x18: {  	s0 =	sld [smem:$0x3F98];
	_ =	swait.ge [sflag:s4], $0x0  }
0x19: {  	s7 =	sld [smem:$0x3F99]  }
0x1a: {  	s8 =	sadd.s32 $0xFFFFE003, lr  }
0x1b: {  	s9 =	sadd.s32 $0xFFFFFEF7, lr;
	s5 =	simm.s32 $0xFFFFFFFF;
	p2 =	slt.u32 s8, $0xFFFFF086  }
0x1c: {  	p1 =	slt.u32 s9, $0xF7A;
	s5 =	simm.s32 @!p2 $0x0  }
0x1d: {  	s5 =	simm.s32 @p1 $0x1;
	p0 =	seq.s32 s7, s2  }
0x1e: {  	s7 =	smul.u32 @!p0 $0xF7A, s2;
	p2 =	seq.s32 @!p0 s5, $0x0  }
0x1f: {  	s9 =	smul.u32 $0xF7A, s1;
	s8 =	simm.s32 @!p0 $0x1BF5;
	p2 =	por !p2, p0  }
0x20: {  	[sflag:s8] =	ssyncset.s32 @!p0 $0xFFFFF086;
	s6 =	sadd.s32 @!p0 s3, s7;
	s7 =	simm.s32 @!p0 $0x108  }
0x21: {  	s3 =	sadd.s32 s3, s9;
	s6 =	sadd.s32 @!p0 $0x88, s6;
	s7 =	simm.s32 @p2 $0x1082  }
0x22: {  	[simem:s7], [sflag:s8] =	dma.local @!p0 [hbm:s6], $0xF7A  }
0x23: {  	s9 =	sor.u32 $0xD0000000, s2;
	s6 =	simm.s32 $0x108;
	_ =	swait.ge @!p0 [sflag:s8], $0x0  }
0x24: {  	s3 =	sadd.s32 $0x88, s3;
	s6 =	simm.s32 @!p1 $0x1082;
	[sflag:s4] =	ssyncset.s32 $0xFFFFF086  }
0x25: {  	[simem:s6], [sflag:s4] =	dma.local [hbm:s3], $0xF7A  }
0x26: {  	[smem:$0x3F99] =	sst s1;
	(tag) =	ssettag s2;
	_ =	strace s9  }
0x27: {  	s1 =	sld [smem:$0x3FA9]  }
0x28: {  	s2 =	sld [smem:$0x3FAA]  }
0x29: {  	s4 =	sld [smem:$0x3FAC]  }
0x2a: {  	p0 =	seq.s32 s5, $0x0;
	s5 =	sld [smem:$0x3FAD]  }
0x2b: {  	s6 =	sld [smem:$0x3FAE]  }
0x2c: {  	s7 =	sld [smem:$0x3FAF]  }
0x2d: {  	s3 =	simm.s32 $0x108;
	s8 =	sld [smem:$0x3FB0]  }
0x2e: {  	s3 =	simm.s32 @!p0 $0x1082;
	s9 =	sld [smem:$0x3FB1]  }
0x2f: {  	lr =	sadd.s32 s0, s3;
	s0 =	sld [smem:$0x3FA8]  }
0x30: {  	s3 =	sld [smem:$0x3FAB]  }
0x31: {  	[smem:$0x3FB4] =	sst s10  }
0x32: {  	s10 =	sld [smem:$0x3FB2];
	_ =	sdelay $0x3  }
0x33: {  	p0 =	seq.s32 s10, $0x1;
	s10 =	sld [smem:$0x3FB4];
	_ =	sdelay $0x3  }
0x34: {  	[smem:$0x3FB4] =	sst s10  }
0x35: {  	s10 =	sld [smem:$0x3FB3];
	_ =	sdelay $0x3  }
0x36: {  	p1 =	seq.s32 s10, $0x1;
	s10 =	sld [smem:$0x3FB4];
	_ =	sdelay $0x3  }
0x37: {  	[smem:$0x3FB4] =	sst s10  }
0x38: {  	s10 =	sld [smem:$0x3FB5]  }
0x39: {  	_ = 	snop;
	(pc) =	sbr.ind lr, $3  }
0x3a: {  	_ = 	snop  }
0x3b: {  	_ = 	snop  }
0x3c: {  	p2 =	seq.s32 s10, $0x1;
	s10 =	sld [smem:$0x3FB4]  }
0x3d: {  	_ =	shalt  }
0x3e: {  	_ =	shalt  }
0x3f: {  	_ =	shalt  }
0x40: {  	_ =	shalt  }
0x41: {  	_ =	shalt  }
0x42: {  	_ =	shalt  }
0x43: {  	_ =	shalt  }
0x44: {  	_ =	shalt  }
0x45: {  	_ =	shalt  }
0x46: {  	_ =	shalt  }
0x47: {  	_ =	shalt  }
0x48: {  	_ =	shalt  }
0x49: {  	_ =	shalt  }
0x4a: {  	_ =	shalt  }
0x4b: {  	_ =	shalt  }
0x4c: {  	_ =	shalt  }
0x4d: {  	_ =	shalt  }
0x4e: {  	_ =	shalt  }
0x4f: {  	_ =	shalt  }
0x50: {  	_ =	shalt  }
0x51: {  	_ =	shalt  }
0x52: {  	_ =	shalt  }
0x53: {  	_ =	shalt  }
0x54: {  	_ =	shalt  }
0x55: {  	_ =	shalt  }
0x56: {  	_ =	shalt  }
0x57: {  	_ =	shalt  }
0x58: {  	_ =	shalt  }
0x59: {  	_ =	shalt  }
0x5a: {  	_ =	shalt  }
0x5b: {  	_ =	shalt  }
0x5c: {  	_ =	shalt  }
0x5d: {  	_ =	shalt  }
0x5e: {  	_ =	shalt  }
0x5f: {  	_ =	shalt  }
0x60: {  	_ =	shalt  }
0x61: {  	_ =	shalt  }
0x62: {  	_ =	shalt  }
0x63: {  	_ =	shalt  }
0x64: {  	_ =	shalt  }
0x65: {  	_ =	shalt  }
0x66: {  	_ =	shalt  }
0x67: {  	_ =	shalt  }
0x68: {  	_ =	shalt  }
0x69: {  	_ =	shalt  }
0x6a: {  	_ =	shalt  }
0x6b: {  	_ =	shalt  }
0x6c: {  	_ =	shalt  }
0x6d: {  	_ =	shalt  }
0x6e: {  	_ =	shalt  }
0x6f: {  	_ =	shalt  }
0x70: {  	_ =	shalt  }
0x71: {  	_ =	shalt  }
0x72: {  	_ =	shalt  }
0x73: {  	_ =	shalt  }
0x74: {  	_ =	shalt  }
0x75: {  	_ =	shalt  }
0x76: {  	_ =	shalt  }
0x77: {  	_ =	shalt  }
0x78: {  	_ =	shalt  }
0x79: {  	_ =	shalt  }
0x7a: {  	_ =	shalt  }
0x7b: {  	_ =	shalt  }
0x7c: {  	_ =	shalt  }
0x7d: {  	_ =	shalt  }
0x7e: {  	_ =	shalt  }
0x7f: {  	_ =	shalt  }
0x80: {  	_ =	shalt  }
0x81: {  	_ =	shalt  }
0x82: {  	_ =	shalt  }
0x83: {  	_ =	shalt  }
0x84: {  	_ =	shalt  }
0x85: {  	_ =	shalt  }
0x86: {  	_ =	shalt  }
0x87: {  	_ =	shalt  }
.Lfunc_end0:
.L_simem_size_0:
called_computation_lowered:
.L_overlay_start_0:
0x88: {  	s2 =	sld [smem:$0x3FD9]  }
0x89: {  	s3 =	sld [smem:$0x3FFE];
	_ =	sdelay $0x1  }
0x8a: {  	s1 =	srdreg.scid  }
0x8b: {  	s0 =	sand.u32 $0x1, s1  }
0x8c: {  	s17 =	sshll.u32 s0, $0xA;
	s2 =	sadd.s32 s3, s2  }
0x8d: {  	s2 =	sadd.s32 s2, s17  }
0x8e: {  	[smem:$0x3FC0] =	sst s2  }
0x8f: {  	_ = 	snop  }
0x90: {  	s2 =	sld [smem:$0x3FD0];
	(tm) =	ssettm $0x1  }
0x91: {  	s18 =	sld [smem:$0x3FFB];
	_ =	sdelay $0x3  }
0x92: {  	_ =	strace s18  }
0x93: {  	s3 =	sld [smem:$0x3FFC];
	_ =	sdelay $0x3  }
0x94: {  	_ =	strace s3  }
0x95: {  	s3 =	sld [smem:$0x3FFD];
	_ =	sdelay $0x3  }
0x96: {  	_ =	strace s3  }
0x97: {  	_ =	strace $0x8FFFFFFF  }
0x98: {  	s19 =	sld [smem:$0x3FDB];
	_ =	sdelay $0x1  }
0x99: {  	s4 =	simm.s32 $_scs_section_size  }
0x9a: {  	s5 =	simm.s32 $_size__tile_overlayer_lowered;
	s6 =	simm.s32 $_tile_overlayer_lowered  }
0x9b: {  	s22 =	simm.s32 $0x1BFF;
	s21 =	sshll.u32 s6, $0x1;
	s3 =	sadd.s32 s4, s19  }
0x9c: {  	s7 =	simm.s32 $0x0;
	s20 =	sshll.u32 s5, $0x1;
	s5 =	sadd.s32 s21, s3  }
0x9d: {  	[timem:s7], [sflag:s22] =	dma.local [hbm:s5], s20  }
0x9e: {  	_ =	swait.ge [sflag:s22], s20  }
0x9f: {  	s4 =	ssub.s32 $0x0, s20;
	[sflag:s22] =	ssyncset.done $0x0  }
0xa0: {  	[sflag:s22] =	ssyncadd.s32 s4;
	_ =	sdelay $0x1  }
0xa1: {  	s23 =	simm.s32 $0x1B8B  }
0xa2: {  	_ =	swait.ge [sflag:s23], $0x1  }
0xa3: {  	[sflag:s23] =	ssyncset.done $0x0  }
0xa4: {  	s25 =	simm.s32 $0x1B8E;
	s24 =	sld [smem:$0x3FFE];
	[sflag:s23] =	ssyncadd.s32 $0xFFFFFFFF  }
0xa5: {  	s26 =	simm.s32 $execute0_lowered;
	[smem:$0x3FD2] =	sst s25  }
0xa6: {  	s5 =	sshll.u32 s26, $0x1;
	_ =	strace $0x80000046;
	[dreg:$0x1] =	wrdreg $0xFFFFFFFF  }
0xa7: {  	s28 =	simm.s32 $_size_execute0_lowered;
	s3 =	sadd.s32 s3, s5;
	[dreg:$0x0] =	wrdreg $0x0  }
0xa8: {  	s5 =	sshll.u32 s28, $0x1;
	[dreg:$0x2] =	wrdreg s3  }
0xa9: {  	[dreg:$0x3] =	wrdreg s5  }
0xaa: {  	[dreg:$0x4] =	wrdreg $0xC0  }
0xab: {  	_ =	task [dreg:s7], $0x5FFFF  }
0xac: {  	[dreg:$0x1] =	wrdreg $0xFFFFFFFF  }
0xad: {  	[dreg:$0x0] =	wrdreg $0x60  }
0xae: {  	[dreg:$0x2] =	wrdreg s24  }
0xaf: {  	[dreg:$0x3] =	wrdreg s2  }
0xb0: {  	[dreg:$0x4] =	wrdreg $0x9  }
0xb1: {  	_ =	task.clear_ibuf [dreg:s7], $0x5FFFF;
	_ =	strace $0x90000046  }
0xb2: {  	s29 =	simm.s32 $0x9;
	_ =	strace $0x80000048  }
0xb3: {  	_ =	swait.ge [sflag:s29], $0x1  }
0xb4: {  	[sflag:s29] =	ssyncadd.s32 $0xFFFFFFFF  }
0xb5: {  	_ =	strace $0x90000048  }
0xb6: {  	_ =	sfence  }
0xb7: {  	s30 =	sld [smem:$0x0];
	_ =	sdelay $0x2  }
0xb8: {  	s31 =	sshll.u32 s1, $0xD;
	s1 =	sshrl.u32 s1, $0x2  }
0xb9: {  	s3 =	sand.u32 $0x4000, s31;
	s1 =	sadd.s32 s1, s30  }
0xba: {  	s0 =	sor.u32 s3, s0;
	s1 =	sshll.u32 s1, $0x11  }
0xbb: {  	s0 =	sor.u32 s1, s0  }
0xbc: {  	s0 =	sadd.s32 $0x8F2B, s0  }
0xbd: {  	[sflag:s0] =	ssyncadd.remote.s32 $0x1  }
0xbe: {  	_ =	sfence.sel $0xFFFF  }
0xbf: {  	[dreg:$0x0] =	wrdreg $0xFFFFFFFF;
	(pc) =	sbr.abs _section_cstart, $3  }
0xc0: {  	[dreg:$0x1] =	wrdreg $0xFFFFFFFF  }
0xc1: {  	_ =	task.clear_ibuf [dreg:s7], $0x2FFFF;
	_ =	strace $0x9FFFFFFF  }
0xc2: {  	(tm) =	ssettm $0x7FFFFFFF  }
0xc3: {  	_ =	shalt  }
tec
execute0_lowered:
.L_overlay_start_1:
0x0: {  	(tag) =	ssettag $0x1  }
0x1: {  	s5 =	rddreg [dreg:$0x0]  }
0x2: {  	s0 =	srdreg.scid;
	s2 =	rddreg [dreg:$0x1];
	s3 =	simm.s32 $0x0  }
0x3: {  	s11 =	simm.s32 $0x1;
	s12 =	simm.s32 $0x13400;
	s13 =	simm.s32 $0x15C00  }
0x4: {  	s14 =	simm.s32 $0x0;
	s6 =	sand.u32 $0x1, s0;
	s0 =	stileid.u32  }
0x5: {  	[smem:$0x7FF] =	sst s3;
	s1 =	sshll.u32 s6, $0x4;
	s9 =	ssub.s32 $0x2, s6  }
0x6: {  	p0 =	seq.s32 s6, $0x0;
	s6 =	simm.s32 $0x30;
	s4 =	sor.u32 s0, s1  }
0x7: {  	s1 =	rddreg [dreg:$0x2];
	_ =	strace $0x80000047;
	s7 =	smul.u32 $0x2180, s4  }
0x8: {  	s10 =	sshrl.u32 s9, $0x1;
	s6 =	simm.s32 @!p0 $0x10C;
	s8 =	smul.u32 $0x500, s4  }
0x9: {  	s4 =	sadd.s32 $0x44A00, s5;
	s9 =	ssub.s32 s9, s10;
	s10 =	simm.s32 $0x10C00  }
0xa: {  	s9 =	smax.u32 s9, $0x1;
	s7 =	sadd.s32 s7, s5;
	s8 =	sadd.s32 s8, s5  }
0xb: {  	s5 =	sadd.s32 $0x1A00, s7;
	s7 =	sadd.s32 $0x45000, s8;
	s8 =	sadd.s32 $0x4F000, s8  }
.LBB2_1:
0xc: {  	[tilespmem:s10], [sflag:$0x1] =	stream.linear.gather [hbm4b:s4+s3], $0x2800, $0x38;
	[tilespmem:$0x15C80] =	vst v63  }
0xd: {  	_ =	swait.ge [sflag:s11], $0x2800  }
0xe: {  	[sflag:s11] =	ssyncset.done $0x0  }
0xf: {  	[sflag:s11] =	ssyncadd.s32 $0xFFFFD800  }
0x10: {  	[tilespmem:s12], [sflag:$0x1] =	stream.linear.gather [hbm4b:s4+s3], $0x2800, $0x38;
	[tilespmem:$0x15C80] =	vst v63  }
0x11: {  	_ =	swait.ge [sflag:s11], $0x2800  }
0x12: {  	[sflag:s11] =	ssyncset.done $0x0  }
0x13: {  	[sflag:s11] =	ssyncadd.s32 $0xFFFFD800  }
0x14: {  	[tilespmem:s3], [sflag:$0x1] =	stream.linear.gather [hbm4b:s5+s3], $0x10C00, $0x38;
	[tilespmem:$0x15C80] =	vst v63  }
0x15: {  	_ =	swait.ge [sflag:s11], $0x10C00  }
0x16: {  	[sflag:s11] =	ssyncset.done $0x0  }
0x17: {  	[sflag:s11] =	ssyncadd.s32 $0xFFFEF400  }
0x18: {  	[tilespmem:s13], [sflag:$0x1] =	stream.linear.gather [hbm4b:s2+s3], $0x80, $0x38;
	[tilespmem:$0x15C80] =	vst v63  }
0x19: {  	_ =	swait.ge [sflag:s11], $0x80  }
0x1a: {  	[sflag:s11] =	ssyncset.done $0x0  }
0x1b: {  	[sflag:s11] =	ssyncadd.s32 $0xFFFFFF80  }
0x1c: {  	s15 =	simm.s32 $0x80;
	s16 =	smov.u32 s6;
	v0 =	vld [tilespmem:$0x15C00]  }
.LBB2_2:
0x1d: {  	v1 =	vld [tilespmem:s15+$0xFFFFFF80]  }
0x1e: {  	v2 =	vld [tilespmem:s15+$0x0];
	_ =	sdelay $0x6  }
0x1f: {  	[tilespmem:v1+s10+$0x0] =	vst.idx.add.f32.msk $0xffff, v0  }
0x20: {  	[tilespmem:v2+s12+$0x0] =	vst.idx.add.f32.msk $0xffff, v0  }
0x21: {  	v1 =	vld [tilespmem:s15+$0xFFFFFF90]  }
0x22: {  	v2 =	vld [tilespmem:s15+$0x10];
	_ =	sdelay $0x6  }
0x23: {  	[tilespmem:v1+s10+$0x0] =	vst.idx.add.f32.msk $0xffff, v0  }
0x24: {  	[tilespmem:v2+s12+$0x0] =	vst.idx.add.f32.msk $0xffff, v0  }
0x25: {  	v1 =	vld [tilespmem:s15+$0xFFFFFFA0]  }
0x26: {  	v2 =	vld [tilespmem:s15+$0x20];
	_ =	sdelay $0x6  }
0x27: {  	[tilespmem:v1+s10+$0x0] =	vst.idx.add.f32.msk $0xffff, v0  }
0x28: {  	[tilespmem:v2+s12+$0x0] =	vst.idx.add.f32.msk $0xffff, v0  }
0x29: {  	v1 =	vld [tilespmem:s15+$0xFFFFFFB0]  }
0x2a: {  	v2 =	vld [tilespmem:s15+$0x30];
	_ =	sdelay $0x2  }
0x2b: {  	p0 =	sne.s32 s16, $0x1  }
.Ltmp0:
0x2c: {  	_ = 	snop;
	(pc) =	sbr.rel @p0 .LBB2_2-.Ltmp0, $3  }
0x2d: {  	_ =	sdelay $0x1  }
0x2e: {  	[tilespmem:v1+s10+$0x0] =	vst.idx.add.f32.msk $0xffff, v0  }
0x2f: {  	s16 =	sadd.s32 $0xFFFFFFFF, s16;
	s15 =	sadd.s32 $0x100, s15;
	[tilespmem:v2+s12+$0x0] =	vst.idx.add.f32.msk $0xffff, v0  }
0x30: {  	[hbm4b:s7+s3] =	stream.linear.scatter [tilespmem:s10], [sflag:$0x1], $0x2800, $0x38;
	[tilespmem:$0x15C80] =	vst v63  }
0x31: {  	s14 =	sadd.s32 $0x1, s14;
	_ =	swait.ge [sflag:s11], $0x2800  }
0x32: {  	p0 =	sne.s32 s14, s9;
	[sflag:s11] =	ssyncset.done $0x0  }
.Ltmp1:
0x33: {  	[sflag:s11] =	ssyncadd.s32 $0xFFFFD800;
	(pc) =	sbr.rel @p0 .LBB2_1-.Ltmp1, $4  }
0x34: {  	[hbm4b:s8+s3] =	stream.linear.scatter [tilespmem:s12], [sflag:$0x1], $0x2800, $0x38;
	[tilespmem:$0x15C80] =	vst v63  }
0x35: {  	_ =	swait.ge [sflag:s11], $0x2800  }
0x36: {  	[sflag:s11] =	ssyncset.done $0x0  }
0x37: {  	[sflag:s11] =	ssyncadd.s32 $0xFFFFD800  }
0x38: {  	_ =	sfence.sel $0x180000  }
0x39: {  	[bflag:$0x0] =	sbarrier.arrive $0xFFFF  }
0x3a: {  	p0 =	sne.s32 s0, $0x0;
	_ =	strace $0x90000047  }
0x3b: {  	s0 =	sadd.s32 @!p0 $0x100000, s1;
	[bflag:$0x2] =	sbarrier.arrive $0xFFFF  }
0x3c: {  	[sflag:s0] =	ssyncadd.tile.s32 @!p0 $0x1;
	_ =	shalt  }
.Lfunc_end2:
_tile_overlayer_lowered:
.L_overlay_start_2:
0x3d: {  	(tag) =	ssettag $0x2  }
0x3e: {  	s0 =	rddreg [dreg:$0x0];
	s2 =	stileid.u32  }
0x3f: {  	s1 =	rddreg [dreg:$0x1];
	p0 =	sne.s32 s2, $0x0  }
0x40: {  	s3 =	rddreg [dreg:$0x2];
	[bflag:$0x3] =	sbarrier.arrive $0xFFFF;
	s2 =	simm.s32 @!p0 $0x1C01  }
0x41: {  	[timem:s3], [sflag:s2] =	dma.local @!p0 [hbm:s0], s1  }
0x42: {  	s0 =	simm.s32 @!p0 $0x1  }
0x43: {  	_ =	swait.ge @!p0 [sflag:s0], s1  }
0x44: {  	s1 =	ssub.s32 @!p0 $0x0, s1;
	[sflag:s0] =	ssyncset.done @!p0 $0x0  }
0x45: {  	[sflag:s0] =	ssyncadd.s32 @!p0 s1  }
0x46: {  	[bflag:$0x3] =	sbarrier.arrive $0xFFFF  }
0x47: {  	_ =	shalt  }

// kernel: kernel.9.cloned.1.call-start
scs
__scs_entry_jumppad:
0x0: {  	(pc) =	sbr.rel $0x88, $3  }
0x1: {  	(tag) =	ssettag $0x0;
	lr =	simm.s32 $0x1  }
0x2: {  	[smem:$0x3F99] =	sst lr;
	_ =	strace $0xD0000000  }
0x3: {  	_ = 	snop  }
0x4: {  	_ = 	snop  }
0x5: {  	_ = 	snop  }
0x6: {  	_ = 	snop  }
0x7: {  	_ = 	snop  }
__scs_overlays_trampoline_lowered:
0x8: {  	[smem:$0x3FA8] =	sst s0  }
0x9: {  	[smem:$0x3FA9] =	sst s1  }
0xa: {  	[smem:$0x3FAA] =	sst s2  }
0xb: {  	[smem:$0x3FAB] =	sst s3  }
0xc: {  	[smem:$0x3FAC] =	sst s4  }
0xd: {  	[smem:$0x3FAD] =	sst s5  }
0xe: {  	[smem:$0x3FAE] =	sst s6  }
0xf: {  	[smem:$0x3FAF] =	sst s7  }
0x10: {  	[smem:$0x3FB0] =	sst s8  }
0x11: {  	[smem:$0x3FB1] =	sst s9;
	s0 =	simm.s32 @!p0 $0x0  }
0x12: {  	s1 =	sld [smem:$0x3F97];
	s0 =	simm.s32 @p0 $0x1  }
0x13: {  	[smem:$0x3FB2] =	sst s0;
	s0 =	simm.s32 @!p1 $0x0  }
0x14: {  	s2 =	sld [smem:$0x3F96];
	s0 =	simm.s32 @p1 $0x1  }
0x15: {  	[smem:$0x3FB3] =	sst s0;
	s0 =	simm.s32 @!p2 $0x0  }
0x16: {  	s3 =	sld [smem:$0x3FDB];
	s0 =	simm.s32 @p2 $0x1  }
0x17: {  	s4 =	simm.s32 $0x1BF5;
	[smem:$0x3FB5] =	sst s0  }
0x18: {  	s0 =	sld [smem:$0x3F98];
	_ =	swait.ge [sflag:s4], $0x0  }
0x19: {  	s7 =	sld [smem:$0x3F99]  }
0x1a: {  	s8 =	sadd.s32 $0xFFFFE003, lr  }
0x1b: {  	s9 =	sadd.s32 $0xFFFFFEF7, lr;
	s5 =	simm.s32 $0xFFFFFFFF;
	p2 =	slt.u32 s8, $0xFFFFF086  }
0x1c: {  	p1 =	slt.u32 s9, $0xF7A;
	s5 =	simm.s32 @!p2 $0x0  }
0x1d: {  	s5 =	simm.s32 @p1 $0x1;
	p0 =	seq.s32 s7, s2  }
0x1e: {  	s7 =	smul.u32 @!p0 $0xF7A, s2;
	p2 =	seq.s32 @!p0 s5, $0x0  }
0x1f: {  	s9 =	smul.u32 $0xF7A, s1;
	s8 =	simm.s32 @!p0 $0x1BF5;
	p2 =	por !p2, p0  }
0x20: {  	[sflag:s8] =	ssyncset.s32 @!p0 $0xFFFFF086;
	s6 =	sadd.s32 @!p0 s3, s7;
	s7 =	simm.s32 @!p0 $0x108  }
0x21: {  	s3 =	sadd.s32 s3, s9;
	s6 =	sadd.s32 @!p0 $0x88, s6;
	s7 =	simm.s32 @p2 $0x1082  }
0x22: {  	[simem:s7], [sflag:s8] =	dma.local @!p0 [hbm:s6], $0xF7A  }
0x23: {  	s9 =	sor.u32 $0xD0000000, s2;
	s6 =	simm.s32 $0x108;
	_ =	swait.ge @!p0 [sflag:s8], $0x0  }
0x24: {  	s3 =	sadd.s32 $0x88, s3;
	s6 =	simm.s32 @!p1 $0x1082;
	[sflag:s4] =	ssyncset.s32 $0xFFFFF086  }
0x25: {  	[simem:s6], [sflag:s4] =	dma.local [hbm:s3], $0xF7A  }
0x26: {  	[smem:$0x3F99] =	sst s1;
	(tag) =	ssettag s2;
	_ =	strace s9  }
0x27: {  	s1 =	sld [smem:$0x3FA9]  }
0x28: {  	s2 =	sld [smem:$0x3FAA]  }
0x29: {  	s4 =	sld [smem:$0x3FAC]  }
0x2a: {  	p0 =	seq.s32 s5, $0x0;
	s5 =	sld [smem:$0x3FAD]  }
0x2b: {  	s6 =	sld [smem:$0x3FAE]  }
0x2c: {  	s7 =	sld [smem:$0x3FAF]  }
0x2d: {  	s3 =	simm.s32 $0x108;
	s8 =	sld [smem:$0x3FB0]  }
0x2e: {  	s3 =	simm.s32 @!p0 $0x1082;
	s9 =	sld [smem:$0x3FB1]  }
0x2f: {  	lr =	sadd.s32 s0, s3;
	s0 =	sld [smem:$0x3FA8]  }
0x30: {  	s3 =	sld [smem:$0x3FAB]  }
0x31: {  	[smem:$0x3FB4] =	sst s10  }
0x32: {  	s10 =	sld [smem:$0x3FB2];
	_ =	sdelay $0x3  }
0x33: {  	p0 =	seq.s32 s10, $0x1;
	s10 =	sld [smem:$0x3FB4];
	_ =	sdelay $0x3  }
0x34: {  	[smem:$0x3FB4] =	sst s10  }
0x35: {  	s10 =	sld [smem:$0x3FB3];
	_ =	sdelay $0x3  }
0x36: {  	p1 =	seq.s32 s10, $0x1;
	s10 =	sld [smem:$0x3FB4];
	_ =	sdelay $0x3  }
0x37: {  	[smem:$0x3FB4] =	sst s10  }
0x38: {  	s10 =	sld [smem:$0x3FB5]  }
0x39: {  	_ = 	snop;
	(pc) =	sbr.ind lr, $3  }
0x3a: {  	_ = 	snop  }
0x3b: {  	_ = 	snop  }
0x3c: {  	p2 =	seq.s32 s10, $0x1;
	s10 =	sld [smem:$0x3FB4]  }
0x3d: {  	_ =	shalt  }
0x3e: {  	_ =	shalt  }
0x3f: {  	_ =	shalt  }
0x40: {  	_ =	shalt  }
0x41: {  	_ =	shalt  }
0x42: {  	_ =	shalt  }
0x43: {  	_ =	shalt  }
0x44: {  	_ =	shalt  }
0x45: {  	_ =	shalt  }
0x46: {  	_ =	shalt  }
0x47: {  	_ =	shalt  }
0x48: {  	_ =	shalt  }
0x49: {  	_ =	shalt  }
0x4a: {  	_ =	shalt  }
0x4b: {  	_ =	shalt  }
0x4c: {  	_ =	shalt  }
0x4d: {  	_ =	shalt  }
0x4e: {  	_ =	shalt  }
0x4f: {  	_ =	shalt  }
0x50: {  	_ =	shalt  }
0x51: {  	_ =	shalt  }
0x52: {  	_ =	shalt  }
0x53: {  	_ =	shalt  }
0x54: {  	_ =	shalt  }
0x55: {  	_ =	shalt  }
0x56: {  	_ =	shalt  }
0x57: {  	_ =	shalt  }
0x58: {  	_ =	shalt  }
0x59: {  	_ =	shalt  }
0x5a: {  	_ =	shalt  }
0x5b: {  	_ =	shalt  }
0x5c: {  	_ =	shalt  }
0x5d: {  	_ =	shalt  }
0x5e: {  	_ =	shalt  }
0x5f: {  	_ =	shalt  }
0x60: {  	_ =	shalt  }
0x61: {  	_ =	shalt  }
0x62: {  	_ =	shalt  }
0x63: {  	_ =	shalt  }
0x64: {  	_ =	shalt  }
0x65: {  	_ =	shalt  }
0x66: {  	_ =	shalt  }
0x67: {  	_ =	shalt  }
0x68: {  	_ =	shalt  }
0x69: {  	_ =	shalt  }
0x6a: {  	_ =	shalt  }
0x6b: {  	_ =	shalt  }
0x6c: {  	_ =	shalt  }
0x6d: {  	_ =	shalt  }
0x6e: {  	_ =	shalt  }
0x6f: {  	_ =	shalt  }
0x70: {  	_ =	shalt  }
0x71: {  	_ =	shalt  }
0x72: {  	_ =	shalt  }
0x73: {  	_ =	shalt  }
0x74: {  	_ =	shalt  }
0x75: {  	_ =	shalt  }
0x76: {  	_ =	shalt  }
0x77: {  	_ =	shalt  }
0x78: {  	_ =	shalt  }
0x79: {  	_ =	shalt  }
0x7a: {  	_ =	shalt  }
0x7b: {  	_ =	shalt  }
0x7c: {  	_ =	shalt  }
0x7d: {  	_ =	shalt  }
0x7e: {  	_ =	shalt  }
0x7f: {  	_ =	shalt  }
0x80: {  	_ =	shalt  }
0x81: {  	_ =	shalt  }
0x82: {  	_ =	shalt  }
0x83: {  	_ =	shalt  }
0x84: {  	_ =	shalt  }
0x85: {  	_ =	shalt  }
0x86: {  	_ =	shalt  }
0x87: {  	_ =	shalt  }
.Lfunc_end0:
.L_simem_size_0:
called_computation.1_lowered:
.L_overlay_start_0:
0x88: {  	s2 =	sld [smem:$0x3FD9]  }
0x89: {  	s3 =	sld [smem:$0x3FFE];
	_ =	sdelay $0x1  }
0x8a: {  	s1 =	srdreg.scid  }
0x8b: {  	s0 =	sand.u32 $0x1, s1  }
0x8c: {  	s16 =	sshll.u32 s0, $0xA;
	s2 =	sadd.s32 s3, s2  }
0x8d: {  	s2 =	sadd.s32 s2, s16  }
0x8e: {  	[smem:$0x3FC0] =	sst s2  }
0x8f: {  	_ = 	snop  }
0x90: {  	(tm) =	ssettm $0x1  }
0x91: {  	s17 =	sld [smem:$0x3FFB];
	_ =	sdelay $0x3  }
0x92: {  	_ =	strace s17  }
0x93: {  	s2 =	sld [smem:$0x3FFC];
	_ =	sdelay $0x3  }
0x94: {  	_ =	strace s2  }
0x95: {  	s2 =	sld [smem:$0x3FFD];
	_ =	sdelay $0x3  }
0x96: {  	_ =	strace s2  }
0x97: {  	_ =	strace $0x8FFFFFFF  }
0x98: {  	s18 =	sld [smem:$0x3FDB];
	_ =	sdelay $0x1  }
0x99: {  	s19 =	simm.s32 $_scs_section_size  }
0x9a: {  	s4 =	simm.s32 $_size__tile_overlayer_lowered;
	s5 =	simm.s32 $_tile_overlayer_lowered  }
0x9b: {  	s22 =	simm.s32 $0x1BFF;
	s21 =	sshll.u32 s5, $0x1;
	s2 =	sadd.s32 s19, s18  }
0x9c: {  	s6 =	simm.s32 $0x0;
	s20 =	sshll.u32 s4, $0x1;
	s4 =	sadd.s32 s21, s2  }
0x9d: {  	[timem:s6], [sflag:s22] =	dma.local [hbm:s4], s20  }
0x9e: {  	_ =	swait.ge [sflag:s22], s20  }
0x9f: {  	s3 =	ssub.s32 $0x0, s20;
	[sflag:s22] =	ssyncset.done $0x0  }
0xa0: {  	[sflag:s22] =	ssyncadd.s32 s3;
	_ =	sdelay $0x1  }
0xa1: {  	s23 =	simm.s32 $0x1B8B  }
0xa2: {  	_ =	swait.ge [sflag:s23], $0x1  }
0xa3: {  	[sflag:s23] =	ssyncset.done $0x0  }
0xa4: {  	s25 =	simm.s32 $0x1B8E;
	s24 =	sld [smem:$0x3FFE];
	[sflag:s23] =	ssyncadd.s32 $0xFFFFFFFF  }
0xa5: {  	s26 =	simm.s32 $execute0_lowered;
	[smem:$0x3FD2] =	sst s25  }
0xa6: {  	s4 =	sshll.u32 s26, $0x1;
	_ =	strace $0x80000049;
	[dreg:$0x1] =	wrdreg $0xFFFFFFFF  }
0xa7: {  	s28 =	simm.s32 $_size_execute0_lowered;
	s2 =	sadd.s32 s2, s4;
	[dreg:$0x0] =	wrdreg $0x0  }
0xa8: {  	s4 =	sshll.u32 s28, $0x1;
	[dreg:$0x2] =	wrdreg s2  }
0xa9: {  	[dreg:$0x3] =	wrdreg s4  }
0xaa: {  	[dreg:$0x4] =	wrdreg $0xC0  }
0xab: {  	_ =	task [dreg:s6], $0x5FFFF  }
0xac: {  	[dreg:$0x1] =	wrdreg $0xFFFFFFFF  }
0xad: {  	[dreg:$0x0] =	wrdreg $0x60  }
0xae: {  	[dreg:$0x2] =	wrdreg s24  }
0xaf: {  	[dreg:$0x3] =	wrdreg $0x94000  }
0xb0: {  	[dreg:$0x4] =	wrdreg $0x9  }
0xb1: {  	_ =	task.clear_ibuf [dreg:s6], $0x5FFFF;
	_ =	strace $0x90000049  }
0xb2: {  	s29 =	simm.s32 $0x9;
	_ =	strace $0x8000004B  }
0xb3: {  	_ =	swait.ge [sflag:s29], $0x1  }
0xb4: {  	[sflag:s29] =	ssyncadd.s32 $0xFFFFFFFF  }
0xb5: {  	_ =	strace $0x9000004B  }
0xb6: {  	_ =	sfence  }
0xb7: {  	s30 =	sld [smem:$0x0];
	_ =	sdelay $0x2  }
0xb8: {  	s31 =	sshll.u32 s1, $0xD;
	s1 =	sshrl.u32 s1, $0x2  }
0xb9: {  	s3 =	sand.u32 $0x4000, s31;
	s1 =	sadd.s32 s1, s30  }
0xba: {  	s0 =	sor.u32 s3, s0;
	s1 =	sshll.u32 s1, $0x11  }
0xbb: {  	s0 =	sor.u32 s1, s0  }
0xbc: {  	s0 =	sadd.s32 $0x8F2B, s0  }
0xbd: {  	[sflag:s0] =	ssyncadd.remote.s32 $0x1  }
0xbe: {  	_ =	sfence.sel $0xFFFF  }
0xbf: {  	[dreg:$0x0] =	wrdreg $0xFFFFFFFF;
	(pc) =	sbr.abs _section_cstart, $3  }
0xc0: {  	[dreg:$0x1] =	wrdreg $0xFFFFFFFF  }
0xc1: {  	_ =	task.clear_ibuf [dreg:s6], $0x2FFFF;
	_ =	strace $0x9FFFFFFF  }
0xc2: {  	(tm) =	ssettm $0x7FFFFFFF  }
0xc3: {  	_ =	shalt  }
tec
execute0_lowered:
.L_overlay_start_1:
0x0: {  	(tag) =	ssettag $0x1  }
0x1: {  	s0 =	rddreg [dreg:$0x0]  }
0x2: {  	s2 =	srdreg.scid;
	s1 =	rddreg [dreg:$0x1]  }
0x3: {  	s19 =	stileid.u32;
	s31 =	simm.s32 $0x3;
	s13 =	sand.u32 $0x1, s2  }
0x4: {  	s2 =	simm.s32 $0x0;
	s12 =	smul.u32 $0x14000, s19;
	s14 =	sadd.s32 $0x95A00, s0  }
0x5: {  	s3 =	ssub.s32 $0x2, s13;
	[smem:$0x7FF] =	sst s2;
	p0 =	seq.s32 s13, $0x0  }
0x6: {  	s15 =	smul.u32 $0x140000, s13;
	s4 =	sshrl.u32 s3, $0x1;
	s6 =	sor.u32 $0x2000, s12  }
0x7: {  	s7 =	sadd.s32 $0x4000, s12;
	s8 =	sadd.s32 $0x8000, s12;
	s9 =	sadd.s32 $0xA000, s12  }
0x8: {  	s10 =	sadd.s32 $0xC000, s12;
	s11 =	sadd.s32 $0xE000, s12;
	s5 =	sadd.s32 $0x10000, s12  }
0x9: {  	s3 =	ssub.s32 s3, s4;
	s4 =	sadd.s32 $0x6000, s12;
	s16 =	sadd.s32 s12, s15  }
0xa: {  	s12 =	sadd.s32 $0x12000, s12;
	s17 =	sadd.s32 s15, s6;
	s22 =	sadd.s32 s15, s7  }
0xb: {  	s26 =	sadd.s32 s15, s8;
	s18 =	sadd.s32 s15, s9;
	s8 =	sadd.s32 s8, s1  }
0xc: {  	s28 =	sadd.s32 s5, s1;
	s16 =	sshrl.u32 s16, $0x3;
	s21 =	sshrl.u32 s17, $0x3  }
0xd: {  	s23 =	sshrl.u32 s22, $0x3;
	s24 =	sadd.s32 s15, s4;
	s17 =	sshrl.u32 s26, $0x3  }
0xe: {  	s20 =	sshrl.u32 s18, $0x3;
	s30 =	sadd.s32 s12, s1;
	s16 =	sadd.s32 s14, s16  }
0xf: {  	s3 =	smax.u32 s3, $0x1;
	[dreg:$0x8] =	wrdreg s16;
	s16 =	sadd.s32 s14, s21  }
0x10: {  	s25 =	sshrl.u32 s24, $0x3;
	s21 =	sadd.s32 s15, s10;
	[dreg:$0x9] =	wrdreg s16  }
0x11: {  	s16 =	sadd.s32 s14, s23;
	s22 =	sshrl.u32 s21, $0x3;
	s23 =	sadd.s32 s15, s11  }
0x12: {  	[dreg:$0xa] =	wrdreg s16;
	s16 =	sadd.s32 s14, s25;
	s24 =	sshrl.u32 s23, $0x3  }
0x13: {  	s25 =	sadd.s32 s15, s5;
	s15 =	sadd.s32 s15, s12;
	s23 =	smul.u32 $0x10C00, s19  }
0x14: {  	s12 =	simm.s32 $0x100;
	[dreg:$0xb] =	wrdreg s16;
	s16 =	sadd.s32 s14, s17  }
0x15: {  	s5 =	simm.s32 $0x2;
	[dreg:$0xc] =	wrdreg s16;
	s16 =	sadd.s32 s14, s20  }
0x16: {  	s26 =	sshrl.u32 s25, $0x3;
	[dreg:$0xd] =	wrdreg s16;
	s16 =	sadd.s32 s14, s22  }
0x17: {  	s15 =	sshrl.u32 s15, $0x3;
	[dreg:$0xe] =	wrdreg s16;
	s16 =	sadd.s32 s14, s24  }
0x18: {  	s17 =	simm.s32 $0x30;
	[dreg:$0xf] =	wrdreg s16;
	s16 =	sadd.s32 s14, s26  }
0x19: {  	s25 =	smul.u32 $0x50000, s19;
	s14 =	sadd.s32 s14, s15;
	[dreg:$0x10] =	wrdreg s16  }
0x1a: {  	s17 =	simm.s32 @!p0 $0x10C;
	s22 =	simm.s32 $0x80;
	[dreg:$0x11] =	wrdreg s14  }
0x1b: {  	s24 =	simm.s32 $0x180;
	_ =	strace $0x8000004A;
	[dreg:$0x4] =	wrdreg s22  }
0x1c: {  	s15 =	sshll.u32 s13, $0x4;
	s26 =	simm.s32 $0x280;
	[dreg:$0x5] =	wrdreg s24  }
0x1d: {  	s13 =	smul.u32 $0x10C000, s13;
	s16 =	sshrl.u32 s17, $0x2;
	[dreg:$0x6] =	wrdreg s26  }
0x1e: {  	s18 =	sor.u32 s19, s15;
	s14 =	sadd.s32 $0x45000, s0;
	[dreg:$0x18] =	wrdreg s8  }
0x1f: {  	s15 =	simm.s32 $0x300;
	s20 =	ssub.s32 $0x0, s16;
	[smem:$0x7FA] =	sst s3  }
0x20: {  	s21 =	smul.u32 $0x500, s18;
	s13 =	sadd.s32 s23, s13;
	[dreg:$0x1c] =	wrdreg s28  }
0x21: {  	s24 =	sshrl.u32 s25, $0x2;
	s25 =	sadd.s32 $0x95000, s0;
	[dreg:$0x1d] =	wrdreg s30  }
0x22: {  	s16 =	sadd.s32 $0x1A00, s0;
	s26 =	sadd.s32 s6, s1;
	[dreg:$0x3] =	wrdreg s20  }
0x23: {  	s6 =	sadd.s32 s7, s1;
	s22 =	smul.u32 $0x10C00, s18;
	[dreg:$0x12] =	wrdreg s25  }
0x24: {  	s7 =	sadd.s32 s4, s1;
	s23 =	sadd.s32 s9, s1;
	[dreg:$0x15] =	wrdreg s26  }
0x25: {  	s8 =	simm.s32 $0x9;
	s9 =	simm.s32 $0x4400;
	[dreg:$0x16] =	wrdreg s6  }
0x26: {  	s3 =	simm.s32 $0x6;
	s4 =	simm.s32 $0x2400;
	[dreg:$0x17] =	wrdreg s7  }
0x27: {  	s20 =	simm.s32 $0x380;
	s29 =	sadd.s32 s24, s1;
	[dreg:$0x19] =	wrdreg s23  }
0x28: {  	s25 =	sadd.s32 s10, s1;
	s26 =	sadd.s32 s11, s1;
	[dreg:$0x7] =	wrdreg s20  }
0x29: {  	s11 =	sadd.s32 $0xFFFFFFFE, s17;
	s7 =	simm.s32 $0x400;
	[dreg:$0x1a] =	wrdreg s25  }
0x2a: {  	s10 =	simm.s32 $0x6C00;
	s6 =	simm.s32 $0x1;
	[dreg:$0x1b] =	wrdreg s26  }
0x2b: {  	s21 =	sadd.s32 s21, s0;
	s20 =	sadd.s32 $0x44A00, s0;
	[dreg:$0x1e] =	wrdreg s29  }
0x2c: {  	s0 =	sadd.s32 $0x95600, s0;
	s18 =	sshrl.u32 s22, $0x3;
	[dreg:$0x13] =	wrdreg s20  }
0x2d: {  	[dreg:$0x14] =	wrdreg s0;
	s19 =	sadd.s32 s16, s18;
	s20 =	sadd.s32 $0xE5A00, s21  }
0x2e: {  	s0 =	sadd.s32 $0xFFFFFFFF, s17;
	s21 =	sor.u32 $0x300, s13;
	[smem:$0x7F9] =	sst s20  }
0x2f: {  	s13 =	simm.s32 $0x200;
	s17 =	simm.s32 $0x5;
	[smem:$0x7FB] =	sst s21  }
0x30: {  	s18 =	simm.s32 $0x40;
	[dreg:$0x1f] =	wrdreg s19;
	s24 =	sadd.s32 $0x20, s19  }
0x31: {  	s19 =	simm.s32 $0x7;
	[smem:$0x7FC] =	sst s24;
	s24 =	simm.s32 $0x0  }
0x32: {  	s20 =	simm.s32 $0x4;
	s21 =	simm.s32 $0x8;
	[smem:$0x7FD] =	sst s24  }
.LBB2_1:
0x33: {  	s24 =	rddreg [dreg:$0x14]  }
0x34: {  	[tilespmem:s7], [sflag:$0x9] =	stream.linear.gather [hbm4b:s24+s2], $0x2000, $0x38;
	[tilespmem:$0x1D400] =	vst v63  }
0x35: {  	_ =	swait.ge [sflag:s8], $0x2000  }
0x36: {  	[sflag:s8] =	ssyncset.done $0x0  }
0x37: {  	[sflag:s8] =	ssyncadd.s32 $0xFFFFE000  }
0x38: {  	[spmem:s29] =	stream.linear.scatter [tilespmem:s7], [sflag:$0x9], $0x2000, $0x38;
	[tilespmem:$0x1D400] =	vst v63  }
0x39: {  	s24 =	rddreg [dreg:$0x18];
	_ =	swait.ge [sflag:s8], $0x2000  }
0x3a: {  	[sflag:s8] =	ssyncset.done $0x0  }
0x3b: {  	s29 =	rddreg [dreg:$0x15];
	[sflag:s8] =	ssyncadd.s32 $0xFFFFE000  }
0x3c: {  	[spmem:s29] =	stream.linear.scatter [tilespmem:s7], [sflag:$0x9], $0x2000, $0x38;
	[tilespmem:$0x1D400] =	vst v63  }
0x3d: {  	_ =	swait.ge [sflag:s8], $0x2000  }
0x3e: {  	[sflag:s8] =	ssyncset.done $0x0  }
0x3f: {  	s29 =	rddreg [dreg:$0x16];
	[sflag:s8] =	ssyncadd.s32 $0xFFFFE000  }
0x40: {  	[spmem:s29] =	stream.linear.scatter [tilespmem:s7], [sflag:$0x9], $0x2000, $0x38;
	[tilespmem:$0x1D400] =	vst v63  }
0x41: {  	_ =	swait.ge [sflag:s8], $0x2000  }
0x42: {  	[sflag:s8] =	ssyncset.done $0x0  }
0x43: {  	s29 =	rddreg [dreg:$0x17];
	[sflag:s8] =	ssyncadd.s32 $0xFFFFE000  }
0x44: {  	[spmem:s29] =	stream.linear.scatter [tilespmem:s7], [sflag:$0x9], $0x2000, $0x38;
	[tilespmem:$0x1D400] =	vst v63  }
0x45: {  	_ =	swait.ge [sflag:s8], $0x2000  }
0x46: {  	[sflag:s8] =	ssyncset.done $0x0  }
0x47: {  	[sflag:s8] =	ssyncadd.s32 $0xFFFFE000  }
0x48: {  	[spmem:s24] =	stream.linear.scatter [tilespmem:s7], [sflag:$0x9], $0x2000, $0x38;
	[tilespmem:$0x1D400] =	vst v63  }
0x49: {  	_ =	swait.ge [sflag:s8], $0x2000  }
0x4a: {  	[sflag:s8] =	ssyncset.done $0x0  }
0x4b: {  	[sflag:s8] =	ssyncadd.s32 $0xFFFFE000  }
0x4c: {  	[spmem:s23] =	stream.linear.scatter [tilespmem:s7], [sflag:$0x9], $0x2000, $0x38;
	[tilespmem:$0x1D400] =	vst v63  }
0x4d: {  	_ =	swait.ge [sflag:s8], $0x2000  }
0x4e: {  	[sflag:s8] =	ssyncset.done $0x0  }
0x4f: {  	[sflag:s8] =	ssyncadd.s32 $0xFFFFE000  }
0x50: {  	[spmem:s25] =	stream.linear.scatter [tilespmem:s7], [sflag:$0x9], $0x2000, $0x38;
	[tilespmem:$0x1D400] =	vst v63  }
0x51: {  	_ =	swait.ge [sflag:s8], $0x2000  }
0x52: {  	[sflag:s8] =	ssyncset.done $0x0  }
0x53: {  	[sflag:s8] =	ssyncadd.s32 $0xFFFFE000  }
0x54: {  	[spmem:s26] =	stream.linear.scatter [tilespmem:s7], [sflag:$0x9], $0x2000, $0x38;
	[tilespmem:$0x1D400] =	vst v63  }
0x55: {  	_ =	swait.ge [sflag:s8], $0x2000  }
0x56: {  	[sflag:s8] =	ssyncset.done $0x0  }
0x57: {  	[sflag:s8] =	ssyncadd.s32 $0xFFFFE000  }
0x58: {  	[spmem:s28] =	stream.linear.scatter [tilespmem:s7], [sflag:$0x9], $0x2000, $0x38;
	[tilespmem:$0x1D400] =	vst v63  }
0x59: {  	_ =	swait.ge [sflag:s8], $0x2000  }
0x5a: {  	[sflag:s8] =	ssyncset.done $0x0  }
0x5b: {  	[sflag:s8] =	ssyncadd.s32 $0xFFFFE000  }
0x5c: {  	[spmem:s30] =	stream.linear.scatter [tilespmem:s7], [sflag:$0x9], $0x2000, $0x38;
	[tilespmem:$0x1D400] =	vst v63  }
0x5d: {  	_ =	swait.ge [sflag:s8], $0x2000  }
0x5e: {  	[sflag:s8] =	ssyncset.done $0x0  }
0x5f: {  	s26 =	rddreg [dreg:$0x12];
	[sflag:s8] =	ssyncadd.s32 $0xFFFFE000  }
0x60: {  	[tilespmem:s9], [sflag:$0x9] =	stream.linear.gather [hbm4b:s26+s2], $0x2800, $0x38;
	[tilespmem:$0x1D400] =	vst v63  }
0x61: {  	_ =	swait.ge [sflag:s8], $0x2800  }
0x62: {  	[sflag:s8] =	ssyncset.done $0x0  }
0x63: {  	s28 =	rddreg [dreg:$0x13];
	[sflag:s8] =	ssyncadd.s32 $0xFFFFD800  }
0x64: {  	[tilespmem:s10], [sflag:$0x9] =	stream.linear.gather [hbm4b:s28+s2], $0x2800, $0x38;
	[tilespmem:$0x1D400] =	vst v63  }
0x65: {  	_ =	swait.ge [sflag:s8], $0x2800  }
0x66: {  	[sflag:s8] =	ssyncset.done $0x0  }
0x67: {  	[sflag:s8] =	ssyncadd.s32 $0xFFFFD800  }
0x68: {  	[bflag:$0x0] =	sbarrier.arrive $0xFFFF  }
0x69: {  	s29 =	rddreg [dreg:$0x1f]  }
0x6a: {  	s30 =	sld [smem:$0x7FC]  }
0x6b: {  	[tilespmem:s2], [sflag:$0x5] =	stream.linear.gather [hbm4b:s29+s2], $0x100, $0x38;
	[tilespmem:$0x1D400] =	vst v63  }
0x6c: {  	s24 =	simm.s32 $0x4;
	s26 =	simm.s32 $0x0;
	s25 =	sld [smem:$0x7FB]  }
0x6d: {  	[tilespmem:s12], [sflag:$0x6] =	stream.linear.gather [hbm4b:s30+s2], $0x100, $0x38;
	[tilespmem:$0x1D400] =	vst v63  }
.LBB2_2:
0x6e: {  	p0 =	seq.s32 s26, $0x0  }
0x6f: {  	s28 =	simm.s32 @!p0 $0x3  }
0x70: {  	_ =	swait.ge @!p0 [sflag:s28], $0x2000  }
0x71: {  	[sflag:s28] =	ssyncset.done @!p0 $0x0  }
0x72: {  	[sflag:s28] =	ssyncadd.s32 @!p0 $0xFFFFE000;
	s28 =	simm.s32 @!p0 $0x4  }
0x73: {  	s29 =	sadd.s32 $0xFFFFFF00, s25;
	_ =	swait.ge @!p0 [sflag:s28], $0x2000  }
0x74: {  	s29 =	sshrl.u32 s29, $0x3;
	[sflag:s28] =	ssyncset.done @!p0 $0x0  }
0x75: {  	s23 =	sshrl.u32 s25, $0x3;
	s30 =	sadd.s32 s16, s29;
	[sflag:s28] =	ssyncadd.s32 @!p0 $0xFFFFE000  }
0x76: {  	[tilespmem:s13], [sflag:$0x7] =	stream.linear.gather [hbm4b:s30+s2], $0x100, $0x38;
	[tilespmem:$0x1D400] =	vst v63  }
0x77: {  	s28 =	sadd.s32 s16, s23  }
0x78: {  	[tilespmem:s15], [sflag:$0x8] =	stream.linear.gather [hbm4b:s28+s2], $0x100, $0x38;
	[tilespmem:$0x1D400] =	vst v63  }
0x79: {  	_ =	swait.ge [sflag:s17], $0x100  }
0x7a: {  	[sflag:s17] =	ssyncset.done $0x0  }
0x7b: {  	[sflag:s17] =	ssyncadd.s32 $0xFFFFFF00  }
0x7c: {  	[tilespmem:s7], [sflag:$0x1] =	stream.indirect.gather [hbm4b:s14+s18], $0x80, s2, s18, $0xb8;
	[tilespmem:$0x1D400] =	vst v63  }
0x7d: {  	_ =	swait.ge [sflag:s3], $0x100  }
0x7e: {  	[sflag:s3] =	ssyncset.done $0x0  }
0x7f: {  	[sflag:s3] =	ssyncadd.s32 $0xFFFFFF00  }
0x80: {  	[tilespmem:s4], [sflag:$0x2] =	stream.indirect.gather [hbm4b:s14+s18], $0x80, s12, s18, $0xb8;
	[tilespmem:$0x1D400] =	vst v63  }
0x81: {  	_ =	swait.ge [sflag:s6], $0x2000  }
0x82: {  	[sflag:s6] =	ssyncset.done $0x0  }
0x83: {  	s29 =	rddreg [dreg:$0x4];
	[sflag:s6] =	ssyncadd.s32 $0xFFFFE000  }
0x84: {  	[spmem:s1] =	stream.indirect.scatter.add.f32 [tilespmem:s7], [sflag:$0x3], $0x80, s29, s18, $0xb8;
	[tilespmem:$0x1D400] =	vst v63  }
0x85: {  	v0 =	vld [tilespmem:$0x80];
	_ =	sdelay $0x4  }
0x86: {  	v1 =	vld [tilespmem:$0x0];
	_ =	sdelay $0x2  }
0x87: {  	v0 =	vld.idx.msk [tilespmem:v0+s9+$0x0], $0xffff;
	_ =	sdelay $0x4  }
0x88: {  	[tilespmem:v1+s10+$0x0] =	vst.idx.add.f32.msk $0xffff, v0  }
0x89: {  	v0 =	vld [tilespmem:$0x90];
	_ =	sdelay $0x4  }
0x8a: {  	v1 =	vld [tilespmem:$0x10];
	_ =	sdelay $0x2  }
0x8b: {  	v0 =	vld.idx.msk [tilespmem:v0+s9+$0x0], $0xffff;
	_ =	sdelay $0x4  }
0x8c: {  	[tilespmem:v1+s10+$0x0] =	vst.idx.add.f32.msk $0xffff, v0  }
0x8d: {  	v0 =	vld [tilespmem:$0xA0];
	_ =	sdelay $0x4  }
0x8e: {  	v1 =	vld [tilespmem:$0x20];
	_ =	sdelay $0x2  }
0x8f: {  	v0 =	vld.idx.msk [tilespmem:v0+s9+$0x0], $0xffff;
	_ =	sdelay $0x4  }
0x90: {  	[tilespmem:v1+s10+$0x0] =	vst.idx.add.f32.msk $0xffff, v0  }
0x91: {  	v0 =	vld [tilespmem:$0xB0];
	_ =	sdelay $0x4  }
0x92: {  	v1 =	vld [tilespmem:$0x30];
	_ =	sdelay $0x2  }
0x93: {  	v0 =	vld.idx.msk [tilespmem:v0+s9+$0x0], $0xffff;
	_ =	sdelay $0x4  }
0x94: {  	[tilespmem:v1+s10+$0x0] =	vst.idx.add.f32.msk $0xffff, v0  }
0x95: {  	_ =	swait.ge [sflag:s5], $0x2000  }
0x96: {  	[sflag:s5] =	ssyncset.done $0x0  }
0x97: {  	s30 =	rddreg [dreg:$0x5];
	[sflag:s5] =	ssyncadd.s32 $0xFFFFE000  }
0x98: {  	[spmem:s1] =	stream.indirect.scatter.add.f32 [tilespmem:s4], [sflag:$0x4], $0x80, s30, s18, $0xb8;
	[tilespmem:$0x1D400] =	vst v63  }
0x99: {  	v58 =	vld [tilespmem:$0x180];
	_ =	sdelay $0x4  }
0x9a: {  	v59 =	vld [tilespmem:$0x100];
	_ =	sdelay $0x2  }
0x9b: {  	v0 =	vld.idx.msk [tilespmem:v58+s9+$0x0], $0xffff;
	_ =	sdelay $0x4  }
0x9c: {  	[tilespmem:v59+s10+$0x0] =	vst.idx.add.f32.msk $0xffff, v0  }
0x9d: {  	v0 =	vld [tilespmem:$0x190];
	_ =	sdelay $0x4  }
0x9e: {  	v1 =	vld [tilespmem:$0x110];
	_ =	sdelay $0x2  }
0x9f: {  	v0 =	vld.idx.msk [tilespmem:v0+s9+$0x0], $0xffff;
	_ =	sdelay $0x4  }
0xa0: {  	[tilespmem:v1+s10+$0x0] =	vst.idx.add.f32.msk $0xffff, v0  }
0xa1: {  	v0 =	vld [tilespmem:$0x1A0];
	_ =	sdelay $0x4  }
0xa2: {  	v1 =	vld [tilespmem:$0x120];
	_ =	sdelay $0x2  }
0xa3: {  	v0 =	vld.idx.msk [tilespmem:v0+s9+$0x0], $0xffff;
	_ =	sdelay $0x4  }
0xa4: {  	[tilespmem:v1+s10+$0x0] =	vst.idx.add.f32.msk $0xffff, v0  }
0xa5: {  	v0 =	vld [tilespmem:$0x1B0];
	_ =	sdelay $0x4  }
0xa6: {  	v1 =	vld [tilespmem:$0x130];
	_ =	sdelay $0x2  }
0xa7: {  	v0 =	vld.idx.msk [tilespmem:v0+s9+$0x0], $0xffff;
	_ =	sdelay $0x2  }
0xa8: {  	p0 =	slt.s32 s24, s11;
	s28 =	smov.u32 s11  }
0xa9: {  	s28 =	smov.u32 @p0 s24  }
0xaa: {  	s28 =	sshll.u32 s28, $0x8;
	[tilespmem:v1+s10+$0x0] =	vst.idx.add.f32.msk $0xffff, v0  }
0xab: {  	s28 =	sadd.s32 s22, s28;
	_ =	swait.ge [sflag:s31], $0x2000  }
0xac: {  	s28 =	sshrl.u32 s28, $0x3;
	[sflag:s31] =	ssyncset.done $0x0  }
0xad: {  	s28 =	sadd.s32 s16, s28;
	[sflag:s31] =	ssyncadd.s32 $0xFFFFE000  }
0xae: {  	[tilespmem:s2], [sflag:$0x5] =	stream.linear.gather [hbm4b:s28+s2], $0x100, $0x38;
	[tilespmem:$0x1D400] =	vst v63  }
0xaf: {  	s28 =	sadd.s32 $0x1, s24  }
0xb0: {  	s29 =	smov.u32 s0;
	_ =	swait.ge [sflag:s19], $0x100;
	p0 =	slt.s32 s28, s0  }
0xb1: {  	[sflag:s19] =	ssyncset.done $0x0;
	s29 =	smov.u32 @p0 s28  }
0xb2: {  	[sflag:s19] =	ssyncadd.s32 $0xFFFFFF00;
	s28 =	sshll.u32 s29, $0x8  }
0xb3: {  	[tilespmem:s7], [sflag:$0x1] =	stream.indirect.gather [hbm4b:s14+s18], $0x80, s13, s18, $0xb8;
	[tilespmem:$0x1D400] =	vst v63  }
0xb4: {  	s28 =	sadd.s32 s22, s28;
	_ =	swait.ge [sflag:s20], $0x2000  }
0xb5: {  	s28 =	sshrl.u32 s28, $0x3;
	[sflag:s20] =	ssyncset.done $0x0  }
0xb6: {  	s28 =	sadd.s32 s16, s28;
	[sflag:s20] =	ssyncadd.s32 $0xFFFFE000  }
0xb7: {  	[tilespmem:s12], [sflag:$0x6] =	stream.linear.gather [hbm4b:s28+s2], $0x100, $0x38;
	[tilespmem:$0x1D400] =	vst v63  }
0xb8: {  	_ =	swait.ge [sflag:s21], $0x100  }
0xb9: {  	[sflag:s21] =	ssyncset.done $0x0  }
0xba: {  	[sflag:s21] =	ssyncadd.s32 $0xFFFFFF00  }
0xbb: {  	[tilespmem:s4], [sflag:$0x2] =	stream.indirect.gather [hbm4b:s14+s18], $0x80, s15, s18, $0xb8;
	[tilespmem:$0x1D400] =	vst v63  }
0xbc: {  	_ =	swait.ge [sflag:s6], $0x2000  }
0xbd: {  	[sflag:s6] =	ssyncset.done $0x0  }
0xbe: {  	s23 =	rddreg [dreg:$0x6];
	[sflag:s6] =	ssyncadd.s32 $0xFFFFE000  }
0xbf: {  	[spmem:s1] =	stream.indirect.scatter.add.f32 [tilespmem:s7], [sflag:$0x3], $0x80, s23, s18, $0xb8;
	[tilespmem:$0x1D400] =	vst v63  }
0xc0: {  	v60 =	vld [tilespmem:$0x280];
	_ =	sdelay $0x4  }
0xc1: {  	v61 =	vld [tilespmem:$0x200];
	_ =	sdelay $0x2  }
0xc2: {  	v0 =	vld.idx.msk [tilespmem:v60+s9+$0x0], $0xffff;
	_ =	sdelay $0x4  }
0xc3: {  	[tilespmem:v61+s10+$0x0] =	vst.idx.add.f32.msk $0xffff, v0  }
0xc4: {  	v0 =	vld [tilespmem:$0x290];
	_ =	sdelay $0x4  }
0xc5: {  	v1 =	vld [tilespmem:$0x210];
	_ =	sdelay $0x2  }
0xc6: {  	v0 =	vld.idx.msk [tilespmem:v0+s9+$0x0], $0xffff;
	_ =	sdelay $0x4  }
0xc7: {  	[tilespmem:v1+s10+$0x0] =	vst.idx.add.f32.msk $0xffff, v0  }
0xc8: {  	v0 =	vld [tilespmem:$0x2A0];
	_ =	sdelay $0x4  }
0xc9: {  	v1 =	vld [tilespmem:$0x220];
	_ =	sdelay $0x2  }
0xca: {  	v0 =	vld.idx.msk [tilespmem:v0+s9+$0x0], $0xffff;
	_ =	sdelay $0x4  }
0xcb: {  	[tilespmem:v1+s10+$0x0] =	vst.idx.add.f32.msk $0xffff, v0  }
0xcc: {  	v0 =	vld [tilespmem:$0x2B0];
	_ =	sdelay $0x4  }
0xcd: {  	v1 =	vld [tilespmem:$0x230];
	_ =	sdelay $0x2  }
0xce: {  	v0 =	vld.idx.msk [tilespmem:v0+s9+$0x0], $0xffff;
	_ =	sdelay $0x4  }
0xcf: {  	[tilespmem:v1+s10+$0x0] =	vst.idx.add.f32.msk $0xffff, v0  }
0xd0: {  	_ =	swait.ge [sflag:s5], $0x2000  }
0xd1: {  	[sflag:s5] =	ssyncset.done $0x0  }
0xd2: {  	s29 =	rddreg [dreg:$0x7];
	[sflag:s5] =	ssyncadd.s32 $0xFFFFE000  }
0xd3: {  	[spmem:s1] =	stream.indirect.scatter.add.f32 [tilespmem:s4], [sflag:$0x4], $0x80, s29, s18, $0xb8;
	[tilespmem:$0x1D400] =	vst v63  }
0xd4: {  	v62 =	vld [tilespmem:$0x380];
	_ =	sdelay $0x4  }
0xd5: {  	v63 =	vld [tilespmem:$0x300];
	_ =	sdelay $0x2  }
0xd6: {  	v0 =	vld.idx.msk [tilespmem:v62+s9+$0x0], $0xffff;
	_ =	sdelay $0x4  }
0xd7: {  	[tilespmem:v63+s10+$0x0] =	vst.idx.add.f32.msk $0xffff, v0  }
0xd8: {  	v0 =	vld [tilespmem:$0x390];
	_ =	sdelay $0x4  }
0xd9: {  	v1 =	vld [tilespmem:$0x310];
	_ =	sdelay $0x2  }
0xda: {  	v0 =	vld.idx.msk [tilespmem:v0+s9+$0x0], $0xffff;
	_ =	sdelay $0x4  }
0xdb: {  	[tilespmem:v1+s10+$0x0] =	vst.idx.add.f32.msk $0xffff, v0  }
0xdc: {  	v0 =	vld [tilespmem:$0x3A0];
	_ =	sdelay $0x4  }
0xdd: {  	v1 =	vld [tilespmem:$0x320];
	_ =	sdelay $0x2  }
0xde: {  	v0 =	vld.idx.msk [tilespmem:v0+s9+$0x0], $0xffff;
	_ =	sdelay $0x4  }
0xdf: {  	[tilespmem:v1+s10+$0x0] =	vst.idx.add.f32.msk $0xffff, v0  }
0xe0: {  	v0 =	vld [tilespmem:$0x3B0];
	_ =	sdelay $0x4  }
0xe1: {  	v1 =	vld [tilespmem:$0x330];
	_ =	sdelay $0x1  }
0xe2: {  	s26 =	sadd.s32 $0xFFFFFFFF, s26;
	s30 =	rddreg [dreg:$0x3]  }
0xe3: {  	p0 =	sne.s32 s30, s26;
	v0 =	vld.idx.msk [tilespmem:v0+s9+$0x0], $0xffff  }
.Ltmp0:
0xe4: {  	_ = 	snop;
	(pc) =	sbr.rel @p0 .LBB2_2-.Ltmp0, $2  }
0xe5: {  	_ =	sdelay $0x2  }
0xe6: {  	s25 =	sadd.s32 $0x400, s25;
	s24 =	sadd.s32 $0x4, s24;
	[tilespmem:v1+s10+$0x0] =	vst.idx.add.f32.msk $0xffff, v0  }
0xe7: {  	_ =	swait.ge [sflag:s31], $0x2000  }
0xe8: {  	[sflag:s31] =	ssyncset.done $0x0  }
0xe9: {  	[sflag:s31] =	ssyncadd.s32 $0xFFFFE000  }
0xea: {  	_ =	swait.ge [sflag:s20], $0x2000  }
0xeb: {  	[sflag:s20] =	ssyncset.done $0x0  }
0xec: {  	[sflag:s20] =	ssyncadd.s32 $0xFFFFE000  }
0xed: {  	_ =	swait.ge [sflag:s17], $0x100  }
0xee: {  	[sflag:s17] =	ssyncset.done $0x0  }
0xef: {  	[sflag:s17] =	ssyncadd.s32 $0xFFFFFF00  }
0xf0: {  	_ =	swait.ge [sflag:s3], $0x100  }
0xf1: {  	[sflag:s3] =	ssyncset.done $0x0  }
0xf2: {  	[sflag:s3] =	ssyncadd.s32 $0xFFFFFF00  }
0xf3: {  	[bflag:$0x0] =	sbarrier.arrive $0xFFFF  }
0xf4: {  	s23 =	rddreg [dreg:$0x1e]  }
0xf5: {  	[tilespmem:s7], [sflag:$0x9] =	stream.linear.gather [spmem:s23], $0x2000, $0x38;
	[tilespmem:$0x1D400] =	vst v63  }
0xf6: {  	_ =	swait.ge [sflag:s8], $0x2000  }
0xf7: {  	[sflag:s8] =	ssyncset.done $0x0  }
0xf8: {  	s24 =	rddreg [dreg:$0x8];
	[sflag:s8] =	ssyncadd.s32 $0xFFFFE000  }
0xf9: {  	[hbm4b:s24+s2] =	stream.linear.scatter [tilespmem:s7], [sflag:$0x9], $0x2000, $0x38;
	[tilespmem:$0x1D400] =	vst v63  }
0xfa: {  	_ =	swait.ge [sflag:s8], $0x2000  }
0xfb: {  	[sflag:s8] =	ssyncset.done $0x0  }
0xfc: {  	s24 =	rddreg [dreg:$0x15];
	[sflag:s8] =	ssyncadd.s32 $0xFFFFE000  }
0xfd: {  	[tilespmem:s7], [sflag:$0x9] =	stream.linear.gather [spmem:s24], $0x2000, $0x38;
	[tilespmem:$0x1D400] =	vst v63  }
0xfe: {  	_ =	swait.ge [sflag:s8], $0x2000  }
0xff: {  	[sflag:s8] =	ssyncset.done $0x0  }
0x100: {  	s25 =	rddreg [dreg:$0x9];
	[sflag:s8] =	ssyncadd.s32 $0xFFFFE000  }
0x101: {  	[hbm4b:s25+s2] =	stream.linear.scatter [tilespmem:s7], [sflag:$0x9], $0x2000, $0x38;
	[tilespmem:$0x1D400] =	vst v63  }
0x102: {  	_ =	swait.ge [sflag:s8], $0x2000  }
0x103: {  	[sflag:s8] =	ssyncset.done $0x0  }
0x104: {  	s26 =	rddreg [dreg:$0x16];
	[sflag:s8] =	ssyncadd.s32 $0xFFFFE000  }
0x105: {  	[tilespmem:s7], [sflag:$0x9] =	stream.linear.gather [spmem:s26], $0x2000, $0x38;
	[tilespmem:$0x1D400] =	vst v63  }
0x106: {  	_ =	swait.ge [sflag:s8], $0x2000  }
0x107: {  	[sflag:s8] =	ssyncset.done $0x0  }
0x108: {  	s23 =	rddreg [dreg:$0xa];
	[sflag:s8] =	ssyncadd.s32 $0xFFFFE000  }
0x109: {  	[hbm4b:s23+s2] =	stream.linear.scatter [tilespmem:s7], [sflag:$0x9], $0x2000, $0x38;
	[tilespmem:$0x1D400] =	vst v63  }
0x10a: {  	_ =	swait.ge [sflag:s8], $0x2000  }
0x10b: {  	[sflag:s8] =	ssyncset.done $0x0  }
0x10c: {  	s24 =	rddreg [dreg:$0x17];
	[sflag:s8] =	ssyncadd.s32 $0xFFFFE000  }
0x10d: {  	[tilespmem:s7], [sflag:$0x9] =	stream.linear.gather [spmem:s24], $0x2000, $0x38;
	[tilespmem:$0x1D400] =	vst v63  }
0x10e: {  	_ =	swait.ge [sflag:s8], $0x2000  }
0x10f: {  	[sflag:s8] =	ssyncset.done $0x0  }
0x110: {  	s25 =	rddreg [dreg:$0xb];
	[sflag:s8] =	ssyncadd.s32 $0xFFFFE000  }
0x111: {  	[hbm4b:s25+s2] =	stream.linear.scatter [tilespmem:s7], [sflag:$0x9], $0x2000, $0x38;
	[tilespmem:$0x1D400] =	vst v63  }
0x112: {  	_ =	swait.ge [sflag:s8], $0x2000  }
0x113: {  	[sflag:s8] =	ssyncset.done $0x0  }
0x114: {  	s26 =	rddreg [dreg:$0x18];
	[sflag:s8] =	ssyncadd.s32 $0xFFFFE000  }
0x115: {  	[tilespmem:s7], [sflag:$0x9] =	stream.linear.gather [spmem:s26], $0x2000, $0x38;
	[tilespmem:$0x1D400] =	vst v63  }
0x116: {  	_ =	swait.ge [sflag:s8], $0x2000  }
0x117: {  	[sflag:s8] =	ssyncset.done $0x0  }
0x118: {  	s23 =	rddreg [dreg:$0xc];
	[sflag:s8] =	ssyncadd.s32 $0xFFFFE000  }
0x119: {  	[hbm4b:s23+s2] =	stream.linear.scatter [tilespmem:s7], [sflag:$0x9], $0x2000, $0x38;
	[tilespmem:$0x1D400] =	vst v63  }
0x11a: {  	_ =	swait.ge [sflag:s8], $0x2000  }
0x11b: {  	[sflag:s8] =	ssyncset.done $0x0  }
0x11c: {  	s23 =	rddreg [dreg:$0x19];
	[sflag:s8] =	ssyncadd.s32 $0xFFFFE000  }
0x11d: {  	[tilespmem:s7], [sflag:$0x9] =	stream.linear.gather [spmem:s23], $0x2000, $0x38;
	[tilespmem:$0x1D400] =	vst v63  }
0x11e: {  	_ =	swait.ge [sflag:s8], $0x2000  }
0x11f: {  	[sflag:s8] =	ssyncset.done $0x0  }
0x120: {  	s25 =	rddreg [dreg:$0xd];
	[sflag:s8] =	ssyncadd.s32 $0xFFFFE000  }
0x121: {  	[hbm4b:s25+s2] =	stream.linear.scatter [tilespmem:s7], [sflag:$0x9], $0x2000, $0x38;
	[tilespmem:$0x1D400] =	vst v63  }
0x122: {  	_ =	swait.ge [sflag:s8], $0x2000  }
0x123: {  	[sflag:s8] =	ssyncset.done $0x0  }
0x124: {  	s25 =	rddreg [dreg:$0x1a];
	[sflag:s8] =	ssyncadd.s32 $0xFFFFE000  }
0x125: {  	[tilespmem:s7], [sflag:$0x9] =	stream.linear.gather [spmem:s25], $0x2000, $0x38;
	[tilespmem:$0x1D400] =	vst v63  }
0x126: {  	_ =	swait.ge [sflag:s8], $0x2000  }
0x127: {  	[sflag:s8] =	ssyncset.done $0x0  }
0x128: {  	s26 =	rddreg [dreg:$0xe];
	[sflag:s8] =	ssyncadd.s32 $0xFFFFE000  }
0x129: {  	[hbm4b:s26+s2] =	stream.linear.scatter [tilespmem:s7], [sflag:$0x9], $0x2000, $0x38;
	[tilespmem:$0x1D400] =	vst v63  }
0x12a: {  	_ =	swait.ge [sflag:s8], $0x2000  }
0x12b: {  	[sflag:s8] =	ssyncset.done $0x0  }
0x12c: {  	s26 =	rddreg [dreg:$0x1b];
	[sflag:s8] =	ssyncadd.s32 $0xFFFFE000  }
0x12d: {  	[tilespmem:s7], [sflag:$0x9] =	stream.linear.gather [spmem:s26], $0x2000, $0x38;
	[tilespmem:$0x1D400] =	vst v63  }
0x12e: {  	_ =	swait.ge [sflag:s8], $0x2000  }
0x12f: {  	[sflag:s8] =	ssyncset.done $0x0  }
0x130: {  	s24 =	rddreg [dreg:$0xf];
	[sflag:s8] =	ssyncadd.s32 $0xFFFFE000  }
0x131: {  	[hbm4b:s24+s2] =	stream.linear.scatter [tilespmem:s7], [sflag:$0x9], $0x2000, $0x38;
	[tilespmem:$0x1D400] =	vst v63  }
0x132: {  	_ =	swait.ge [sflag:s8], $0x2000  }
0x133: {  	[sflag:s8] =	ssyncset.done $0x0  }
0x134: {  	s28 =	rddreg [dreg:$0x1c];
	[sflag:s8] =	ssyncadd.s32 $0xFFFFE000  }
0x135: {  	[tilespmem:s7], [sflag:$0x9] =	stream.linear.gather [spmem:s28], $0x2000, $0x38;
	[tilespmem:$0x1D400] =	vst v63  }
0x136: {  	_ =	swait.ge [sflag:s8], $0x2000  }
0x137: {  	[sflag:s8] =	ssyncset.done $0x0  }
0x138: {  	s24 =	rddreg [dreg:$0x10];
	[sflag:s8] =	ssyncadd.s32 $0xFFFFE000  }
0x139: {  	[hbm4b:s24+s2] =	stream.linear.scatter [tilespmem:s7], [sflag:$0x9], $0x2000, $0x38;
	[tilespmem:$0x1D400] =	vst v63  }
0x13a: {  	_ =	swait.ge [sflag:s8], $0x2000  }
0x13b: {  	[sflag:s8] =	ssyncset.done $0x0  }
0x13c: {  	s30 =	rddreg [dreg:$0x1d];
	[sflag:s8] =	ssyncadd.s32 $0xFFFFE000  }
0x13d: {  	[tilespmem:s7], [sflag:$0x9] =	stream.linear.gather [spmem:s30], $0x2000, $0x38;
	[tilespmem:$0x1D400] =	vst v63  }
0x13e: {  	_ =	swait.ge [sflag:s8], $0x2000  }
0x13f: {  	[sflag:s8] =	ssyncset.done $0x0  }
0x140: {  	s24 =	rddreg [dreg:$0x11];
	[sflag:s8] =	ssyncadd.s32 $0xFFFFE000  }
0x141: {  	[hbm4b:s24+s2] =	stream.linear.scatter [tilespmem:s7], [sflag:$0x9], $0x2000, $0x38;
	[tilespmem:$0x1D400] =	vst v63  }
0x142: {  	_ =	swait.ge [sflag:s8], $0x2000  }
0x143: {  	s24 =	sld [smem:$0x7F9]  }
0x144: {  	[sflag:s8] =	ssyncset.done $0x0  }
0x145: {  	[sflag:s8] =	ssyncadd.s32 $0xFFFFE000  }
0x146: {  	[hbm4b:s24+s2] =	stream.linear.scatter [tilespmem:s10], [sflag:$0x9], $0x2800, $0x38;
	[tilespmem:$0x1D400] =	vst v63  }
0x147: {  	_ =	swait.ge [sflag:s8], $0x2800  }
0x148: {  	s29 =	sld [smem:$0x7FD]  }
0x149: {  	s24 =	sld [smem:$0x7FA];
	_ =	sdelay $0x1  }
0x14a: {  	s29 =	sadd.s32 $0x1, s29  }
0x14b: {  	p0 =	sne.s32 s29, s24  }
.Ltmp1:
0x14c: {  	_ = 	snop;
	(pc) =	sbr.rel @p0 .LBB2_1-.Ltmp1, $3  }
0x14d: {  	_ =	sdelay $0x1  }
0x14e: {  	[sflag:s8] =	ssyncset.done $0x0;
	[smem:$0x7FD] =	sst s29  }
0x14f: {  	[sflag:s8] =	ssyncadd.s32 $0xFFFFD800;
	s29 =	rddreg [dreg:$0x1e]  }
0x150: {  	_ =	sfence.sel $0x180000  }
0x151: {  	[bflag:$0x0] =	sbarrier.arrive $0xFFFF  }
0x152: {  	_ =	strace $0x9000004A  }
0x153: {  	s0 =	stileid.u32;
	[bflag:$0x2] =	sbarrier.arrive $0xFFFF  }
0x154: {  	p0 =	sne.s32 s0, $0x0;
	s0 =	rddreg [dreg:$0x2]  }
0x155: {  	s0 =	sadd.s32 @!p0 $0x100000, s0  }
0x156: {  	[sflag:s0] =	ssyncadd.tile.s32 @!p0 $0x1;
	_ =	shalt  }
.Lfunc_end2:
_tile_overlayer_lowered:
.L_overlay_start_2:
0x157: {  	(tag) =	ssettag $0x2  }
0x158: {  	s0 =	rddreg [dreg:$0x0];
	s2 =	stileid.u32  }
0x159: {  	s1 =	rddreg [dreg:$0x1];
	p0 =	sne.s32 s2, $0x0  }
0x15a: {  	s3 =	rddreg [dreg:$0x2];
	[bflag:$0x3] =	sbarrier.arrive $0xFFFF;
	s2 =	simm.s32 @!p0 $0x1C09  }
0x15b: {  	[timem:s3], [sflag:s2] =	dma.local @!p0 [hbm:s0], s1  }
0x15c: {  	s0 =	simm.s32 @!p0 $0x9  }
0x15d: {  	_ =	swait.ge @!p0 [sflag:s0], s1  }
0x15e: {  	s1 =	ssub.s32 @!p0 $0x0, s1;
	[sflag:s0] =	ssyncset.done @!p0 $0x0  }
0x15f: {  	[sflag:s0] =	ssyncadd.s32 @!p0 s1  }
0x160: {  	[bflag:$0x3] =	sbarrier.arrive $0xFFFF  }
0x161: {  	_ =	shalt  }

</sc_bundles>
